<compile_context>
chip_gen: v7x
topology: tpu7x:2x2x1
jax: 0.10.2.dev20260603
libtpu: 0.0.44.dev20260713+nightly
codegen_flags: <defaults>
</compile_context>

<pallas_src>
import functools

import jax
import jax.numpy as jnp
from jax import lax
from jax.experimental import pallas as pl
from jax.experimental.pallas import tpu as pltpu
from jax.experimental.pallas import tpu_sc as plsc

NC, NS = 2, 16
NW = NC * NS
CH = 128


def _xw_body(wc_ref, w_ref, x_ref, o_ref):
    r = pl.program_id(1)
    w = w_ref[...]
    wrel = wc_ref[r, 0] * w[0]
    for b in range(1, w.shape[0]):
        wrel = wrel + wc_ref[r, b] * w[b]
    o_ref[...] = jnp.dot(x_ref[...], wrel, preferred_element_type=jnp.float32)


def _add_body(p_ref, o_ref):
    o_ref[...] = p_ref[0] + p_ref[1]


def _pack_body(n, gb, ei_ref, et_ref, o_ref):
    src = ei_ref[0]
    dst = ei_ref[1]
    o_ref[...] = (dst << gb) | (et_ref[...] * n + src)


def kernel(x, edge_index, edge_type, weight, w_comp):
    N, F = x.shape
    B, _, O = weight.shape
    R = w_comp.shape[0]
    E = edge_index.shape[1]

    BN = 2000
    NB = N // BN
    xw = pl.pallas_call(
        _xw_body,
        grid=(NB, R),
        in_specs=[
            pl.BlockSpec(memory_space=pltpu.SMEM),
            pl.BlockSpec((B, F, O), lambda n, r: (0, 0, 0)),
            pl.BlockSpec((BN, F), lambda n, r: (n, 0)),
        ],
        out_specs=pl.BlockSpec((BN, O), lambda n, r: (r * NB + n, 0)),
        out_shape=jax.ShapeDtypeStruct((R * N, O), jnp.float32),
    )(w_comp, weight, x)

    NBUF = 2
    FAST_CORE = 0
    FAST_FRAC = 0.81
    EPP = -(-E // NS)
    N0 = NBUF * (-(-int(EPP * FAST_FRAC) // (CH * NBUF)))
    N1 = NBUF * (-(-(EPP - N0 * CH) // (CH * NBUF)))
    STAGE = 64
    GB = (R * N - 1).bit_length()
    assert GB + N.bit_length() <= 31
    pad_val = jnp.int32(N << GB)
    slack = (-(-N1 // STAGE) * STAGE - N1) * CH
    e_pad = NS * (N0 + N1) * CH + slack
    EB = E // 128
    packed = pl.pallas_call(
        functools.partial(_pack_body, N, GB),
        grid=(1,),
        in_specs=[pl.BlockSpec((2, EB, 128), lambda i: (0, 0, 0)),
                  pl.BlockSpec((EB, 128), lambda i: (0, 0))],
        out_specs=pl.BlockSpec((EB, 128), lambda i: (0, 0)),
        out_shape=jax.ShapeDtypeStruct((EB, 128), jnp.int32),
    )(edge_index.reshape(2, EB, 128), edge_type.reshape(EB, 128))
    packed = jnp.concatenate([packed.reshape(E),
                              jnp.full((e_pad - E,), pad_val)])

    ZR = (-(-(N + 1) // NS) + 7) // 8 * 8
    N_pad = ZR * NS

    mesh = plsc.VectorSubcoreMesh(
        core_axis_name="c", subcore_axis_name="s", num_cores=NC, num_subcores=NS
    )

    R0, R1 = N0 // NBUF, N1 // NBUF
    REFILL_K = (STAGE - NBUF) // NBUF

    @functools.partial(
        pl.kernel,
        out_type=jax.ShapeDtypeStruct((NC, N_pad, O), jnp.float32),
        mesh=mesh,
        scratch_types=[
            pltpu.VMEM((STAGE * CH,), jnp.int32),
            pltpu.VMEM_SHARED((N_pad, O), jnp.float32),
        ]
        + [pltpu.VMEM((CH, O), jnp.float32)] * NBUF
        + [pltpu.VMEM((2, CH), jnp.int32)] * NBUF
        + [pltpu.SemaphoreType.DMA] * (2 * NBUF),
    )
    def sc_scatter(xw_hbm, idx_hbm, out_hbm, *s):
        slab, acc = s[0], s[1]
        rows = s[2:2 + NBUF]
        gd = s[2 + NBUF:2 + 2 * NBUF]
        gsem = s[2 + 2 * NBUF:2 + 3 * NBUF]
        ssem = s[2 + 3 * NBUF:2 + 4 * NBUF]
        cid = lax.axis_index("c")
        sid = lax.axis_index("s")
        mask = jnp.int32((1 << GB) - 1)
        base_e = jnp.where(cid == FAST_CORE, sid * (N0 * CH),
                           NS * (N0 * CH) + sid * (N1 * CH))

        def unpack(ci, b):
            so = lax.rem(ci, STAGE) * CH
            for l in range(CH // 16):
                v = slab[pl.ds(so + 16 * l, 16)]
                gd[b][0, pl.ds(16 * l, 16)] = v & mask
                gd[b][1, pl.ds(16 * l, 16)] = lax.shift_right_logical(v, GB)

        pltpu.sync_copy(idx_hbm.at[pl.ds(base_e, STAGE * CH)], slab)
        zv = jnp.zeros((16,), jnp.float32)

        def zrow(i, carry):
            for l in range(O // 16):
                rows[0][i, pl.ds(16 * l, 16)] = zv
            return carry

        lax.fori_loop(0, CH, zrow, 0)
        nfull, rem_rows = ZR // CH, ZR % CH
        for z in range(nfull):
            pltpu.sync_copy(rows[0], acc.at[pl.ds(sid * ZR + z * CH, CH)])
        if rem_rows:
            pltpu.sync_copy(rows[0].at[pl.ds(0, rem_rows)],
                            acc.at[pl.ds(sid * ZR + nfull * CH, rem_rows)])
        kper = STAGE // NBUF

        def run(table, rounds):
            for b in range(NBUF):
                unpack(b, b)
                pltpu.async_copy(table.at[gd[b].at[0]], rows[b], gsem[b])
            plsc.subcore_barrier()

            def body(k, carry):
                @pl.when(jnp.logical_and(lax.rem(k, kper) == REFILL_K,
                                         k < rounds - 1))
                def _():
                    stg = k // kper + 1
                    pltpu.sync_copy(
                        idx_hbm.at[pl.ds(base_e + stg * (STAGE * CH),
                                         STAGE * CH)], slab)

                for b in range(NBUF):
                    ci = k * NBUF + b
                    pltpu.make_async_copy(table.at[gd[b].at[0]],
                                          rows[b], gsem[b]).wait()
                    pltpu.sync_copy(rows[b], acc.at[gd[b].at[1]], add=True)

                    @pl.when(k < rounds - 1)
                    def _():
                        unpack(ci + NBUF, b)
                        pltpu.async_copy(table.at[gd[b].at[0]], rows[b],
                                         gsem[b])
                return carry

            lax.fori_loop(0, rounds, body, 0)

        @pl.when(cid == FAST_CORE)
        def _():
            run(xw_hbm, R0)

        @pl.when(cid != FAST_CORE)
        def _():
            run(xw_hbm, R1)

        plsc.subcore_barrier()
        pltpu.sync_copy(acc.at[pl.ds(sid * ZR, ZR)],
                        out_hbm.at[cid, pl.ds(sid * ZR, ZR)])

    partial = sc_scatter(xw, packed)

    BN2 = 1000
    out = pl.pallas_call(
        _add_body,
        grid=(N // BN2,),
        in_specs=[pl.BlockSpec((NC, BN2, O), lambda n: (0, n, 0))],
        out_specs=pl.BlockSpec((BN2, O), lambda n: (n, 0)),
        out_shape=jax.ShapeDtypeStruct((N, O), jnp.float32),
    )(partial)
    return out

# --- scband reference (transcript-rebuilt; emitter-appended) ---
"""Pipeline reference for scband-rgcnlayer-38044820308122 (READ-ONLY COPY).

The authoritative reference and input builder live on the scoring server;
editing this copy changes nothing except your own understanding.
"""

import jax, jax.numpy as jnp
import numpy as np

N = 10000
E = 320000
F = 128
O = 128
R = 8
B = 4

def _xavier(key, shape):
    # xavier_uniform with gain for relu = sqrt(2)
    fan_in, fan_out = shape[-2], shape[-1]
    gain = np.sqrt(2.0)
    a = gain * np.sqrt(6.0 / (fan_in + fan_out))
    return jax.random.uniform(key, shape, dtype=jnp.float32, minval=-a, maxval=a)

def setup_inputs(seed: int = 0) -> dict:
    key = jax.random.key(seed)
    k1, k2, k3, k4, k5 = jax.random.split(key, 5)
    x = jax.random.normal(k1, (N, F), dtype=jnp.float32)
    edge_index = jax.random.randint(k2, (2, E), 0, N, dtype=jnp.int32)
    edge_type = jax.random.randint(k3, (E,), 0, R, dtype=jnp.int32)
    weight = _xavier(k4, (B, F, O))   # basis weights [num_bases, in_feat, out_feat]
    w_comp = _xavier(k5, (R, B))      # relation coefficients [num_rels, num_bases]
    return {"x": x, "edge_index": edge_index, "edge_type": edge_type,
            "weight": weight, "w_comp": w_comp}

def reference(x, edge_index, edge_type, weight, w_comp):
    # Basis decomposition: W_r = sum_b w_comp[r, b] * weight[b]
    w_rel = jnp.einsum('rb,bfo->rfo', w_comp, weight)          # [R, F, O]
    # Transform all node features under every relation once (avoids [E,F,O] blowup)
    xw = jnp.einsum('nf,rfo->rno', x, w_rel)                    # [R, N, O]
    src = edge_index[0]
    dst = edge_index[1]
    # Per-edge message: h_src @ W_{rel(e)}  (gather, SparseCore-friendly)
    msg = xw[edge_type, src]                                     # [E, O]
    # Aggregate messages at destination nodes (scatter-add)
    out = jax.ops.segment_sum(msg, dst, num_segments=N)         # [N, O]
    # bias=None, activation=None per init_kwargs
    return out

if __name__ == "__main__":
    import jax
    _d = setup_inputs()
    print(jax.jit(kernel)(*tuple(_d.values())))

</pallas_src>

<mosaic_0001>
#map = affine_map<(d0, d1) -> (0, 0)>
#map1 = affine_map<(d0, d1) -> (0)>
#map2 = affine_map<(d0, d1) -> (0, 0, 0)>
module attributes {stable_mosaic.version = 14 : i64} {
  func.func @sc_scatter(%arg0: i32, %arg1: i32, %arg2: memref<80000x128xf32, #tpu.memory_space<hbm>>, %arg3: memref<327936xi32, #tpu.memory_space<hbm>>, %arg4: memref<2x10112x128xf32, #tpu.memory_space<hbm>>, %arg5: memref<8192xi32, #tpu.memory_space<vmem>>, %arg6: memref<10112x128xf32, #tpu.memory_space<vmem_shared>>, %arg7: memref<128x128xf32, #tpu.memory_space<vmem>>, %arg8: memref<128x128xf32, #tpu.memory_space<vmem>>, %arg9: memref<2x128xi32, #tpu.memory_space<vmem>>, %arg10: memref<2x128xi32, #tpu.memory_space<vmem>>, %arg11: memref<!tpu.dma_semaphore, #tpu.memory_space<semaphore_mem>>, %arg12: memref<!tpu.dma_semaphore, #tpu.memory_space<semaphore_mem>>, %arg13: memref<!tpu.dma_semaphore, #tpu.memory_space<semaphore_mem>>, %arg14: memref<!tpu.dma_semaphore, #tpu.memory_space<semaphore_mem>>) attributes {dimension_semantics = [#tpu.dimension_semantics<core_parallel>, #tpu.dimension_semantics<subcore_parallel>], iteration_bounds = array<i64: 2, 16>, scalar_prefetch = 0 : i64, scratch_operands = 10 : i64, tpu.core_type = #tpu.core_type<sc_vector_subcore>, window_params = [{transform_indices = #map}, {transform_indices = #map1}, {transform_indices = #map2}]} {
    %eq3A = arith.constant 0 : i32
    %eq3A_0 = arith.cmpi eq, %arg0, %eq3A : i32
    %mul3A = arith.constant 16384 : i32
    %mul3A_1 = arith.muli %arg1, %mul3A : i32
    %mul3A_2 = arith.constant 3840 : i32
    %mul3A_3 = arith.muli %arg1, %mul3A_2 : i32
    %add3A = arith.constant 262144 : i32
    %add3A_4 = arith.addi %add3A, %mul3A_3 : i32
    %select_n3A = arith.select %eq3A_0, %mul3A_1, %add3A_4 : i32
    "tpu.region"() ({
      %run_scoped3A = tpu.sem_alloc : memref<!tpu.dma_semaphore, #tpu.memory_space<semaphore_mem>>
      %dma_start3A = tpu.memref_slice %arg3[%select_n3A] : memref<327936xi32, #tpu.memory_space<hbm>> -> memref<8192xi32, #tpu.memory_space<hbm>>
      %dma_start3A_44 = tpu.memref_slice %arg3[%select_n3A] : memref<327936xi32, #tpu.memory_space<hbm>> -> memref<8192xi32, #tpu.memory_space<hbm>>
      tpu.enqueue_dma source(%dma_start3A_44 : memref<8192xi32, #tpu.memory_space<hbm>>) target(%arg5 : memref<8192xi32, #tpu.memory_space<vmem>>) target_semaphore(%run_scoped3A : memref<!tpu.dma_semaphore, #tpu.memory_space<semaphore_mem>>)
      %dma_wait3A = tpu.memref_slice %arg3[%select_n3A] : memref<327936xi32, #tpu.memory_space<hbm>> -> memref<8192xi32, #tpu.memory_space<hbm>>
      %dma_wait3A_45 = tpu.memref_slice %arg3[%select_n3A] : memref<327936xi32, #tpu.memory_space<hbm>> -> memref<8192xi32, #tpu.memory_space<hbm>>
      tpu.wait_dma2 semaphore(%run_scoped3A : memref<!tpu.dma_semaphore, #tpu.memory_space<semaphore_mem>>) src(%dma_wait3A_45 : memref<8192xi32, #tpu.memory_space<hbm>>) dst(%arg5 : memref<8192xi32, #tpu.memory_space<vmem>>)
      tpu.yield
    }) : () -> ()
    %broadcast_in_dim3A = arith.constant 0.000000e+00 : f32
    %broadcast_in_dim3A_5 = vector.broadcast %broadcast_in_dim3A : f32 to vector<16xf32>
    %scan3A = arith.constant 0 : i32
    %scan3A_6 = arith.constant 0 : i32
    %scan3A_7 = arith.constant 128 : i32
    %scan3A_8 = arith.addi %scan3A_6, %scan3A_7 : i32
    %scan3A_9 = arith.constant 1 : i32
    scf.for %scan3A_44 = %scan3A_6 to %scan3A_8 step %scan3A_9  : i32 {
      %swap3A = arith.index_cast %scan3A_44 : i32 to index
      %swap3A_45 = arith.constant 0 : index
      %swap3A_46 = tpu.vector_load %arg7[%swap3A, %swap3A_45] {strides = array<i32>} : memref<128x128xf32, #tpu.memory_space<vmem>>, vector<1x16xf32>,
      %swap3A_47 = vector.shape_cast %swap3A_46 : vector<1x16xf32> to vector<16xf32>
      %swap3A_48 = vector.shape_cast %broadcast_in_dim3A_5 : vector<16xf32> to vector<1x16xf32>
      tpu.vector_store %arg7[%swap3A, %swap3A_45], %swap3A_48 {strides = array<i32>} : memref<128x128xf32, #tpu.memory_space<vmem>>, vector<1x16xf32>,
      %swap3A_49 = arith.index_cast %scan3A_44 : i32 to index
      %swap3A_50 = arith.constant 16 : index
      %swap3A_51 = tpu.vector_load %arg7[%swap3A_49, %swap3A_50] {strides = array<i32>} : memref<128x128xf32, #tpu.memory_space<vmem>>, vector<1x16xf32>,
      %swap3A_52 = vector.shape_cast %swap3A_51 : vector<1x16xf32> to vector<16xf32>
      %swap3A_53 = vector.shape_cast %broadcast_in_dim3A_5 : vector<16xf32> to vector<1x16xf32>
      tpu.vector_store %arg7[%swap3A_49, %swap3A_50], %swap3A_53 {strides = array<i32>} : memref<128x128xf32, #tpu.memory_space<vmem>>, vector<1x16xf32>,
      %swap3A_54 = arith.index_cast %scan3A_44 : i32 to index
      %swap3A_55 = arith.constant 32 : index
      %swap3A_56 = tpu.vector_load %arg7[%swap3A_54, %swap3A_55] {strides = array<i32>} : memref<128x128xf32, #tpu.memory_space<vmem>>, vector<1x16xf32>,
      %swap3A_57 = vector.shape_cast %swap3A_56 : vector<1x16xf32> to vector<16xf32>
      %swap3A_58 = vector.shape_cast %broadcast_in_dim3A_5 : vector<16xf32> to vector<1x16xf32>
      tpu.vector_store %arg7[%swap3A_54, %swap3A_55], %swap3A_58 {strides = array<i32>} : memref<128x128xf32, #tpu.memory_space<vmem>>, vector<1x16xf32>,
      %swap3A_59 = arith.index_cast %scan3A_44 : i32 to index
      %swap3A_60 = arith.constant 48 : index
      %swap3A_61 = tpu.vector_load %arg7[%swap3A_59, %swap3A_60] {strides = array<i32>} : memref<128x128xf32, #tpu.memory_space<vmem>>, vector<1x16xf32>,
      %swap3A_62 = vector.shape_cast %swap3A_61 : vector<1x16xf32> to vector<16xf32>
      %swap3A_63 = vector.shape_cast %broadcast_in_dim3A_5 : vector<16xf32> to vector<1x16xf32>
      tpu.vector_store %arg7[%swap3A_59, %swap3A_60], %swap3A_63 {strides = array<i32>} : memref<128x128xf32, #tpu.memory_space<vmem>>, vector<1x16xf32>,
      %swap3A_64 = arith.index_cast %scan3A_44 : i32 to index
      %swap3A_65 = arith.constant 64 : index
      %swap3A_66 = tpu.vector_load %arg7[%swap3A_64, %swap3A_65] {strides = array<i32>} : memref<128x128xf32, #tpu.memory_space<vmem>>, vector<1x16xf32>,
      %swap3A_67 = vector.shape_cast %swap3A_66 : vector<1x16xf32> to vector<16xf32>
      %swap3A_68 = vector.shape_cast %broadcast_in_dim3A_5 : vector<16xf32> to vector<1x16xf32>
      tpu.vector_store %arg7[%swap3A_64, %swap3A_65], %swap3A_68 {strides = array<i32>} : memref<128x128xf32, #tpu.memory_space<vmem>>, vector<1x16xf32>,
      %swap3A_69 = arith.index_cast %scan3A_44 : i32 to index
      %swap3A_70 = arith.constant 80 : index
      %swap3A_71 = tpu.vector_load %arg7[%swap3A_69, %swap3A_70] {strides = array<i32>} : memref<128x128xf32, #tpu.memory_space<vmem>>, vector<1x16xf32>,
      %swap3A_72 = vector.shape_cast %swap3A_71 : vector<1x16xf32> to vector<16xf32>
      %swap3A_73 = vector.shape_cast %broadcast_in_dim3A_5 : vector<16xf32> to vector<1x16xf32>
      tpu.vector_store %arg7[%swap3A_69, %swap3A_70], %swap3A_73 {strides = array<i32>} : memref<128x128xf32, #tpu.memory_space<vmem>>, vector<1x16xf32>,
      %swap3A_74 = arith.index_cast %scan3A_44 : i32 to index
      %swap3A_75 = arith.constant 96 : index
      %swap3A_76 = tpu.vector_load %arg7[%swap3A_74, %swap3A_75] {strides = array<i32>} : memref<128x128xf32, #tpu.memory_space<vmem>>, vector<1x16xf32>,
      %swap3A_77 = vector.shape_cast %swap3A_76 : vector<1x16xf32> to vector<16xf32>
      %swap3A_78 = vector.shape_cast %broadcast_in_dim3A_5 : vector<16xf32> to vector<1x16xf32>
      tpu.vector_store %arg7[%swap3A_74, %swap3A_75], %swap3A_78 {strides = array<i32>} : memref<128x128xf32, #tpu.memory_space<vmem>>, vector<1x16xf32>,
      %swap3A_79 = arith.index_cast %scan3A_44 : i32 to index
      %swap3A_80 = arith.constant 112 : index
      %swap3A_81 = tpu.vector_load %arg7[%swap3A_79, %swap3A_80] {strides = array<i32>} : memref<128x128xf32, #tpu.memory_space<vmem>>, vector<1x16xf32>,
      %swap3A_82 = vector.shape_cast %swap3A_81 : vector<1x16xf32> to vector<16xf32>
      %swap3A_83 = vector.shape_cast %broadcast_in_dim3A_5 : vector<16xf32> to vector<1x16xf32>
      tpu.vector_store %arg7[%swap3A_79, %swap3A_80], %swap3A_83 {strides = array<i32>} : memref<128x128xf32, #tpu.memory_space<vmem>>, vector<1x16xf32>,
    }
    %scan3A_10 = arith.constant 128 : i32
    %mul3A_11 = arith.constant 632 : i32
    %mul3A_12 = arith.muli %arg1, %mul3A_11 : i32
    %add3A_13 = arith.constant 0 : i32
    %add3A_14 = arith.addi %mul3A_12, %add3A_13 : i32
    "tpu.region"() ({
      %run_scoped3A = tpu.sem_alloc : memref<!tpu.dma_semaphore, #tpu.memory_space<semaphore_mem>>
      %dma_start3A = arith.constant 0 : i32
      %dma_start3A_44 = tpu.memref_slice %arg6[%add3A_14, %dma_start3A] : memref<10112x128xf32, #tpu.memory_space<vmem_shared>> -> memref<128x128xf32, #tpu.memory_space<vmem_shared>>
      %dma_start3A_45 = arith.constant 0 : i32
      %dma_start3A_46 = tpu.memref_slice %arg6[%add3A_14, %dma_start3A_45] : memref<10112x128xf32, #tpu.memory_space<vmem_shared>> -> memref<128x128xf32, #tpu.memory_space<vmem_shared>>
      tpu.enqueue_dma source(%arg7 : memref<128x128xf32, #tpu.memory_space<vmem>>) target(%dma_start3A_46 : memref<128x128xf32, #tpu.memory_space<vmem_shared>>) target_semaphore(%run_scoped3A : memref<!tpu.dma_semaphore, #tpu.memory_space<semaphore_mem>>)
      %dma_wait3A = arith.constant 0 : i32
      %dma_wait3A_47 = tpu.memref_slice %arg6[%add3A_14, %dma_wait3A] : memref<10112x128xf32, #tpu.memory_space<vmem_shared>> -> memref<128x128xf32, #tpu.memory_space<vmem_shared>>
      %dma_wait3A_48 = arith.constant 0 : i32
      %dma_wait3A_49 = tpu.memref_slice %arg6[%add3A_14, %dma_wait3A_48] : memref<10112x128xf32, #tpu.memory_space<vmem_shared>> -> memref<128x128xf32, #tpu.memory_space<vmem_shared>>
      tpu.wait_dma2 semaphore(%run_scoped3A : memref<!tpu.dma_semaphore, #tpu.memory_space<semaphore_mem>>) src(%arg7 : memref<128x128xf32, #tpu.memory_space<vmem>>) dst(%dma_wait3A_49 : memref<128x128xf32, #tpu.memory_space<vmem_shared>>)
      tpu.yield
    }) : () -> ()
    %mul3A_15 = arith.constant 632 : i32
    %mul3A_16 = arith.muli %arg1, %mul3A_15 : i32
    %add3A_17 = arith.constant 128 : i32
    %add3A_18 = arith.addi %mul3A_16, %add3A_17 : i32
    "tpu.region"() ({
      %run_scoped3A = tpu.sem_alloc : memref<!tpu.dma_semaphore, #tpu.memory_space<semaphore_mem>>
      %dma_start3A = arith.constant 0 : i32
      %dma_start3A_44 = tpu.memref_slice %arg6[%add3A_18, %dma_start3A] : memref<10112x128xf32, #tpu.memory_space<vmem_shared>> -> memref<128x128xf32, #tpu.memory_space<vmem_shared>>
      %dma_start3A_45 = arith.constant 0 : i32
      %dma_start3A_46 = tpu.memref_slice %arg6[%add3A_18, %dma_start3A_45] : memref<10112x128xf32, #tpu.memory_space<vmem_shared>> -> memref<128x128xf32, #tpu.memory_space<vmem_shared>>
      tpu.enqueue_dma source(%arg7 : memref<128x128xf32, #tpu.memory_space<vmem>>) target(%dma_start3A_46 : memref<128x128xf32, #tpu.memory_space<vmem_shared>>) target_semaphore(%run_scoped3A : memref<!tpu.dma_semaphore, #tpu.memory_space<semaphore_mem>>)
      %dma_wait3A = arith.constant 0 : i32
      %dma_wait3A_47 = tpu.memref_slice %arg6[%add3A_18, %dma_wait3A] : memref<10112x128xf32, #tpu.memory_space<vmem_shared>> -> memref<128x128xf32, #tpu.memory_space<vmem_shared>>
      %dma_wait3A_48 = arith.constant 0 : i32
      %dma_wait3A_49 = tpu.memref_slice %arg6[%add3A_18, %dma_wait3A_48] : memref<10112x128xf32, #tpu.memory_space<vmem_shared>> -> memref<128x128xf32, #tpu.memory_space<vmem_shared>>
      tpu.wait_dma2 semaphore(%run_scoped3A : memref<!tpu.dma_semaphore, #tpu.memory_space<semaphore_mem>>) src(%arg7 : memref<128x128xf32, #tpu.memory_space<vmem>>) dst(%dma_wait3A_49 : memref<128x128xf32, #tpu.memory_space<vmem_shared>>)
      tpu.yield
    }) : () -> ()
    %mul3A_19 = arith.constant 632 : i32
    %mul3A_20 = arith.muli %arg1, %mul3A_19 : i32
    %add3A_21 = arith.constant 256 : i32
    %add3A_22 = arith.addi %mul3A_20, %add3A_21 : i32
    "tpu.region"() ({
      %run_scoped3A = tpu.sem_alloc : memref<!tpu.dma_semaphore, #tpu.memory_space<semaphore_mem>>
      %dma_start3A = arith.constant 0 : i32
      %dma_start3A_44 = tpu.memref_slice %arg6[%add3A_22, %dma_start3A] : memref<10112x128xf32, #tpu.memory_space<vmem_shared>> -> memref<128x128xf32, #tpu.memory_space<vmem_shared>>
      %dma_start3A_45 = arith.constant 0 : i32
      %dma_start3A_46 = tpu.memref_slice %arg6[%add3A_22, %dma_start3A_45] : memref<10112x128xf32, #tpu.memory_space<vmem_shared>> -> memref<128x128xf32, #tpu.memory_space<vmem_shared>>
      tpu.enqueue_dma source(%arg7 : memref<128x128xf32, #tpu.memory_space<vmem>>) target(%dma_start3A_46 : memref<128x128xf32, #tpu.memory_space<vmem_shared>>) target_semaphore(%run_scoped3A : memref<!tpu.dma_semaphore, #tpu.memory_space<semaphore_mem>>)
      %dma_wait3A = arith.constant 0 : i32
      %dma_wait3A_47 = tpu.memref_slice %arg6[%add3A_22, %dma_wait3A] : memref<10112x128xf32, #tpu.memory_space<vmem_shared>> -> memref<128x128xf32, #tpu.memory_space<vmem_shared>>
      %dma_wait3A_48 = arith.constant 0 : i32
      %dma_wait3A_49 = tpu.memref_slice %arg6[%add3A_22, %dma_wait3A_48] : memref<10112x128xf32, #tpu.memory_space<vmem_shared>> -> memref<128x128xf32, #tpu.memory_space<vmem_shared>>
      tpu.wait_dma2 semaphore(%run_scoped3A : memref<!tpu.dma_semaphore, #tpu.memory_space<semaphore_mem>>) src(%arg7 : memref<128x128xf32, #tpu.memory_space<vmem>>) dst(%dma_wait3A_49 : memref<128x128xf32, #tpu.memory_space<vmem_shared>>)
      tpu.yield
    }) : () -> ()
    %mul3A_23 = arith.constant 632 : i32
    %mul3A_24 = arith.muli %arg1, %mul3A_23 : i32
    %add3A_25 = arith.constant 384 : i32
    %add3A_26 = arith.addi %mul3A_24, %add3A_25 : i32
    "tpu.region"() ({
      %run_scoped3A = tpu.sem_alloc : memref<!tpu.dma_semaphore, #tpu.memory_space<semaphore_mem>>
      %dma_start3A = arith.constant 0 : i32
      %dma_start3A_44 = tpu.memref_slice %arg6[%add3A_26, %dma_start3A] : memref<10112x128xf32, #tpu.memory_space<vmem_shared>> -> memref<128x128xf32, #tpu.memory_space<vmem_shared>>
      %dma_start3A_45 = arith.constant 0 : i32
      %dma_start3A_46 = tpu.memref_slice %arg6[%add3A_26, %dma_start3A_45] : memref<10112x128xf32, #tpu.memory_space<vmem_shared>> -> memref<128x128xf32, #tpu.memory_space<vmem_shared>>
      tpu.enqueue_dma source(%arg7 : memref<128x128xf32, #tpu.memory_space<vmem>>) target(%dma_start3A_46 : memref<128x128xf32, #tpu.memory_space<vmem_shared>>) target_semaphore(%run_scoped3A : memref<!tpu.dma_semaphore, #tpu.memory_space<semaphore_mem>>)
      %dma_wait3A = arith.constant 0 : i32
      %dma_wait3A_47 = tpu.memref_slice %arg6[%add3A_26, %dma_wait3A] : memref<10112x128xf32, #tpu.memory_space<vmem_shared>> -> memref<128x128xf32, #tpu.memory_space<vmem_shared>>
      %dma_wait3A_48 = arith.constant 0 : i32
      %dma_wait3A_49 = tpu.memref_slice %arg6[%add3A_26, %dma_wait3A_48] : memref<10112x128xf32, #tpu.memory_space<vmem_shared>> -> memref<128x128xf32, #tpu.memory_space<vmem_shared>>
      tpu.wait_dma2 semaphore(%run_scoped3A : memref<!tpu.dma_semaphore, #tpu.memory_space<semaphore_mem>>) src(%arg7 : memref<128x128xf32, #tpu.memory_space<vmem>>) dst(%dma_wait3A_49 : memref<128x128xf32, #tpu.memory_space<vmem_shared>>)
      tpu.yield
    }) : () -> ()
    %mul3A_27 = arith.constant 632 : i32
    %mul3A_28 = arith.muli %arg1, %mul3A_27 : i32
    %add3A_29 = arith.constant 512 : i32
    %add3A_30 = arith.addi %mul3A_28, %add3A_29 : i32
    "tpu.region"() ({
      %run_scoped3A = tpu.sem_alloc : memref<!tpu.dma_semaphore, #tpu.memory_space<semaphore_mem>>
      %dma_start3A = arith.constant 0 : i32
      %dma_start3A_44 = arith.constant 0 : i32
      %dma_start3A_45 = tpu.memref_slice %arg7[%dma_start3A, %dma_start3A_44] : memref<128x128xf32, #tpu.memory_space<vmem>> -> memref<120x128xf32, #tpu.memory_space<vmem>>
      %dma_start3A_46 = arith.constant 0 : i32
      %dma_start3A_47 = tpu.memref_slice %arg6[%add3A_30, %dma_start3A_46] : memref<10112x128xf32, #tpu.memory_space<vmem_shared>> -> memref<120x128xf32, #tpu.memory_space<vmem_shared>>
      %dma_start3A_48 = arith.constant 0 : i32
      %dma_start3A_49 = tpu.memref_slice %arg6[%add3A_30, %dma_start3A_48] : memref<10112x128xf32, #tpu.memory_space<vmem_shared>> -> memref<120x128xf32, #tpu.memory_space<vmem_shared>>
      %dma_start3A_50 = arith.constant 0 : i32
      %dma_start3A_51 = arith.constant 0 : i32
      %dma_start3A_52 = tpu.memref_slice %arg7[%dma_start3A_50, %dma_start3A_51] : memref<128x128xf32, #tpu.memory_space<vmem>> -> memref<120x128xf32, #tpu.memory_space<vmem>>
      tpu.enqueue_dma source(%dma_start3A_52 : memref<120x128xf32, #tpu.memory_space<vmem>>) target(%dma_start3A_49 : memref<120x128xf32, #tpu.memory_space<vmem_shared>>) target_semaphore(%run_scoped3A : memref<!tpu.dma_semaphore, #tpu.memory_space<semaphore_mem>>)
      %dma_wait3A = arith.constant 0 : i32
      %dma_wait3A_53 = arith.constant 0 : i32
      %dma_wait3A_54 = tpu.memref_slice %arg7[%dma_wait3A, %dma_wait3A_53] : memref<128x128xf32, #tpu.memory_space<vmem>> -> memref<120x128xf32, #tpu.memory_space<vmem>>
      %dma_wait3A_55 = arith.constant 0 : i32
      %dma_wait3A_56 = tpu.memref_slice %arg6[%add3A_30, %dma_wait3A_55] : memref<10112x128xf32, #tpu.memory_space<vmem_shared>> -> memref<120x128xf32, #tpu.memory_space<vmem_shared>>
      %dma_wait3A_57 = arith.constant 0 : i32
      %dma_wait3A_58 = tpu.memref_slice %arg6[%add3A_30, %dma_wait3A_57] : memref<10112x128xf32, #tpu.memory_space<vmem_shared>> -> memref<120x128xf32, #tpu.memory_space<vmem_shared>>
      %dma_wait3A_59 = arith.constant 0 : i32
      %dma_wait3A_60 = arith.constant 0 : i32
      %dma_wait3A_61 = tpu.memref_slice %arg7[%dma_wait3A_59, %dma_wait3A_60] : memref<128x128xf32, #tpu.memory_space<vmem>> -> memref<120x128xf32, #tpu.memory_space<vmem>>
      tpu.wait_dma2 semaphore(%run_scoped3A : memref<!tpu.dma_semaphore, #tpu.memory_space<semaphore_mem>>) src(%dma_wait3A_61 : memref<120x128xf32, #tpu.memory_space<vmem>>) dst(%dma_wait3A_58 : memref<120x128xf32, #tpu.memory_space<vmem_shared>>)
      tpu.yield
    }) : () -> ()
    %eq3A_31 = arith.constant 0 : i32
    %eq3A_32 = arith.cmpi eq, %arg0, %eq3A_31 : i32
    %convert_element_type3A = arith.extui %eq3A_32 : i1 to i32
    %cond3A = arith.constant 131071 : i32
    %cond3A_33 = arith.constant 0 : i32
    %cond3A_34 = arith.cmpi ne, %convert_element_type3A, %cond3A_33 : i32
    scf.if %cond3A_34 {
      %rem3A = arith.constant 0 : i32
      %rem3A_44 = arith.constant 64 : i32
      %rem3A_45 = arith.remsi %rem3A, %rem3A_44 : i32
      %mul3A_46 = arith.constant 128 : i32
      %mul3A_47 = arith.muli %rem3A_45, %mul3A_46 : i32
      %add3A_48 = arith.constant 0 : i32
      %add3A_49 = arith.addi %mul3A_47, %add3A_48 : i32
      %get3A = arith.index_cast %add3A_49 : i32 to index
      %get3A_50 = tpu.vector_load %arg5[%get3A] {strides = array<i32>} : memref<8192xi32, #tpu.memory_space<vmem>>, vector<16xi32>,
      %get3A_51 = vector.shape_cast %get3A_50 : vector<16xi32> to vector<16xi32>
      %and3A = vector.broadcast %cond3A : i32 to vector<16xi32>
      %and3A_52 = arith.andi %get3A_51, %and3A : vector<16xi32>
      %swap3A = arith.constant 0 : i32
      %swap3A_53 = arith.index_cast %swap3A : i32 to index
      %swap3A_54 = arith.constant 0 : index
      %swap3A_55 = tpu.vector_load %arg9[%swap3A_53, %swap3A_54] {strides = array<i32>} : memref<2x128xi32, #tpu.memory_space<vmem>>, vector<1x16xi32>,
      %swap3A_56 = vector.shape_cast %swap3A_55 : vector<1x16xi32> to vector<16xi32>
      %swap3A_57 = vector.shape_cast %and3A_52 : vector<16xi32> to vector<1x16xi32>
      tpu.vector_store %arg9[%swap3A_53, %swap3A_54], %swap3A_57 {strides = array<i32>} : memref<2x128xi32, #tpu.memory_space<vmem>>, vector<1x16xi32>,
      %shift_right_logical3A = arith.constant 17 : i32
      %shift_right_logical3A_58 = vector.broadcast %shift_right_logical3A : i32 to vector<16xi32>
      %shift_right_logical3A_59 = arith.shrui %get3A_51, %shift_right_logical3A_58 : vector<16xi32>
      %swap3A_60 = arith.constant 1 : i32
      %swap3A_61 = arith.index_cast %swap3A_60 : i32 to index
      %swap3A_62 = arith.constant 0 : index
      %swap3A_63 = tpu.vector_load %arg9[%swap3A_61, %swap3A_62] {strides = array<i32>} : memref<2x128xi32, #tpu.memory_space<vmem>>, vector<1x16xi32>,
      %swap3A_64 = vector.shape_cast %swap3A_63 : vector<1x16xi32> to vector<16xi32>
      %swap3A_65 = vector.shape_cast %shift_right_logical3A_59 : vector<16xi32> to vector<1x16xi32>
      tpu.vector_store %arg9[%swap3A_61, %swap3A_62], %swap3A_65 {strides = array<i32>} : memref<2x128xi32, #tpu.memory_space<vmem>>, vector<1x16xi32>,
      %add3A_66 = arith.constant 16 : i32
      %add3A_67 = arith.addi %mul3A_47, %add3A_66 : i32
      %get3A_68 = arith.index_cast %add3A_67 : i32 to index
      %get3A_69 = tpu.vector_load %arg5[%get3A_68] {strides = array<i32>} : memref<8192xi32, #tpu.memory_space<vmem>>, vector<16xi32>,
      %get3A_70 = vector.shape_cast %get3A_69 : vector<16xi32> to vector<16xi32>
      %and3A_71 = vector.broadcast %cond3A : i32 to vector<16xi32>
      %and3A_72 = arith.andi %get3A_70, %and3A_71 : vector<16xi32>
      %swap3A_73 = arith.constant 0 : i32
      %swap3A_74 = arith.index_cast %swap3A_73 : i32 to index
      %swap3A_75 = arith.constant 16 : index
      %swap3A_76 = tpu.vector_load %arg9[%swap3A_74, %swap3A_75] {strides = array<i32>} : memref<2x128xi32, #tpu.memory_space<vmem>>, vector<1x16xi32>,
      %swap3A_77 = vector.shape_cast %swap3A_76 : vector<1x16xi32> to vector<16xi32>
      %swap3A_78 = vector.shape_cast %and3A_72 : vector<16xi32> to vector<1x16xi32>
      tpu.vector_store %arg9[%swap3A_74, %swap3A_75], %swap3A_78 {strides = array<i32>} : memref<2x128xi32, #tpu.memory_space<vmem>>, vector<1x16xi32>,
      %shift_right_logical3A_79 = arith.constant 17 : i32
      %shift_right_logical3A_80 = vector.broadcast %shift_right_logical3A_79 : i32 to vector<16xi32>
      %shift_right_logical3A_81 = arith.shrui %get3A_70, %shift_right_logical3A_80 : vector<16xi32>
      %swap3A_82 = arith.constant 1 : i32
      %swap3A_83 = arith.index_cast %swap3A_82 : i32 to index
      %swap3A_84 = arith.constant 16 : index
      %swap3A_85 = tpu.vector_load %arg9[%swap3A_83, %swap3A_84] {strides = array<i32>} : memref<2x128xi32, #tpu.memory_space<vmem>>, vector<1x16xi32>,
      %swap3A_86 = vector.shape_cast %swap3A_85 : vector<1x16xi32> to vector<16xi32>
      %swap3A_87 = vector.shape_cast %shift_right_logical3A_81 : vector<16xi32> to vector<1x16xi32>
      tpu.vector_store %arg9[%swap3A_83, %swap3A_84], %swap3A_87 {strides = array<i32>} : memref<2x128xi32, #tpu.memory_space<vmem>>, vector<1x16xi32>,
      %add3A_88 = arith.constant 32 : i32
      %add3A_89 = arith.addi %mul3A_47, %add3A_88 : i32
      %get3A_90 = arith.index_cast %add3A_89 : i32 to index
      %get3A_91 = tpu.vector_load %arg5[%get3A_90] {strides = array<i32>} : memref<8192xi32, #tpu.memory_space<vmem>>, vector<16xi32>,
      %get3A_92 = vector.shape_cast %get3A_91 : vector<16xi32> to vector<16xi32>
      %and3A_93 = vector.broadcast %cond3A : i32 to vector<16xi32>
      %and3A_94 = arith.andi %get3A_92, %and3A_93 : vector<16xi32>
      %swap3A_95 = arith.constant 0 : i32
      %swap3A_96 = arith.index_cast %swap3A_95 : i32 to index
      %swap3A_97 = arith.constant 32 : index
      %swap3A_98 = tpu.vector_load %arg9[%swap3A_96, %swap3A_97] {strides = array<i32>} : memref<2x128xi32, #tpu.memory_space<vmem>>, vector<1x16xi32>,
      %swap3A_99 = vector.shape_cast %swap3A_98 : vector<1x16xi32> to vector<16xi32>
      %swap3A_100 = vector.shape_cast %and3A_94 : vector<16xi32> to vector<1x16xi32>
      tpu.vector_store %arg9[%swap3A_96, %swap3A_97], %swap3A_100 {strides = array<i32>} : memref<2x128xi32, #tpu.memory_space<vmem>>, vector<1x16xi32>,
      %shift_right_logical3A_101 = arith.constant 17 : i32
      %shift_right_logical3A_102 = vector.broadcast %shift_right_logical3A_101 : i32 to vector<16xi32>
      %shift_right_logical3A_103 = arith.shrui %get3A_92, %shift_right_logical3A_102 : vector<16xi32>
      %swap3A_104 = arith.constant 1 : i32
      %swap3A_105 = arith.index_cast %swap3A_104 : i32 to index
      %swap3A_106 = arith.constant 32 : index
      %swap3A_107 = tpu.vector_load %arg9[%swap3A_105, %swap3A_106] {strides = array<i32>} : memref<2x128xi32, #tpu.memory_space<vmem>>, vector<1x16xi32>,
      %swap3A_108 = vector.shape_cast %swap3A_107 : vector<1x16xi32> to vector<16xi32>
      %swap3A_109 = vector.shape_cast %shift_right_logical3A_103 : vector<16xi32> to vector<1x16xi32>
      tpu.vector_store %arg9[%swap3A_105, %swap3A_106], %swap3A_109 {strides = array<i32>} : memref<2x128xi32, #tpu.memory_space<vmem>>, vector<1x16xi32>,
      %add3A_110 = arith.constant 48 : i32
      %add3A_111 = arith.addi %mul3A_47, %add3A_110 : i32
      %get3A_112 = arith.index_cast %add3A_111 : i32 to index
      %get3A_113 = tpu.vector_load %arg5[%get3A_112] {strides = array<i32>} : memref<8192xi32, #tpu.memory_space<vmem>>, vector<16xi32>,
      %get3A_114 = vector.shape_cast %get3A_113 : vector<16xi32> to vector<16xi32>
      %and3A_115 = vector.broadcast %cond3A : i32 to vector<16xi32>
      %and3A_116 = arith.andi %get3A_114, %and3A_115 : vector<16xi32>
      %swap3A_117 = arith.constant 0 : i32
      %swap3A_118 = arith.index_cast %swap3A_117 : i32 to index
      %swap3A_119 = arith.constant 48 : index
      %swap3A_120 = tpu.vector_load %arg9[%swap3A_118, %swap3A_119] {strides = array<i32>} : memref<2x128xi32, #tpu.memory_space<vmem>>, vector<1x16xi32>,
      %swap3A_121 = vector.shape_cast %swap3A_120 : vector<1x16xi32> to vector<16xi32>
      %swap3A_122 = vector.shape_cast %and3A_116 : vector<16xi32> to vector<1x16xi32>
      tpu.vector_store %arg9[%swap3A_118, %swap3A_119], %swap3A_122 {strides = array<i32>} : memref<2x128xi32, #tpu.memory_space<vmem>>, vector<1x16xi32>,
      %shift_right_logical3A_123 = arith.constant 17 : i32
      %shift_right_logical3A_124 = vector.broadcast %shift_right_logical3A_123 : i32 to vector<16xi32>
      %shift_right_logical3A_125 = arith.shrui %get3A_114, %shift_right_logical3A_124 : vector<16xi32>
      %swap3A_126 = arith.constant 1 : i32
      %swap3A_127 = arith.index_cast %swap3A_126 : i32 to index
      %swap3A_128 = arith.constant 48 : index
      %swap3A_129 = tpu.vector_load %arg9[%swap3A_127, %swap3A_128] {strides = array<i32>} : memref<2x128xi32, #tpu.memory_space<vmem>>, vector<1x16xi32>,
      %swap3A_130 = vector.shape_cast %swap3A_129 : vector<1x16xi32> to vector<16xi32>
      %swap3A_131 = vector.shape_cast %shift_right_logical3A_125 : vector<16xi32> to vector<1x16xi32>
      tpu.vector_store %arg9[%swap3A_127, %swap3A_128], %swap3A_131 {strides = array<i32>} : memref<2x128xi32, #tpu.memory_space<vmem>>, vector<1x16xi32>,
      %add3A_132 = arith.constant 64 : i32
      %add3A_133 = arith.addi %mul3A_47, %add3A_132 : i32
      %get3A_134 = arith.index_cast %add3A_133 : i32 to index
      %get3A_135 = tpu.vector_load %arg5[%get3A_134] {strides = array<i32>} : memref<8192xi32, #tpu.memory_space<vmem>>, vector<16xi32>,
      %get3A_136 = vector.shape_cast %get3A_135 : vector<16xi32> to vector<16xi32>
      %and3A_137 = vector.broadcast %cond3A : i32 to vector<16xi32>
      %and3A_138 = arith.andi %get3A_136, %and3A_137 : vector<16xi32>
      %swap3A_139 = arith.constant 0 : i32
      %swap3A_140 = arith.index_cast %swap3A_139 : i32 to index
      %swap3A_141 = arith.constant 64 : index
      %swap3A_142 = tpu.vector_load %arg9[%swap3A_140, %swap3A_141] {strides = array<i32>} : memref<2x128xi32, #tpu.memory_space<vmem>>, vector<1x16xi32>,
      %swap3A_143 = vector.shape_cast %swap3A_142 : vector<1x16xi32> to vector<16xi32>
      %swap3A_144 = vector.shape_cast %and3A_138 : vector<16xi32> to vector<1x16xi32>
      tpu.vector_store %arg9[%swap3A_140, %swap3A_141], %swap3A_144 {strides = array<i32>} : memref<2x128xi32, #tpu.memory_space<vmem>>, vector<1x16xi32>,
      %shift_right_logical3A_145 = arith.constant 17 : i32
      %shift_right_logical3A_146 = vector.broadcast %shift_right_logical3A_145 : i32 to vector<16xi32>
      %shift_right_logical3A_147 = arith.shrui %get3A_136, %shift_right_logical3A_146 : vector<16xi32>
      %swap3A_148 = arith.constant 1 : i32
      %swap3A_149 = arith.index_cast %swap3A_148 : i32 to index
      %swap3A_150 = arith.constant 64 : index
      %swap3A_151 = tpu.vector_load %arg9[%swap3A_149, %swap3A_150] {strides = array<i32>} : memref<2x128xi32, #tpu.memory_space<vmem>>, vector<1x16xi32>,
      %swap3A_152 = vector.shape_cast %swap3A_151 : vector<1x16xi32> to vector<16xi32>
      %swap3A_153 = vector.shape_cast %shift_right_logical3A_147 : vector<16xi32> to vector<1x16xi32>
      tpu.vector_store %arg9[%swap3A_149, %swap3A_150], %swap3A_153 {strides = array<i32>} : memref<2x128xi32, #tpu.memory_space<vmem>>, vector<1x16xi32>,
      %add3A_154 = arith.constant 80 : i32
      %add3A_155 = arith.addi %mul3A_47, %add3A_154 : i32
      %get3A_156 = arith.index_cast %add3A_155 : i32 to index
      %get3A_157 = tpu.vector_load %arg5[%get3A_156] {strides = array<i32>} : memref<8192xi32, #tpu.memory_space<vmem>>, vector<16xi32>,
      %get3A_158 = vector.shape_cast %get3A_157 : vector<16xi32> to vector<16xi32>
      %and3A_159 = vector.broadcast %cond3A : i32 to vector<16xi32>
      %and3A_160 = arith.andi %get3A_158, %and3A_159 : vector<16xi32>
      %swap3A_161 = arith.constant 0 : i32
      %swap3A_162 = arith.index_cast %swap3A_161 : i32 to index
      %swap3A_163 = arith.constant 80 : index
      %swap3A_164 = tpu.vector_load %arg9[%swap3A_162, %swap3A_163] {strides = array<i32>} : memref<2x128xi32, #tpu.memory_space<vmem>>, vector<1x16xi32>,
      %swap3A_165 = vector.shape_cast %swap3A_164 : vector<1x16xi32> to vector<16xi32>
      %swap3A_166 = vector.shape_cast %and3A_160 : vector<16xi32> to vector<1x16xi32>
      tpu.vector_store %arg9[%swap3A_162, %swap3A_163], %swap3A_166 {strides = array<i32>} : memref<2x128xi32, #tpu.memory_space<vmem>>, vector<1x16xi32>,
      %shift_right_logical3A_167 = arith.constant 17 : i32
      %shift_right_logical3A_168 = vector.broadcast %shift_right_logical3A_167 : i32 to vector<16xi32>
      %shift_right_logical3A_169 = arith.shrui %get3A_158, %shift_right_logical3A_168 : vector<16xi32>
      %swap3A_170 = arith.constant 1 : i32
      %swap3A_171 = arith.index_cast %swap3A_170 : i32 to index
      %swap3A_172 = arith.constant 80 : index
      %swap3A_173 = tpu.vector_load %arg9[%swap3A_171, %swap3A_172] {strides = array<i32>} : memref<2x128xi32, #tpu.memory_space<vmem>>, vector<1x16xi32>,
      %swap3A_174 = vector.shape_cast %swap3A_173 : vector<1x16xi32> to vector<16xi32>
      %swap3A_175 = vector.shape_cast %shift_right_logical3A_169 : vector<16xi32> to vector<1x16xi32>
      tpu.vector_store %arg9[%swap3A_171, %swap3A_172], %swap3A_175 {strides = array<i32>} : memref<2x128xi32, #tpu.memory_space<vmem>>, vector<1x16xi32>,
      %add3A_176 = arith.constant 96 : i32
      %add3A_177 = arith.addi %mul3A_47, %add3A_176 : i32
      %get3A_178 = arith.index_cast %add3A_177 : i32 to index
      %get3A_179 = tpu.vector_load %arg5[%get3A_178] {strides = array<i32>} : memref<8192xi32, #tpu.memory_space<vmem>>, vector<16xi32>,
      %get3A_180 = vector.shape_cast %get3A_179 : vector<16xi32> to vector<16xi32>
      %and3A_181 = vector.broadcast %cond3A : i32 to vector<16xi32>
      %and3A_182 = arith.andi %get3A_180, %and3A_181 : vector<16xi32>
      %swap3A_183 = arith.constant 0 : i32
      %swap3A_184 = arith.index_cast %swap3A_183 : i32 to index
      %swap3A_185 = arith.constant 96 : index
      %swap3A_186 = tpu.vector_load %arg9[%swap3A_184, %swap3A_185] {strides = array<i32>} : memref<2x128xi32, #tpu.memory_space<vmem>>, vector<1x16xi32>,
      %swap3A_187 = vector.shape_cast %swap3A_186 : vector<1x16xi32> to vector<16xi32>
      %swap3A_188 = vector.shape_cast %and3A_182 : vector<16xi32> to vector<1x16xi32>
      tpu.vector_store %arg9[%swap3A_184, %swap3A_185], %swap3A_188 {strides = array<i32>} : memref<2x128xi32, #tpu.memory_space<vmem>>, vector<1x16xi32>,
      %shift_right_logical3A_189 = arith.constant 17 : i32
      %shift_right_logical3A_190 = vector.broadcast %shift_right_logical3A_189 : i32 to vector<16xi32>
      %shift_right_logical3A_191 = arith.shrui %get3A_180, %shift_right_logical3A_190 : vector<16xi32>
      %swap3A_192 = arith.constant 1 : i32
      %swap3A_193 = arith.index_cast %swap3A_192 : i32 to index
      %swap3A_194 = arith.constant 96 : index
      %swap3A_195 = tpu.vector_load %arg9[%swap3A_193, %swap3A_194] {strides = array<i32>} : memref<2x128xi32, #tpu.memory_space<vmem>>, vector<1x16xi32>,
      %swap3A_196 = vector.shape_cast %swap3A_195 : vector<1x16xi32> to vector<16xi32>
      %swap3A_197 = vector.shape_cast %shift_right_logical3A_191 : vector<16xi32> to vector<1x16xi32>
      tpu.vector_store %arg9[%swap3A_193, %swap3A_194], %swap3A_197 {strides = array<i32>} : memref<2x128xi32, #tpu.memory_space<vmem>>, vector<1x16xi32>,
      %add3A_198 = arith.constant 112 : i32
      %add3A_199 = arith.addi %mul3A_47, %add3A_198 : i32
      %get3A_200 = arith.index_cast %add3A_199 : i32 to index
      %get3A_201 = tpu.vector_load %arg5[%get3A_200] {strides = array<i32>} : memref<8192xi32, #tpu.memory_space<vmem>>, vector<16xi32>,
      %get3A_202 = vector.shape_cast %get3A_201 : vector<16xi32> to vector<16xi32>
      %and3A_203 = vector.broadcast %cond3A : i32 to vector<16xi32>
      %and3A_204 = arith.andi %get3A_202, %and3A_203 : vector<16xi32>
      %swap3A_205 = arith.constant 0 : i32
      %swap3A_206 = arith.index_cast %swap3A_205 : i32 to index
      %swap3A_207 = arith.constant 112 : index
      %swap3A_208 = tpu.vector_load %arg9[%swap3A_206, %swap3A_207] {strides = array<i32>} : memref<2x128xi32, #tpu.memory_space<vmem>>, vector<1x16xi32>,
      %swap3A_209 = vector.shape_cast %swap3A_208 : vector<1x16xi32> to vector<16xi32>
      %swap3A_210 = vector.shape_cast %and3A_204 : vector<16xi32> to vector<1x16xi32>
      tpu.vector_store %arg9[%swap3A_206, %swap3A_207], %swap3A_210 {strides = array<i32>} : memref<2x128xi32, #tpu.memory_space<vmem>>, vector<1x16xi32>,
      %shift_right_logical3A_211 = arith.constant 17 : i32
      %shift_right_logical3A_212 = vector.broadcast %shift_right_logical3A_211 : i32 to vector<16xi32>
      %shift_right_logical3A_213 = arith.shrui %get3A_202, %shift_right_logical3A_212 : vector<16xi32>
      %swap3A_214 = arith.constant 1 : i32
      %swap3A_215 = arith.index_cast %swap3A_214 : i32 to index
      %swap3A_216 = arith.constant 112 : index
      %swap3A_217 = tpu.vector_load %arg9[%swap3A_215, %swap3A_216] {strides = array<i32>} : memref<2x128xi32, #tpu.memory_space<vmem>>, vector<1x16xi32>,
      %swap3A_218 = vector.shape_cast %swap3A_217 : vector<1x16xi32> to vector<16xi32>
      %swap3A_219 = vector.shape_cast %shift_right_logical3A_213 : vector<16xi32> to vector<1x16xi32>
      tpu.vector_store %arg9[%swap3A_215, %swap3A_216], %swap3A_219 {strides = array<i32>} : memref<2x128xi32, #tpu.memory_space<vmem>>, vector<1x16xi32>,
      %dma_start3A = arith.constant 0 : i32
      %dma_start3A_220 = arith.constant 0 : i32
      %dma_start3A_221 = tpu.memref_slice %arg9[%dma_start3A, %dma_start3A_220] : memref<2x128xi32, #tpu.memory_space<vmem>> -> memref<1x128xi32, #tpu.memory_space<vmem>>
      %dma_start3A_222 = tpu.memref_squeeze %dma_start3A_221 : memref<1x128xi32, #tpu.memory_space<vmem>> -> memref<128xi32, #tpu.memory_space<vmem>>
      %dma_start3A_223 = arith.constant 0 : i32
      %dma_start3A_224 = arith.constant 0 : i32
      %dma_start3A_225 = tpu.memref_slice %arg2[%dma_start3A_223, %dma_start3A_224] : memref<80000x128xf32, #tpu.memory_space<hbm>> -> memref<80000x128xf32, #tpu.memory_space<hbm>>
      tpu.enqueue_indirect_dma source(%dma_start3A_225 : memref<80000x128xf32, #tpu.memory_space<hbm>>) target(%arg7 : memref<128x128xf32, #tpu.memory_space<vmem>>) offsets(%dma_start3A_222 : memref<128xi32, #tpu.memory_space<vmem>>) semaphore(%arg11 : memref<!tpu.dma_semaphore, #tpu.memory_space<semaphore_mem>>)
      %rem3A_226 = arith.constant 1 : i32
      %rem3A_227 = arith.constant 64 : i32
      %rem3A_228 = arith.remsi %rem3A_226, %rem3A_227 : i32
      %mul3A_229 = arith.constant 128 : i32
      %mul3A_230 = arith.muli %rem3A_228, %mul3A_229 : i32
      %add3A_231 = arith.constant 0 : i32
      %add3A_232 = arith.addi %mul3A_230, %add3A_231 : i32
      %get3A_233 = arith.index_cast %add3A_232 : i32 to index
      %get3A_234 = tpu.vector_load %arg5[%get3A_233] {strides = array<i32>} : memref<8192xi32, #tpu.memory_space<vmem>>, vector<16xi32>,
      %get3A_235 = vector.shape_cast %get3A_234 : vector<16xi32> to vector<16xi32>
      %and3A_236 = vector.broadcast %cond3A : i32 to vector<16xi32>
      %and3A_237 = arith.andi %get3A_235, %and3A_236 : vector<16xi32>
      %swap3A_238 = arith.constant 0 : i32
      %swap3A_239 = arith.index_cast %swap3A_238 : i32 to index
      %swap3A_240 = arith.constant 0 : index
      %swap3A_241 = tpu.vector_load %arg10[%swap3A_239, %swap3A_240] {strides = array<i32>} : memref<2x128xi32, #tpu.memory_space<vmem>>, vector<1x16xi32>,
      %swap3A_242 = vector.shape_cast %swap3A_241 : vector<1x16xi32> to vector<16xi32>
      %swap3A_243 = vector.shape_cast %and3A_237 : vector<16xi32> to vector<1x16xi32>
      tpu.vector_store %arg10[%swap3A_239, %swap3A_240], %swap3A_243 {strides = array<i32>} : memref<2x128xi32, #tpu.memory_space<vmem>>, vector<1x16xi32>,
      %shift_right_logical3A_244 = arith.constant 17 : i32
      %shift_right_logical3A_245 = vector.broadcast %shift_right_logical3A_244 : i32 to vector<16xi32>
      %shift_right_logical3A_246 = arith.shrui %get3A_235, %shift_right_logical3A_245 : vector<16xi32>
      %swap3A_247 = arith.constant 1 : i32
      %swap3A_248 = arith.index_cast %swap3A_247 : i32 to index
      %swap3A_249 = arith.constant 0 : index
      %swap3A_250 = tpu.vector_load %arg10[%swap3A_248, %swap3A_249] {strides = array<i32>} : memref<2x128xi32, #tpu.memory_space<vmem>>, vector<1x16xi32>,
      %swap3A_251 = vector.shape_cast %swap3A_250 : vector<1x16xi32> to vector<16xi32>
      %swap3A_252 = vector.shape_cast %shift_right_logical3A_246 : vector<16xi32> to vector<1x16xi32>
      tpu.vector_store %arg10[%swap3A_248, %swap3A_249], %swap3A_252 {strides = array<i32>} : memref<2x128xi32, #tpu.memory_space<vmem>>, vector<1x16xi32>,
      %add3A_253 = arith.constant 16 : i32
      %add3A_254 = arith.addi %mul3A_230, %add3A_253 : i32
      %get3A_255 = arith.index_cast %add3A_254 : i32 to index
      %get3A_256 = tpu.vector_load %arg5[%get3A_255] {strides = array<i32>} : memref<8192xi32, #tpu.memory_space<vmem>>, vector<16xi32>,
      %get3A_257 = vector.shape_cast %get3A_256 : vector<16xi32> to vector<16xi32>
      %and3A_258 = vector.broadcast %cond3A : i32 to vector<16xi32>
      %and3A_259 = arith.andi %get3A_257, %and3A_258 : vector<16xi32>
      %swap3A_260 = arith.constant 0 : i32
      %swap3A_261 = arith.index_cast %swap3A_260 : i32 to index
      %swap3A_262 = arith.constant 16 : index
      %swap3A_263 = tpu.vector_load %arg10[%swap3A_261, %swap3A_262] {strides = array<i32>} : memref<2x128xi32, #tpu.memory_space<vmem>>, vector<1x16xi32>,
      %swap3A_264 = vector.shape_cast %swap3A_263 : vector<1x16xi32> to vector<16xi32>
      %swap3A_265 = vector.shape_cast %and3A_259 : vector<16xi32> to vector<1x16xi32>
      tpu.vector_store %arg10[%swap3A_261, %swap3A_262], %swap3A_265 {strides = array<i32>} : memref<2x128xi32, #tpu.memory_space<vmem>>, vector<1x16xi32>,
      %shift_right_logical3A_266 = arith.constant 17 : i32
      %shift_right_logical3A_267 = vector.broadcast %shift_right_logical3A_266 : i32 to vector<16xi32>
      %shift_right_logical3A_268 = arith.shrui %get3A_257, %shift_right_logical3A_267 : vector<16xi32>
      %swap3A_269 = arith.constant 1 : i32
      %swap3A_270 = arith.index_cast %swap3A_269 : i32 to index
      %swap3A_271 = arith.constant 16 : index
      %swap3A_272 = tpu.vector_load %arg10[%swap3A_270, %swap3A_271] {strides = array<i32>} : memref<2x128xi32, #tpu.memory_space<vmem>>, vector<1x16xi32>,
      %swap3A_273 = vector.shape_cast %swap3A_272 : vector<1x16xi32> to vector<16xi32>
      %swap3A_274 = vector.shape_cast %shift_right_logical3A_268 : vector<16xi32> to vector<1x16xi32>
      tpu.vector_store %arg10[%swap3A_270, %swap3A_271], %swap3A_274 {strides = array<i32>} : memref<2x128xi32, #tpu.memory_space<vmem>>, vector<1x16xi32>,
      %add3A_275 = arith.constant 32 : i32
      %add3A_276 = arith.addi %mul3A_230, %add3A_275 : i32
      %get3A_277 = arith.index_cast %add3A_276 : i32 to index
      %get3A_278 = tpu.vector_load %arg5[%get3A_277] {strides = array<i32>} : memref<8192xi32, #tpu.memory_space<vmem>>, vector<16xi32>,
      %get3A_279 = vector.shape_cast %get3A_278 : vector<16xi32> to vector<16xi32>
      %and3A_280 = vector.broadcast %cond3A : i32 to vector<16xi32>
      %and3A_281 = arith.andi %get3A_279, %and3A_280 : vector<16xi32>
      %swap3A_282 = arith.constant 0 : i32
      %swap3A_283 = arith.index_cast %swap3A_282 : i32 to index
      %swap3A_284 = arith.constant 32 : index
      %swap3A_285 = tpu.vector_load %arg10[%swap3A_283, %swap3A_284] {strides = array<i32>} : memref<2x128xi32, #tpu.memory_space<vmem>>, vector<1x16xi32>,
      %swap3A_286 = vector.shape_cast %swap3A_285 : vector<1x16xi32> to vector<16xi32>
      %swap3A_287 = vector.shape_cast %and3A_281 : vector<16xi32> to vector<1x16xi32>
      tpu.vector_store %arg10[%swap3A_283, %swap3A_284], %swap3A_287 {strides = array<i32>} : memref<2x128xi32, #tpu.memory_space<vmem>>, vector<1x16xi32>,
      %shift_right_logical3A_288 = arith.constant 17 : i32
      %shift_right_logical3A_289 = vector.broadcast %shift_right_logical3A_288 : i32 to vector<16xi32>
      %shift_right_logical3A_290 = arith.shrui %get3A_279, %shift_right_logical3A_289 : vector<16xi32>
      %swap3A_291 = arith.constant 1 : i32
      %swap3A_292 = arith.index_cast %swap3A_291 : i32 to index
      %swap3A_293 = arith.constant 32 : index
      %swap3A_294 = tpu.vector_load %arg10[%swap3A_292, %swap3A_293] {strides = array<i32>} : memref<2x128xi32, #tpu.memory_space<vmem>>, vector<1x16xi32>,
      %swap3A_295 = vector.shape_cast %swap3A_294 : vector<1x16xi32> to vector<16xi32>
      %swap3A_296 = vector.shape_cast %shift_right_logical3A_290 : vector<16xi32> to vector<1x16xi32>
      tpu.vector_store %arg10[%swap3A_292, %swap3A_293], %swap3A_296 {strides = array<i32>} : memref<2x128xi32, #tpu.memory_space<vmem>>, vector<1x16xi32>,
      %add3A_297 = arith.constant 48 : i32
      %add3A_298 = arith.addi %mul3A_230, %add3A_297 : i32
      %get3A_299 = arith.index_cast %add3A_298 : i32 to index
      %get3A_300 = tpu.vector_load %arg5[%get3A_299] {strides = array<i32>} : memref<8192xi32, #tpu.memory_space<vmem>>, vector<16xi32>,
      %get3A_301 = vector.shape_cast %get3A_300 : vector<16xi32> to vector<16xi32>
      %and3A_302 = vector.broadcast %cond3A : i32 to vector<16xi32>
      %and3A_303 = arith.andi %get3A_301, %and3A_302 : vector<16xi32>
      %swap3A_304 = arith.constant 0 : i32
      %swap3A_305 = arith.index_cast %swap3A_304 : i32 to index
      %swap3A_306 = arith.constant 48 : index
      %swap3A_307 = tpu.vector_load %arg10[%swap3A_305, %swap3A_306] {strides = array<i32>} : memref<2x128xi32, #tpu.memory_space<vmem>>, vector<1x16xi32>,
      %swap3A_308 = vector.shape_cast %swap3A_307 : vector<1x16xi32> to vector<16xi32>
      %swap3A_309 = vector.shape_cast %and3A_303 : vector<16xi32> to vector<1x16xi32>
      tpu.vector_store %arg10[%swap3A_305, %swap3A_306], %swap3A_309 {strides = array<i32>} : memref<2x128xi32, #tpu.memory_space<vmem>>, vector<1x16xi32>,
      %shift_right_logical3A_310 = arith.constant 17 : i32
      %shift_right_logical3A_311 = vector.broadcast %shift_right_logical3A_310 : i32 to vector<16xi32>
      %shift_right_logical3A_312 = arith.shrui %get3A_301, %shift_right_logical3A_311 : vector<16xi32>
      %swap3A_313 = arith.constant 1 : i32
      %swap3A_314 = arith.index_cast %swap3A_313 : i32 to index
      %swap3A_315 = arith.constant 48 : index
      %swap3A_316 = tpu.vector_load %arg10[%swap3A_314, %swap3A_315] {strides = array<i32>} : memref<2x128xi32, #tpu.memory_space<vmem>>, vector<1x16xi32>,
      %swap3A_317 = vector.shape_cast %swap3A_316 : vector<1x16xi32> to vector<16xi32>
      %swap3A_318 = vector.shape_cast %shift_right_logical3A_312 : vector<16xi32> to vector<1x16xi32>
      tpu.vector_store %arg10[%swap3A_314, %swap3A_315], %swap3A_318 {strides = array<i32>} : memref<2x128xi32, #tpu.memory_space<vmem>>, vector<1x16xi32>,
      %add3A_319 = arith.constant 64 : i32
      %add3A_320 = arith.addi %mul3A_230, %add3A_319 : i32
      %get3A_321 = arith.index_cast %add3A_320 : i32 to index
      %get3A_322 = tpu.vector_load %arg5[%get3A_321] {strides = array<i32>} : memref<8192xi32, #tpu.memory_space<vmem>>, vector<16xi32>,
      %get3A_323 = vector.shape_cast %get3A_322 : vector<16xi32> to vector<16xi32>
      %and3A_324 = vector.broadcast %cond3A : i32 to vector<16xi32>
      %and3A_325 = arith.andi %get3A_323, %and3A_324 : vector<16xi32>
      %swap3A_326 = arith.constant 0 : i32
      %swap3A_327 = arith.index_cast %swap3A_326 : i32 to index
      %swap3A_328 = arith.constant 64 : index
      %swap3A_329 = tpu.vector_load %arg10[%swap3A_327, %swap3A_328] {strides = array<i32>} : memref<2x128xi32, #tpu.memory_space<vmem>>, vector<1x16xi32>,
      %swap3A_330 = vector.shape_cast %swap3A_329 : vector<1x16xi32> to vector<16xi32>
      %swap3A_331 = vector.shape_cast %and3A_325 : vector<16xi32> to vector<1x16xi32>
      tpu.vector_store %arg10[%swap3A_327, %swap3A_328], %swap3A_331 {strides = array<i32>} : memref<2x128xi32, #tpu.memory_space<vmem>>, vector<1x16xi32>,
      %shift_right_logical3A_332 = arith.constant 17 : i32
      %shift_right_logical3A_333 = vector.broadcast %shift_right_logical3A_332 : i32 to vector<16xi32>
      %shift_right_logical3A_334 = arith.shrui %get3A_323, %shift_right_logical3A_333 : vector<16xi32>
      %swap3A_335 = arith.constant 1 : i32
      %swap3A_336 = arith.index_cast %swap3A_335 : i32 to index
      %swap3A_337 = arith.constant 64 : index
      %swap3A_338 = tpu.vector_load %arg10[%swap3A_336, %swap3A_337] {strides = array<i32>} : memref<2x128xi32, #tpu.memory_space<vmem>>, vector<1x16xi32>,
      %swap3A_339 = vector.shape_cast %swap3A_338 : vector<1x16xi32> to vector<16xi32>
      %swap3A_340 = vector.shape_cast %shift_right_logical3A_334 : vector<16xi32> to vector<1x16xi32>
      tpu.vector_store %arg10[%swap3A_336, %swap3A_337], %swap3A_340 {strides = array<i32>} : memref<2x128xi32, #tpu.memory_space<vmem>>, vector<1x16xi32>,
      %add3A_341 = arith.constant 80 : i32
      %add3A_342 = arith.addi %mul3A_230, %add3A_341 : i32
      %get3A_343 = arith.index_cast %add3A_342 : i32 to index
      %get3A_344 = tpu.vector_load %arg5[%get3A_343] {strides = array<i32>} : memref<8192xi32, #tpu.memory_space<vmem>>, vector<16xi32>,
      %get3A_345 = vector.shape_cast %get3A_344 : vector<16xi32> to vector<16xi32>
      %and3A_346 = vector.broadcast %cond3A : i32 to vector<16xi32>
      %and3A_347 = arith.andi %get3A_345, %and3A_346 : vector<16xi32>
      %swap3A_348 = arith.constant 0 : i32
      %swap3A_349 = arith.index_cast %swap3A_348 : i32 to index
      %swap3A_350 = arith.constant 80 : index
      %swap3A_351 = tpu.vector_load %arg10[%swap3A_349, %swap3A_350] {strides = array<i32>} : memref<2x128xi32, #tpu.memory_space<vmem>>, vector<1x16xi32>,
      %swap3A_352 = vector.shape_cast %swap3A_351 : vector<1x16xi32> to vector<16xi32>
      %swap3A_353 = vector.shape_cast %and3A_347 : vector<16xi32> to vector<1x16xi32>
      tpu.vector_store %arg10[%swap3A_349, %swap3A_350], %swap3A_353 {strides = array<i32>} : memref<2x128xi32, #tpu.memory_space<vmem>>, vector<1x16xi32>,
      %shift_right_logical3A_354 = arith.constant 17 : i32
      %shift_right_logical3A_355 = vector.broadcast %shift_right_logical3A_354 : i32 to vector<16xi32>
      %shift_right_logical3A_356 = arith.shrui %get3A_345, %shift_right_logical3A_355 : vector<16xi32>
      %swap3A_357 = arith.constant 1 : i32
      %swap3A_358 = arith.index_cast %swap3A_357 : i32 to index
      %swap3A_359 = arith.constant 80 : index
      %swap3A_360 = tpu.vector_load %arg10[%swap3A_358, %swap3A_359] {strides = array<i32>} : memref<2x128xi32, #tpu.memory_space<vmem>>, vector<1x16xi32>,
      %swap3A_361 = vector.shape_cast %swap3A_360 : vector<1x16xi32> to vector<16xi32>
      %swap3A_362 = vector.shape_cast %shift_right_logical3A_356 : vector<16xi32> to vector<1x16xi32>
      tpu.vector_store %arg10[%swap3A_358, %swap3A_359], %swap3A_362 {strides = array<i32>} : memref<2x128xi32, #tpu.memory_space<vmem>>, vector<1x16xi32>,
      %add3A_363 = arith.constant 96 : i32
      %add3A_364 = arith.addi %mul3A_230, %add3A_363 : i32
      %get3A_365 = arith.index_cast %add3A_364 : i32 to index
      %get3A_366 = tpu.vector_load %arg5[%get3A_365] {strides = array<i32>} : memref<8192xi32, #tpu.memory_space<vmem>>, vector<16xi32>,
      %get3A_367 = vector.shape_cast %get3A_366 : vector<16xi32> to vector<16xi32>
      %and3A_368 = vector.broadcast %cond3A : i32 to vector<16xi32>
      %and3A_369 = arith.andi %get3A_367, %and3A_368 : vector<16xi32>
      %swap3A_370 = arith.constant 0 : i32
      %swap3A_371 = arith.index_cast %swap3A_370 : i32 to index
      %swap3A_372 = arith.constant 96 : index
      %swap3A_373 = tpu.vector_load %arg10[%swap3A_371, %swap3A_372] {strides = array<i32>} : memref<2x128xi32, #tpu.memory_space<vmem>>, vector<1x16xi32>,
      %swap3A_374 = vector.shape_cast %swap3A_373 : vector<1x16xi32> to vector<16xi32>
      %swap3A_375 = vector.shape_cast %and3A_369 : vector<16xi32> to vector<1x16xi32>
      tpu.vector_store %arg10[%swap3A_371, %swap3A_372], %swap3A_375 {strides = array<i32>} : memref<2x128xi32, #tpu.memory_space<vmem>>, vector<1x16xi32>,
      %shift_right_logical3A_376 = arith.constant 17 : i32
      %shift_right_logical3A_377 = vector.broadcast %shift_right_logical3A_376 : i32 to vector<16xi32>
      %shift_right_logical3A_378 = arith.shrui %get3A_367, %shift_right_logical3A_377 : vector<16xi32>
      %swap3A_379 = arith.constant 1 : i32
      %swap3A_380 = arith.index_cast %swap3A_379 : i32 to index
      %swap3A_381 = arith.constant 96 : index
      %swap3A_382 = tpu.vector_load %arg10[%swap3A_380, %swap3A_381] {strides = array<i32>} : memref<2x128xi32, #tpu.memory_space<vmem>>, vector<1x16xi32>,
      %swap3A_383 = vector.shape_cast %swap3A_382 : vector<1x16xi32> to vector<16xi32>
      %swap3A_384 = vector.shape_cast %shift_right_logical3A_378 : vector<16xi32> to vector<1x16xi32>
      tpu.vector_store %arg10[%swap3A_380, %swap3A_381], %swap3A_384 {strides = array<i32>} : memref<2x128xi32, #tpu.memory_space<vmem>>, vector<1x16xi32>,
      %add3A_385 = arith.constant 112 : i32
      %add3A_386 = arith.addi %mul3A_230, %add3A_385 : i32
      %get3A_387 = arith.index_cast %add3A_386 : i32 to index
      %get3A_388 = tpu.vector_load %arg5[%get3A_387] {strides = array<i32>} : memref<8192xi32, #tpu.memory_space<vmem>>, vector<16xi32>,
      %get3A_389 = vector.shape_cast %get3A_388 : vector<16xi32> to vector<16xi32>
      %and3A_390 = vector.broadcast %cond3A : i32 to vector<16xi32>
      %and3A_391 = arith.andi %get3A_389, %and3A_390 : vector<16xi32>
      %swap3A_392 = arith.constant 0 : i32
      %swap3A_393 = arith.index_cast %swap3A_392 : i32 to index
      %swap3A_394 = arith.constant 112 : index
      %swap3A_395 = tpu.vector_load %arg10[%swap3A_393, %swap3A_394] {strides = array<i32>} : memref<2x128xi32, #tpu.memory_space<vmem>>, vector<1x16xi32>,
      %swap3A_396 = vector.shape_cast %swap3A_395 : vector<1x16xi32> to vector<16xi32>
      %swap3A_397 = vector.shape_cast %and3A_391 : vector<16xi32> to vector<1x16xi32>
      tpu.vector_store %arg10[%swap3A_393, %swap3A_394], %swap3A_397 {strides = array<i32>} : memref<2x128xi32, #tpu.memory_space<vmem>>, vector<1x16xi32>,
      %shift_right_logical3A_398 = arith.constant 17 : i32
      %shift_right_logical3A_399 = vector.broadcast %shift_right_logical3A_398 : i32 to vector<16xi32>
      %shift_right_logical3A_400 = arith.shrui %get3A_389, %shift_right_logical3A_399 : vector<16xi32>
      %swap3A_401 = arith.constant 1 : i32
      %swap3A_402 = arith.index_cast %swap3A_401 : i32 to index
      %swap3A_403 = arith.constant 112 : index
      %swap3A_404 = tpu.vector_load %arg10[%swap3A_402, %swap3A_403] {strides = array<i32>} : memref<2x128xi32, #tpu.memory_space<vmem>>, vector<1x16xi32>,
      %swap3A_405 = vector.shape_cast %swap3A_404 : vector<1x16xi32> to vector<16xi32>
      %swap3A_406 = vector.shape_cast %shift_right_logical3A_400 : vector<16xi32> to vector<1x16xi32>
      tpu.vector_store %arg10[%swap3A_402, %swap3A_403], %swap3A_406 {strides = array<i32>} : memref<2x128xi32, #tpu.memory_space<vmem>>, vector<1x16xi32>,
      %dma_start3A_407 = arith.constant 0 : i32
      %dma_start3A_408 = arith.constant 0 : i32
      %dma_start3A_409 = tpu.memref_slice %arg10[%dma_start3A_407, %dma_start3A_408] : memref<2x128xi32, #tpu.memory_space<vmem>> -> memref<1x128xi32, #tpu.memory_space<vmem>>
      %dma_start3A_410 = tpu.memref_squeeze %dma_start3A_409 : memref<1x128xi32, #tpu.memory_space<vmem>> -> memref<128xi32, #tpu.memory_space<vmem>>
      %dma_start3A_411 = arith.constant 0 : i32
      %dma_start3A_412 = arith.constant 0 : i32
      %dma_start3A_413 = tpu.memref_slice %arg2[%dma_start3A_411, %dma_start3A_412] : memref<80000x128xf32, #tpu.memory_space<hbm>> -> memref<80000x128xf32, #tpu.memory_space<hbm>>
      tpu.enqueue_indirect_dma source(%dma_start3A_413 : memref<80000x128xf32, #tpu.memory_space<hbm>>) target(%arg8 : memref<128x128xf32, #tpu.memory_space<vmem>>) offsets(%dma_start3A_410 : memref<128xi32, #tpu.memory_space<vmem>>) semaphore(%arg12 : memref<!tpu.dma_semaphore, #tpu.memory_space<semaphore_mem>>)
      %barrier3A_414 = arith.constant 0 : index
      tpu.barrier barrier_id(%barrier3A_414)
      %scan3A_415 = arith.constant 0 : i32
      %scan3A_416 = arith.constant 0 : i32
      %scan3A_417 = arith.constant 64 : i32
      %scan3A_418 = arith.addi %scan3A_416, %scan3A_417 : i32
      %scan3A_419 = arith.constant 1 : i32
      scf.for %scan3A_421 = %scan3A_416 to %scan3A_418 step %scan3A_419  : i32 {
        %rem3A_422 = arith.constant 32 : i32
        %rem3A_423 = arith.remsi %scan3A_421, %rem3A_422 : i32
        %eq3A_424 = arith.constant 31 : i32
        %eq3A_425 = arith.cmpi eq, %rem3A_423, %eq3A_424 : i32
        %lt3A = arith.constant 63 : i32
        %lt3A_426 = arith.cmpi slt, %scan3A_421, %lt3A : i32
        %and3A_427 = arith.andi %eq3A_425, %lt3A_426 : i1
        %convert_element_type3A_428 = arith.extui %and3A_427 : i1 to i32
        %cond3A_429 = arith.constant 0 : i32
        %cond3A_430 = arith.cmpi ne, %convert_element_type3A_428, %cond3A_429 : i32
        scf.if %cond3A_430 {
          %jit3A = arith.constant 32 : i32
          %div3A = arith.divsi %scan3A_421, %jit3A : i32
          %sign3A = arith.constant 0 : i32
          %sign3A_463 = arith.cmpi sgt, %scan3A_421, %sign3A : i32
          %sign3A_464 = arith.extui %sign3A_463 : i1 to i32
          %sign3A_465 = arith.constant 0 : i32
          %sign3A_466 = arith.cmpi slt, %scan3A_421, %sign3A_465 : i32
          %sign3A_467 = arith.extui %sign3A_466 : i1 to i32
          %sign3A_468 = arith.subi %sign3A_464, %sign3A_467 : i32
          %sign3A_469 = arith.constant 0 : i32
          %sign3A_470 = arith.cmpi sgt, %jit3A, %sign3A_469 : i32
          %sign3A_471 = arith.extui %sign3A_470 : i1 to i32
          %sign3A_472 = arith.constant 0 : i32
          %sign3A_473 = arith.cmpi slt, %jit3A, %sign3A_472 : i32
          %sign3A_474 = arith.extui %sign3A_473 : i1 to i32
          %sign3A_475 = arith.subi %sign3A_471, %sign3A_474 : i32
          %ne3A_476 = arith.cmpi ne, %sign3A_468, %sign3A_475 : i32
          %rem3A_477 = arith.remsi %scan3A_421, %jit3A : i32
          %ne3A_478 = arith.constant 0 : i32
          %ne3A_479 = arith.cmpi ne, %rem3A_477, %ne3A_478 : i32
          %and3A_480 = arith.andi %ne3A_476, %ne3A_479 : i1
          %sub3A = arith.constant 1 : i32
          %sub3A_481 = arith.subi %div3A, %sub3A : i32
          %select_n3A_482 = arith.select %and3A_480, %sub3A_481, %div3A : i32
          %add3A_483 = arith.constant 1 : i32
          %add3A_484 = arith.addi %select_n3A_482, %add3A_483 : i32
          %mul3A_485 = arith.constant 8192 : i32
          %mul3A_486 = arith.muli %add3A_484, %mul3A_485 : i32
          %add3A_487 = arith.addi %select_n3A, %mul3A_486 : i32
          "tpu.region"() ({
            %run_scoped3A_488 = tpu.sem_alloc : memref<!tpu.dma_semaphore, #tpu.memory_space<semaphore_mem>>
            %dma_start3A_489 = tpu.memref_slice %arg3[%add3A_487] : memref<327936xi32, #tpu.memory_space<hbm>> -> memref<8192xi32, #tpu.memory_space<hbm>>
            %dma_start3A_490 = tpu.memref_slice %arg3[%add3A_487] : memref<327936xi32, #tpu.memory_space<hbm>> -> memref<8192xi32, #tpu.memory_space<hbm>>
            tpu.enqueue_dma source(%dma_start3A_490 : memref<8192xi32, #tpu.memory_space<hbm>>) target(%arg5 : memref<8192xi32, #tpu.memory_space<vmem>>) target_semaphore(%run_scoped3A_488 : memref<!tpu.dma_semaphore, #tpu.memory_space<semaphore_mem>>)
            %dma_wait3A_491 = tpu.memref_slice %arg3[%add3A_487] : memref<327936xi32, #tpu.memory_space<hbm>> -> memref<8192xi32, #tpu.memory_space<hbm>>
            %dma_wait3A_492 = tpu.memref_slice %arg3[%add3A_487] : memref<327936xi32, #tpu.memory_space<hbm>> -> memref<8192xi32, #tpu.memory_space<hbm>>
            tpu.wait_dma2 semaphore(%run_scoped3A_488 : memref<!tpu.dma_semaphore, #tpu.memory_space<semaphore_mem>>) src(%dma_wait3A_492 : memref<8192xi32, #tpu.memory_space<hbm>>) dst(%arg5 : memref<8192xi32, #tpu.memory_space<vmem>>)
            tpu.yield
          }) : () -> ()
        } else {
        }
        %mul3A_431 = arith.constant 2 : i32
        %mul3A_432 = arith.muli %scan3A_421, %mul3A_431 : i32
        %add3A_433 = arith.constant 0 : i32
        %add3A_434 = arith.addi %mul3A_432, %add3A_433 : i32
        %dma_wait3A = arith.constant 0 : i32
        %dma_wait3A_435 = arith.constant 0 : i32
        %dma_wait3A_436 = tpu.memref_slice %arg9[%dma_wait3A, %dma_wait3A_435] : memref<2x128xi32, #tpu.memory_space<vmem>> -> memref<1x128xi32, #tpu.memory_space<vmem>>
        %dma_wait3A_437 = tpu.memref_squeeze %dma_wait3A_436 : memref<1x128xi32, #tpu.memory_space<vmem>> -> memref<128xi32, #tpu.memory_space<vmem>>
        %dma_wait3A_438 = arith.constant 0 : i32
        %dma_wait3A_439 = arith.constant 0 : i32
        %dma_wait3A_440 = tpu.memref_slice %arg2[%dma_wait3A_438, %dma_wait3A_439] : memref<80000x128xf32, #tpu.memory_space<hbm>> -> memref<80000x128xf32, #tpu.memory_space<hbm>>
        tpu.wait_indirect_dma semaphore(%arg11 : memref<!tpu.dma_semaphore, #tpu.memory_space<semaphore_mem>>) src(%dma_wait3A_440 : memref<80000x128xf32, #tpu.memory_space<hbm>>) dst(%arg7 : memref<128x128xf32, #tpu.memory_space<vmem>>)
        %run_scoped3A = arith.constant 1 : i32
        "tpu.region"() ({
          %run_scoped3A_463 = tpu.sem_alloc : memref<!tpu.dma_semaphore, #tpu.memory_space<semaphore_mem>>
          %dma_start3A_464 = arith.constant 0 : i32
          %dma_start3A_465 = tpu.memref_slice %arg9[%run_scoped3A, %dma_start3A_464] : memref<2x128xi32, #tpu.memory_space<vmem>> -> memref<1x128xi32, #tpu.memory_space<vmem>>
          %dma_start3A_466 = tpu.memref_squeeze %dma_start3A_465 : memref<1x128xi32, #tpu.memory_space<vmem>> -> memref<128xi32, #tpu.memory_space<vmem>>
          %dma_start3A_467 = arith.constant 0 : i32
          %dma_start3A_468 = arith.constant 0 : i32
          %dma_start3A_469 = tpu.memref_slice %arg6[%dma_start3A_467, %dma_start3A_468] : memref<10112x128xf32, #tpu.memory_space<vmem_shared>> -> memref<10112x128xf32, #tpu.memory_space<vmem_shared>>
          tpu.enqueue_indirect_dma source(%arg7 : memref<128x128xf32, #tpu.memory_space<vmem>>) target(%dma_start3A_469 : memref<10112x128xf32, #tpu.memory_space<vmem_shared>>) offsets(%dma_start3A_466 : memref<128xi32, #tpu.memory_space<vmem>>) semaphore(%run_scoped3A_463 : memref<!tpu.dma_semaphore, #tpu.memory_space<semaphore_mem>>) {add = true}
          %dma_wait3A_470 = arith.constant 0 : i32
          %dma_wait3A_471 = tpu.memref_slice %arg9[%run_scoped3A, %dma_wait3A_470] : memref<2x128xi32, #tpu.memory_space<vmem>> -> memref<1x128xi32, #tpu.memory_space<vmem>>
          %dma_wait3A_472 = tpu.memref_squeeze %dma_wait3A_471 : memref<1x128xi32, #tpu.memory_space<vmem>> -> memref<128xi32, #tpu.memory_space<vmem>>
          %dma_wait3A_473 = arith.constant 0 : i32
          %dma_wait3A_474 = arith.constant 0 : i32
          %dma_wait3A_475 = tpu.memref_slice %arg6[%dma_wait3A_473, %dma_wait3A_474] : memref<10112x128xf32, #tpu.memory_space<vmem_shared>> -> memref<10112x128xf32, #tpu.memory_space<vmem_shared>>
          tpu.wait_indirect_dma semaphore(%run_scoped3A_463 : memref<!tpu.dma_semaphore, #tpu.memory_space<semaphore_mem>>) src(%arg7 : memref<128x128xf32, #tpu.memory_space<vmem>>) dst(%dma_wait3A_475 : memref<10112x128xf32, #tpu.memory_space<vmem_shared>>)
          tpu.yield
        }) : () -> ()
        %lt3A_441 = arith.constant 63 : i32
        %lt3A_442 = arith.cmpi slt, %scan3A_421, %lt3A_441 : i32
        %convert_element_type3A_443 = arith.extui %lt3A_442 : i1 to i32
        %cond3A_444 = arith.constant 0 : i32
        %cond3A_445 = arith.cmpi ne, %convert_element_type3A_443, %cond3A_444 : i32
        scf.if %cond3A_445 {
          %add3A_463 = arith.constant 2 : i32
          %add3A_464 = arith.addi %add3A_434, %add3A_463 : i32
          %rem3A_465 = arith.constant 64 : i32
          %rem3A_466 = arith.remsi %add3A_464, %rem3A_465 : i32
          %mul3A_467 = arith.constant 128 : i32
          %mul3A_468 = arith.muli %rem3A_466, %mul3A_467 : i32
          %add3A_469 = arith.constant 0 : i32
          %add3A_470 = arith.addi %mul3A_468, %add3A_469 : i32
          %get3A_471 = arith.index_cast %add3A_470 : i32 to index
          %get3A_472 = tpu.vector_load %arg5[%get3A_471] {strides = array<i32>} : memref<8192xi32, #tpu.memory_space<vmem>>, vector<16xi32>,
          %get3A_473 = vector.shape_cast %get3A_472 : vector<16xi32> to vector<16xi32>
          %and3A_474 = vector.broadcast %cond3A : i32 to vector<16xi32>
          %and3A_475 = arith.andi %get3A_473, %and3A_474 : vector<16xi32>
          %swap3A_476 = arith.constant 0 : i32
          %swap3A_477 = arith.index_cast %swap3A_476 : i32 to index
          %swap3A_478 = arith.constant 0 : index
          %swap3A_479 = tpu.vector_load %arg9[%swap3A_477, %swap3A_478] {strides = array<i32>} : memref<2x128xi32, #tpu.memory_space<vmem>>, vector<1x16xi32>,
          %swap3A_480 = vector.shape_cast %swap3A_479 : vector<1x16xi32> to vector<16xi32>
          %swap3A_481 = vector.shape_cast %and3A_475 : vector<16xi32> to vector<1x16xi32>
          tpu.vector_store %arg9[%swap3A_477, %swap3A_478], %swap3A_481 {strides = array<i32>} : memref<2x128xi32, #tpu.memory_space<vmem>>, vector<1x16xi32>,
          %shift_right_logical3A_482 = arith.constant 17 : i32
          %shift_right_logical3A_483 = vector.broadcast %shift_right_logical3A_482 : i32 to vector<16xi32>
          %shift_right_logical3A_484 = arith.shrui %get3A_473, %shift_right_logical3A_483 : vector<16xi32>
          %swap3A_485 = arith.constant 1 : i32
          %swap3A_486 = arith.index_cast %swap3A_485 : i32 to index
          %swap3A_487 = arith.constant 0 : index
          %swap3A_488 = tpu.vector_load %arg9[%swap3A_486, %swap3A_487] {strides = array<i32>} : memref<2x128xi32, #tpu.memory_space<vmem>>, vector<1x16xi32>,
          %swap3A_489 = vector.shape_cast %swap3A_488 : vector<1x16xi32> to vector<16xi32>
          %swap3A_490 = vector.shape_cast %shift_right_logical3A_484 : vector<16xi32> to vector<1x16xi32>
          tpu.vector_store %arg9[%swap3A_486, %swap3A_487], %swap3A_490 {strides = array<i32>} : memref<2x128xi32, #tpu.memory_space<vmem>>, vector<1x16xi32>,
          %add3A_491 = arith.constant 16 : i32
          %add3A_492 = arith.addi %mul3A_468, %add3A_491 : i32
          %get3A_493 = arith.index_cast %add3A_492 : i32 to index
          %get3A_494 = tpu.vector_load %arg5[%get3A_493] {strides = array<i32>} : memref<8192xi32, #tpu.memory_space<vmem>>, vector<16xi32>,
          %get3A_495 = vector.shape_cast %get3A_494 : vector<16xi32> to vector<16xi32>
          %and3A_496 = vector.broadcast %cond3A : i32 to vector<16xi32>
          %and3A_497 = arith.andi %get3A_495, %and3A_496 : vector<16xi32>
          %swap3A_498 = arith.constant 0 : i32
          %swap3A_499 = arith.index_cast %swap3A_498 : i32 to index
          %swap3A_500 = arith.constant 16 : index
          %swap3A_501 = tpu.vector_load %arg9[%swap3A_499, %swap3A_500] {strides = array<i32>} : memref<2x128xi32, #tpu.memory_space<vmem>>, vector<1x16xi32>,
          %swap3A_502 = vector.shape_cast %swap3A_501 : vector<1x16xi32> to vector<16xi32>
          %swap3A_503 = vector.shape_cast %and3A_497 : vector<16xi32> to vector<1x16xi32>
          tpu.vector_store %arg9[%swap3A_499, %swap3A_500], %swap3A_503 {strides = array<i32>} : memref<2x128xi32, #tpu.memory_space<vmem>>, vector<1x16xi32>,
          %shift_right_logical3A_504 = arith.constant 17 : i32
          %shift_right_logical3A_505 = vector.broadcast %shift_right_logical3A_504 : i32 to vector<16xi32>
          %shift_right_logical3A_506 = arith.shrui %get3A_495, %shift_right_logical3A_505 : vector<16xi32>
          %swap3A_507 = arith.constant 1 : i32
          %swap3A_508 = arith.index_cast %swap3A_507 : i32 to index
          %swap3A_509 = arith.constant 16 : index
          %swap3A_510 = tpu.vector_load %arg9[%swap3A_508, %swap3A_509] {strides = array<i32>} : memref<2x128xi32, #tpu.memory_space<vmem>>, vector<1x16xi32>,
          %swap3A_511 = vector.shape_cast %swap3A_510 : vector<1x16xi32> to vector<16xi32>
          %swap3A_512 = vector.shape_cast %shift_right_logical3A_506 : vector<16xi32> to vector<1x16xi32>
          tpu.vector_store %arg9[%swap3A_508, %swap3A_509], %swap3A_512 {strides = array<i32>} : memref<2x128xi32, #tpu.memory_space<vmem>>, vector<1x16xi32>,
          %add3A_513 = arith.constant 32 : i32
          %add3A_514 = arith.addi %mul3A_468, %add3A_513 : i32
          %get3A_515 = arith.index_cast %add3A_514 : i32 to index
          %get3A_516 = tpu.vector_load %arg5[%get3A_515] {strides = array<i32>} : memref<8192xi32, #tpu.memory_space<vmem>>, vector<16xi32>,
          %get3A_517 = vector.shape_cast %get3A_516 : vector<16xi32> to vector<16xi32>
          %and3A_518 = vector.broadcast %cond3A : i32 to vector<16xi32>
          %and3A_519 = arith.andi %get3A_517, %and3A_518 : vector<16xi32>
          %swap3A_520 = arith.constant 0 : i32
          %swap3A_521 = arith.index_cast %swap3A_520 : i32 to index
          %swap3A_522 = arith.constant 32 : index
          %swap3A_523 = tpu.vector_load %arg9[%swap3A_521, %swap3A_522] {strides = array<i32>} : memref<2x128xi32, #tpu.memory_space<vmem>>, vector<1x16xi32>,
          %swap3A_524 = vector.shape_cast %swap3A_523 : vector<1x16xi32> to vector<16xi32>
          %swap3A_525 = vector.shape_cast %and3A_519 : vector<16xi32> to vector<1x16xi32>
          tpu.vector_store %arg9[%swap3A_521, %swap3A_522], %swap3A_525 {strides = array<i32>} : memref<2x128xi32, #tpu.memory_space<vmem>>, vector<1x16xi32>,
          %shift_right_logical3A_526 = arith.constant 17 : i32
          %shift_right_logical3A_527 = vector.broadcast %shift_right_logical3A_526 : i32 to vector<16xi32>
          %shift_right_logical3A_528 = arith.shrui %get3A_517, %shift_right_logical3A_527 : vector<16xi32>
          %swap3A_529 = arith.constant 1 : i32
          %swap3A_530 = arith.index_cast %swap3A_529 : i32 to index
          %swap3A_531 = arith.constant 32 : index
          %swap3A_532 = tpu.vector_load %arg9[%swap3A_530, %swap3A_531] {strides = array<i32>} : memref<2x128xi32, #tpu.memory_space<vmem>>, vector<1x16xi32>,
          %swap3A_533 = vector.shape_cast %swap3A_532 : vector<1x16xi32> to vector<16xi32>
          %swap3A_534 = vector.shape_cast %shift_right_logical3A_528 : vector<16xi32> to vector<1x16xi32>
          tpu.vector_store %arg9[%swap3A_530, %swap3A_531], %swap3A_534 {strides = array<i32>} : memref<2x128xi32, #tpu.memory_space<vmem>>, vector<1x16xi32>,
          %add3A_535 = arith.constant 48 : i32
          %add3A_536 = arith.addi %mul3A_468, %add3A_535 : i32
          %get3A_537 = arith.index_cast %add3A_536 : i32 to index
          %get3A_538 = tpu.vector_load %arg5[%get3A_537] {strides = array<i32>} : memref<8192xi32, #tpu.memory_space<vmem>>, vector<16xi32>,
          %get3A_539 = vector.shape_cast %get3A_538 : vector<16xi32> to vector<16xi32>
          %and3A_540 = vector.broadcast %cond3A : i32 to vector<16xi32>
          %and3A_541 = arith.andi %get3A_539, %and3A_540 : vector<16xi32>
          %swap3A_542 = arith.constant 0 : i32
          %swap3A_543 = arith.index_cast %swap3A_542 : i32 to index
          %swap3A_544 = arith.constant 48 : index
          %swap3A_545 = tpu.vector_load %arg9[%swap3A_543, %swap3A_544] {strides = array<i32>} : memref<2x128xi32, #tpu.memory_space<vmem>>, vector<1x16xi32>,
          %swap3A_546 = vector.shape_cast %swap3A_545 : vector<1x16xi32> to vector<16xi32>
          %swap3A_547 = vector.shape_cast %and3A_541 : vector<16xi32> to vector<1x16xi32>
          tpu.vector_store %arg9[%swap3A_543, %swap3A_544], %swap3A_547 {strides = array<i32>} : memref<2x128xi32, #tpu.memory_space<vmem>>, vector<1x16xi32>,
          %shift_right_logical3A_548 = arith.constant 17 : i32
          %shift_right_logical3A_549 = vector.broadcast %shift_right_logical3A_548 : i32 to vector<16xi32>
          %shift_right_logical3A_550 = arith.shrui %get3A_539, %shift_right_logical3A_549 : vector<16xi32>
          %swap3A_551 = arith.constant 1 : i32
          %swap3A_552 = arith.index_cast %swap3A_551 : i32 to index
          %swap3A_553 = arith.constant 48 : index
          %swap3A_554 = tpu.vector_load %arg9[%swap3A_552, %swap3A_553] {strides = array<i32>} : memref<2x128xi32, #tpu.memory_space<vmem>>, vector<1x16xi32>,
          %swap3A_555 = vector.shape_cast %swap3A_554 : vector<1x16xi32> to vector<16xi32>
          %swap3A_556 = vector.shape_cast %shift_right_logical3A_550 : vector<16xi32> to vector<1x16xi32>
          tpu.vector_store %arg9[%swap3A_552, %swap3A_553], %swap3A_556 {strides = array<i32>} : memref<2x128xi32, #tpu.memory_space<vmem>>, vector<1x16xi32>,
          %add3A_557 = arith.constant 64 : i32
          %add3A_558 = arith.addi %mul3A_468, %add3A_557 : i32
          %get3A_559 = arith.index_cast %add3A_558 : i32 to index
          %get3A_560 = tpu.vector_load %arg5[%get3A_559] {strides = array<i32>} : memref<8192xi32, #tpu.memory_space<vmem>>, vector<16xi32>,
          %get3A_561 = vector.shape_cast %get3A_560 : vector<16xi32> to vector<16xi32>
          %and3A_562 = vector.broadcast %cond3A : i32 to vector<16xi32>
          %and3A_563 = arith.andi %get3A_561, %and3A_562 : vector<16xi32>
          %swap3A_564 = arith.constant 0 : i32
          %swap3A_565 = arith.index_cast %swap3A_564 : i32 to index
          %swap3A_566 = arith.constant 64 : index
          %swap3A_567 = tpu.vector_load %arg9[%swap3A_565, %swap3A_566] {strides = array<i32>} : memref<2x128xi32, #tpu.memory_space<vmem>>, vector<1x16xi32>,
          %swap3A_568 = vector.shape_cast %swap3A_567 : vector<1x16xi32> to vector<16xi32>
          %swap3A_569 = vector.shape_cast %and3A_563 : vector<16xi32> to vector<1x16xi32>
          tpu.vector_store %arg9[%swap3A_565, %swap3A_566], %swap3A_569 {strides = array<i32>} : memref<2x128xi32, #tpu.memory_space<vmem>>, vector<1x16xi32>,
          %shift_right_logical3A_570 = arith.constant 17 : i32
          %shift_right_logical3A_571 = vector.broadcast %shift_right_logical3A_570 : i32 to vector<16xi32>
          %shift_right_logical3A_572 = arith.shrui %get3A_561, %shift_right_logical3A_571 : vector<16xi32>
          %swap3A_573 = arith.constant 1 : i32
          %swap3A_574 = arith.index_cast %swap3A_573 : i32 to index
          %swap3A_575 = arith.constant 64 : index
          %swap3A_576 = tpu.vector_load %arg9[%swap3A_574, %swap3A_575] {strides = array<i32>} : memref<2x128xi32, #tpu.memory_space<vmem>>, vector<1x16xi32>,
          %swap3A_577 = vector.shape_cast %swap3A_576 : vector<1x16xi32> to vector<16xi32>
          %swap3A_578 = vector.shape_cast %shift_right_logical3A_572 : vector<16xi32> to vector<1x16xi32>
          tpu.vector_store %arg9[%swap3A_574, %swap3A_575], %swap3A_578 {strides = array<i32>} : memref<2x128xi32, #tpu.memory_space<vmem>>, vector<1x16xi32>,
          %add3A_579 = arith.constant 80 : i32
          %add3A_580 = arith.addi %mul3A_468, %add3A_579 : i32
          %get3A_581 = arith.index_cast %add3A_580 : i32 to index
          %get3A_582 = tpu.vector_load %arg5[%get3A_581] {strides = array<i32>} : memref<8192xi32, #tpu.memory_space<vmem>>, vector<16xi32>,
          %get3A_583 = vector.shape_cast %get3A_582 : vector<16xi32> to vector<16xi32>
          %and3A_584 = vector.broadcast %cond3A : i32 to vector<16xi32>
          %and3A_585 = arith.andi %get3A_583, %and3A_584 : vector<16xi32>
          %swap3A_586 = arith.constant 0 : i32
          %swap3A_587 = arith.index_cast %swap3A_586 : i32 to index
          %swap3A_588 = arith.constant 80 : index
          %swap3A_589 = tpu.vector_load %arg9[%swap3A_587, %swap3A_588] {strides = array<i32>} : memref<2x128xi32, #tpu.memory_space<vmem>>, vector<1x16xi32>,
          %swap3A_590 = vector.shape_cast %swap3A_589 : vector<1x16xi32> to vector<16xi32>
          %swap3A_591 = vector.shape_cast %and3A_585 : vector<16xi32> to vector<1x16xi32>
          tpu.vector_store %arg9[%swap3A_587, %swap3A_588], %swap3A_591 {strides = array<i32>} : memref<2x128xi32, #tpu.memory_space<vmem>>, vector<1x16xi32>,
          %shift_right_logical3A_592 = arith.constant 17 : i32
          %shift_right_logical3A_593 = vector.broadcast %shift_right_logical3A_592 : i32 to vector<16xi32>
          %shift_right_logical3A_594 = arith.shrui %get3A_583, %shift_right_logical3A_593 : vector<16xi32>
          %swap3A_595 = arith.constant 1 : i32
          %swap3A_596 = arith.index_cast %swap3A_595 : i32 to index
          %swap3A_597 = arith.constant 80 : index
          %swap3A_598 = tpu.vector_load %arg9[%swap3A_596, %swap3A_597] {strides = array<i32>} : memref<2x128xi32, #tpu.memory_space<vmem>>, vector<1x16xi32>,
          %swap3A_599 = vector.shape_cast %swap3A_598 : vector<1x16xi32> to vector<16xi32>
          %swap3A_600 = vector.shape_cast %shift_right_logical3A_594 : vector<16xi32> to vector<1x16xi32>
          tpu.vector_store %arg9[%swap3A_596, %swap3A_597], %swap3A_600 {strides = array<i32>} : memref<2x128xi32, #tpu.memory_space<vmem>>, vector<1x16xi32>,
          %add3A_601 = arith.constant 96 : i32
          %add3A_602 = arith.addi %mul3A_468, %add3A_601 : i32
          %get3A_603 = arith.index_cast %add3A_602 : i32 to index
          %get3A_604 = tpu.vector_load %arg5[%get3A_603] {strides = array<i32>} : memref<8192xi32, #tpu.memory_space<vmem>>, vector<16xi32>,
          %get3A_605 = vector.shape_cast %get3A_604 : vector<16xi32> to vector<16xi32>
          %and3A_606 = vector.broadcast %cond3A : i32 to vector<16xi32>
          %and3A_607 = arith.andi %get3A_605, %and3A_606 : vector<16xi32>
          %swap3A_608 = arith.constant 0 : i32
          %swap3A_609 = arith.index_cast %swap3A_608 : i32 to index
          %swap3A_610 = arith.constant 96 : index
          %swap3A_611 = tpu.vector_load %arg9[%swap3A_609, %swap3A_610] {strides = array<i32>} : memref<2x128xi32, #tpu.memory_space<vmem>>, vector<1x16xi32>,
          %swap3A_612 = vector.shape_cast %swap3A_611 : vector<1x16xi32> to vector<16xi32>
          %swap3A_613 = vector.shape_cast %and3A_607 : vector<16xi32> to vector<1x16xi32>
          tpu.vector_store %arg9[%swap3A_609, %swap3A_610], %swap3A_613 {strides = array<i32>} : memref<2x128xi32, #tpu.memory_space<vmem>>, vector<1x16xi32>,
          %shift_right_logical3A_614 = arith.constant 17 : i32
          %shift_right_logical3A_615 = vector.broadcast %shift_right_logical3A_614 : i32 to vector<16xi32>
          %shift_right_logical3A_616 = arith.shrui %get3A_605, %shift_right_logical3A_615 : vector<16xi32>
          %swap3A_617 = arith.constant 1 : i32
          %swap3A_618 = arith.index_cast %swap3A_617 : i32 to index
          %swap3A_619 = arith.constant 96 : index
          %swap3A_620 = tpu.vector_load %arg9[%swap3A_618, %swap3A_619] {strides = array<i32>} : memref<2x128xi32, #tpu.memory_space<vmem>>, vector<1x16xi32>,
          %swap3A_621 = vector.shape_cast %swap3A_620 : vector<1x16xi32> to vector<16xi32>
          %swap3A_622 = vector.shape_cast %shift_right_logical3A_616 : vector<16xi32> to vector<1x16xi32>
          tpu.vector_store %arg9[%swap3A_618, %swap3A_619], %swap3A_622 {strides = array<i32>} : memref<2x128xi32, #tpu.memory_space<vmem>>, vector<1x16xi32>,
          %add3A_623 = arith.constant 112 : i32
          %add3A_624 = arith.addi %mul3A_468, %add3A_623 : i32
          %get3A_625 = arith.index_cast %add3A_624 : i32 to index
          %get3A_626 = tpu.vector_load %arg5[%get3A_625] {strides = array<i32>} : memref<8192xi32, #tpu.memory_space<vmem>>, vector<16xi32>,
          %get3A_627 = vector.shape_cast %get3A_626 : vector<16xi32> to vector<16xi32>
          %and3A_628 = vector.broadcast %cond3A : i32 to vector<16xi32>
          %and3A_629 = arith.andi %get3A_627, %and3A_628 : vector<16xi32>
          %swap3A_630 = arith.constant 0 : i32
          %swap3A_631 = arith.index_cast %swap3A_630 : i32 to index
          %swap3A_632 = arith.constant 112 : index
          %swap3A_633 = tpu.vector_load %arg9[%swap3A_631, %swap3A_632] {strides = array<i32>} : memref<2x128xi32, #tpu.memory_space<vmem>>, vector<1x16xi32>,
          %swap3A_634 = vector.shape_cast %swap3A_633 : vector<1x16xi32> to vector<16xi32>
          %swap3A_635 = vector.shape_cast %and3A_629 : vector<16xi32> to vector<1x16xi32>
          tpu.vector_store %arg9[%swap3A_631, %swap3A_632], %swap3A_635 {strides = array<i32>} : memref<2x128xi32, #tpu.memory_space<vmem>>, vector<1x16xi32>,
          %shift_right_logical3A_636 = arith.constant 17 : i32
          %shift_right_logical3A_637 = vector.broadcast %shift_right_logical3A_636 : i32 to vector<16xi32>
          %shift_right_logical3A_638 = arith.shrui %get3A_627, %shift_right_logical3A_637 : vector<16xi32>
          %swap3A_639 = arith.constant 1 : i32
          %swap3A_640 = arith.index_cast %swap3A_639 : i32 to index
          %swap3A_641 = arith.constant 112 : index
          %swap3A_642 = tpu.vector_load %arg9[%swap3A_640, %swap3A_641] {strides = array<i32>} : memref<2x128xi32, #tpu.memory_space<vmem>>, vector<1x16xi32>,
          %swap3A_643 = vector.shape_cast %swap3A_642 : vector<1x16xi32> to vector<16xi32>
          %swap3A_644 = vector.shape_cast %shift_right_logical3A_638 : vector<16xi32> to vector<1x16xi32>
          tpu.vector_store %arg9[%swap3A_640, %swap3A_641], %swap3A_644 {strides = array<i32>} : memref<2x128xi32, #tpu.memory_space<vmem>>, vector<1x16xi32>,
          %dma_start3A_645 = arith.constant 0 : i32
          %dma_start3A_646 = arith.constant 0 : i32
          %dma_start3A_647 = tpu.memref_slice %arg9[%dma_start3A_645, %dma_start3A_646] : memref<2x128xi32, #tpu.memory_space<vmem>> -> memref<1x128xi32, #tpu.memory_space<vmem>>
          %dma_start3A_648 = tpu.memref_squeeze %dma_start3A_647 : memref<1x128xi32, #tpu.memory_space<vmem>> -> memref<128xi32, #tpu.memory_space<vmem>>
          %dma_start3A_649 = arith.constant 0 : i32
          %dma_start3A_650 = arith.constant 0 : i32
          %dma_start3A_651 = tpu.memref_slice %arg2[%dma_start3A_649, %dma_start3A_650] : memref<80000x128xf32, #tpu.memory_space<hbm>> -> memref<80000x128xf32, #tpu.memory_space<hbm>>
          tpu.enqueue_indirect_dma source(%dma_start3A_651 : memref<80000x128xf32, #tpu.memory_space<hbm>>) target(%arg7 : memref<128x128xf32, #tpu.memory_space<vmem>>) offsets(%dma_start3A_648 : memref<128xi32, #tpu.memory_space<vmem>>) semaphore(%arg11 : memref<!tpu.dma_semaphore, #tpu.memory_space<semaphore_mem>>)
        } else {
        }
        %mul3A_446 = arith.constant 2 : i32
        %mul3A_447 = arith.muli %scan3A_421, %mul3A_446 : i32
        %add3A_448 = arith.constant 1 : i32
        %add3A_449 = arith.addi %mul3A_447, %add3A_448 : i32
        %dma_wait3A_450 = arith.constant 0 : i32
        %dma_wait3A_451 = arith.constant 0 : i32
        %dma_wait3A_452 = tpu.memref_slice %arg10[%dma_wait3A_450, %dma_wait3A_451] : memref<2x128xi32, #tpu.memory_space<vmem>> -> memref<1x128xi32, #tpu.memory_space<vmem>>
        %dma_wait3A_453 = tpu.memref_squeeze %dma_wait3A_452 : memref<1x128xi32, #tpu.memory_space<vmem>> -> memref<128xi32, #tpu.memory_space<vmem>>
        %dma_wait3A_454 = arith.constant 0 : i32
        %dma_wait3A_455 = arith.constant 0 : i32
        %dma_wait3A_456 = tpu.memref_slice %arg2[%dma_wait3A_454, %dma_wait3A_455] : memref<80000x128xf32, #tpu.memory_space<hbm>> -> memref<80000x128xf32, #tpu.memory_space<hbm>>
        tpu.wait_indirect_dma semaphore(%arg12 : memref<!tpu.dma_semaphore, #tpu.memory_space<semaphore_mem>>) src(%dma_wait3A_456 : memref<80000x128xf32, #tpu.memory_space<hbm>>) dst(%arg8 : memref<128x128xf32, #tpu.memory_space<vmem>>)
        %run_scoped3A_457 = arith.constant 1 : i32
        "tpu.region"() ({
          %run_scoped3A_463 = tpu.sem_alloc : memref<!tpu.dma_semaphore, #tpu.memory_space<semaphore_mem>>
          %dma_start3A_464 = arith.constant 0 : i32
          %dma_start3A_465 = tpu.memref_slice %arg10[%run_scoped3A_457, %dma_start3A_464] : memref<2x128xi32, #tpu.memory_space<vmem>> -> memref<1x128xi32, #tpu.memory_space<vmem>>
          %dma_start3A_466 = tpu.memref_squeeze %dma_start3A_465 : memref<1x128xi32, #tpu.memory_space<vmem>> -> memref<128xi32, #tpu.memory_space<vmem>>
          %dma_start3A_467 = arith.constant 0 : i32
          %dma_start3A_468 = arith.constant 0 : i32
          %dma_start3A_469 = tpu.memref_slice %arg6[%dma_start3A_467, %dma_start3A_468] : memref<10112x128xf32, #tpu.memory_space<vmem_shared>> -> memref<10112x128xf32, #tpu.memory_space<vmem_shared>>
          tpu.enqueue_indirect_dma source(%arg8 : memref<128x128xf32, #tpu.memory_space<vmem>>) target(%dma_start3A_469 : memref<10112x128xf32, #tpu.memory_space<vmem_shared>>) offsets(%dma_start3A_466 : memref<128xi32, #tpu.memory_space<vmem>>) semaphore(%run_scoped3A_463 : memref<!tpu.dma_semaphore, #tpu.memory_space<semaphore_mem>>) {add = true}
          %dma_wait3A_470 = arith.constant 0 : i32
          %dma_wait3A_471 = tpu.memref_slice %arg10[%run_scoped3A_457, %dma_wait3A_470] : memref<2x128xi32, #tpu.memory_space<vmem>> -> memref<1x128xi32, #tpu.memory_space<vmem>>
          %dma_wait3A_472 = tpu.memref_squeeze %dma_wait3A_471 : memref<1x128xi32, #tpu.memory_space<vmem>> -> memref<128xi32, #tpu.memory_space<vmem>>
          %dma_wait3A_473 = arith.constant 0 : i32
          %dma_wait3A_474 = arith.constant 0 : i32
          %dma_wait3A_475 = tpu.memref_slice %arg6[%dma_wait3A_473, %dma_wait3A_474] : memref<10112x128xf32, #tpu.memory_space<vmem_shared>> -> memref<10112x128xf32, #tpu.memory_space<vmem_shared>>
          tpu.wait_indirect_dma semaphore(%run_scoped3A_463 : memref<!tpu.dma_semaphore, #tpu.memory_space<semaphore_mem>>) src(%arg8 : memref<128x128xf32, #tpu.memory_space<vmem>>) dst(%dma_wait3A_475 : memref<10112x128xf32, #tpu.memory_space<vmem_shared>>)
          tpu.yield
        }) : () -> ()
        %lt3A_458 = arith.constant 63 : i32
        %lt3A_459 = arith.cmpi slt, %scan3A_421, %lt3A_458 : i32
        %convert_element_type3A_460 = arith.extui %lt3A_459 : i1 to i32
        %cond3A_461 = arith.constant 0 : i32
        %cond3A_462 = arith.cmpi ne, %convert_element_type3A_460, %cond3A_461 : i32
        scf.if %cond3A_462 {
          %add3A_463 = arith.constant 2 : i32
          %add3A_464 = arith.addi %add3A_449, %add3A_463 : i32
          %rem3A_465 = arith.constant 64 : i32
          %rem3A_466 = arith.remsi %add3A_464, %rem3A_465 : i32
          %mul3A_467 = arith.constant 128 : i32
          %mul3A_468 = arith.muli %rem3A_466, %mul3A_467 : i32
          %add3A_469 = arith.constant 0 : i32
          %add3A_470 = arith.addi %mul3A_468, %add3A_469 : i32
          %get3A_471 = arith.index_cast %add3A_470 : i32 to index
          %get3A_472 = tpu.vector_load %arg5[%get3A_471] {strides = array<i32>} : memref<8192xi32, #tpu.memory_space<vmem>>, vector<16xi32>,
          %get3A_473 = vector.shape_cast %get3A_472 : vector<16xi32> to vector<16xi32>
          %and3A_474 = vector.broadcast %cond3A : i32 to vector<16xi32>
          %and3A_475 = arith.andi %get3A_473, %and3A_474 : vector<16xi32>
          %swap3A_476 = arith.constant 0 : i32
          %swap3A_477 = arith.index_cast %swap3A_476 : i32 to index
          %swap3A_478 = arith.constant 0 : index
          %swap3A_479 = tpu.vector_load %arg10[%swap3A_477, %swap3A_478] {strides = array<i32>} : memref<2x128xi32, #tpu.memory_space<vmem>>, vector<1x16xi32>,
          %swap3A_480 = vector.shape_cast %swap3A_479 : vector<1x16xi32> to vector<16xi32>
          %swap3A_481 = vector.shape_cast %and3A_475 : vector<16xi32> to vector<1x16xi32>
          tpu.vector_store %arg10[%swap3A_477, %swap3A_478], %swap3A_481 {strides = array<i32>} : memref<2x128xi32, #tpu.memory_space<vmem>>, vector<1x16xi32>,
          %shift_right_logical3A_482 = arith.constant 17 : i32
          %shift_right_logical3A_483 = vector.broadcast %shift_right_logical3A_482 : i32 to vector<16xi32>
          %shift_right_logical3A_484 = arith.shrui %get3A_473, %shift_right_logical3A_483 : vector<16xi32>
          %swap3A_485 = arith.constant 1 : i32
          %swap3A_486 = arith.index_cast %swap3A_485 : i32 to index
          %swap3A_487 = arith.constant 0 : index
          %swap3A_488 = tpu.vector_load %arg10[%swap3A_486, %swap3A_487] {strides = array<i32>} : memref<2x128xi32, #tpu.memory_space<vmem>>, vector<1x16xi32>,
          %swap3A_489 = vector.shape_cast %swap3A_488 : vector<1x16xi32> to vector<16xi32>
          %swap3A_490 = vector.shape_cast %shift_right_logical3A_484 : vector<16xi32> to vector<1x16xi32>
          tpu.vector_store %arg10[%swap3A_486, %swap3A_487], %swap3A_490 {strides = array<i32>} : memref<2x128xi32, #tpu.memory_space<vmem>>, vector<1x16xi32>,
          %add3A_491 = arith.constant 16 : i32
          %add3A_492 = arith.addi %mul3A_468, %add3A_491 : i32
          %get3A_493 = arith.index_cast %add3A_492 : i32 to index
          %get3A_494 = tpu.vector_load %arg5[%get3A_493] {strides = array<i32>} : memref<8192xi32, #tpu.memory_space<vmem>>, vector<16xi32>,
          %get3A_495 = vector.shape_cast %get3A_494 : vector<16xi32> to vector<16xi32>
          %and3A_496 = vector.broadcast %cond3A : i32 to vector<16xi32>
          %and3A_497 = arith.andi %get3A_495, %and3A_496 : vector<16xi32>
          %swap3A_498 = arith.constant 0 : i32
          %swap3A_499 = arith.index_cast %swap3A_498 : i32 to index
          %swap3A_500 = arith.constant 16 : index
          %swap3A_501 = tpu.vector_load %arg10[%swap3A_499, %swap3A_500] {strides = array<i32>} : memref<2x128xi32, #tpu.memory_space<vmem>>, vector<1x16xi32>,
          %swap3A_502 = vector.shape_cast %swap3A_501 : vector<1x16xi32> to vector<16xi32>
          %swap3A_503 = vector.shape_cast %and3A_497 : vector<16xi32> to vector<1x16xi32>
          tpu.vector_store %arg10[%swap3A_499, %swap3A_500], %swap3A_503 {strides = array<i32>} : memref<2x128xi32, #tpu.memory_space<vmem>>, vector<1x16xi32>,
          %shift_right_logical3A_504 = arith.constant 17 : i32
          %shift_right_logical3A_505 = vector.broadcast %shift_right_logical3A_504 : i32 to vector<16xi32>
          %shift_right_logical3A_506 = arith.shrui %get3A_495, %shift_right_logical3A_505 : vector<16xi32>
          %swap3A_507 = arith.constant 1 : i32
          %swap3A_508 = arith.index_cast %swap3A_507 : i32 to index
          %swap3A_509 = arith.constant 16 : index
          %swap3A_510 = tpu.vector_load %arg10[%swap3A_508, %swap3A_509] {strides = array<i32>} : memref<2x128xi32, #tpu.memory_space<vmem>>, vector<1x16xi32>,
          %swap3A_511 = vector.shape_cast %swap3A_510 : vector<1x16xi32> to vector<16xi32>
          %swap3A_512 = vector.shape_cast %shift_right_logical3A_506 : vector<16xi32> to vector<1x16xi32>
          tpu.vector_store %arg10[%swap3A_508, %swap3A_509], %swap3A_512 {strides = array<i32>} : memref<2x128xi32, #tpu.memory_space<vmem>>, vector<1x16xi32>,
          %add3A_513 = arith.constant 32 : i32
          %add3A_514 = arith.addi %mul3A_468, %add3A_513 : i32
          %get3A_515 = arith.index_cast %add3A_514 : i32 to index
          %get3A_516 = tpu.vector_load %arg5[%get3A_515] {strides = array<i32>} : memref<8192xi32, #tpu.memory_space<vmem>>, vector<16xi32>,
          %get3A_517 = vector.shape_cast %get3A_516 : vector<16xi32> to vector<16xi32>
          %and3A_518 = vector.broadcast %cond3A : i32 to vector<16xi32>
          %and3A_519 = arith.andi %get3A_517, %and3A_518 : vector<16xi32>
          %swap3A_520 = arith.constant 0 : i32
          %swap3A_521 = arith.index_cast %swap3A_520 : i32 to index
          %swap3A_522 = arith.constant 32 : index
          %swap3A_523 = tpu.vector_load %arg10[%swap3A_521, %swap3A_522] {strides = array<i32>} : memref<2x128xi32, #tpu.memory_space<vmem>>, vector<1x16xi32>,
          %swap3A_524 = vector.shape_cast %swap3A_523 : vector<1x16xi32> to vector<16xi32>
          %swap3A_525 = vector.shape_cast %and3A_519 : vector<16xi32> to vector<1x16xi32>
          tpu.vector_store %arg10[%swap3A_521, %swap3A_522], %swap3A_525 {strides = array<i32>} : memref<2x128xi32, #tpu.memory_space<vmem>>, vector<1x16xi32>,
          %shift_right_logical3A_526 = arith.constant 17 : i32
          %shift_right_logical3A_527 = vector.broadcast %shift_right_logical3A_526 : i32 to vector<16xi32>
          %shift_right_logical3A_528 = arith.shrui %get3A_517, %shift_right_logical3A_527 : vector<16xi32>
          %swap3A_529 = arith.constant 1 : i32
          %swap3A_530 = arith.index_cast %swap3A_529 : i32 to index
          %swap3A_531 = arith.constant 32 : index
          %swap3A_532 = tpu.vector_load %arg10[%swap3A_530, %swap3A_531] {strides = array<i32>} : memref<2x128xi32, #tpu.memory_space<vmem>>, vector<1x16xi32>,
          %swap3A_533 = vector.shape_cast %swap3A_532 : vector<1x16xi32> to vector<16xi32>
          %swap3A_534 = vector.shape_cast %shift_right_logical3A_528 : vector<16xi32> to vector<1x16xi32>
          tpu.vector_store %arg10[%swap3A_530, %swap3A_531], %swap3A_534 {strides = array<i32>} : memref<2x128xi32, #tpu.memory_space<vmem>>, vector<1x16xi32>,
          %add3A_535 = arith.constant 48 : i32
          %add3A_536 = arith.addi %mul3A_468, %add3A_535 : i32
          %get3A_537 = arith.index_cast %add3A_536 : i32 to index
          %get3A_538 = tpu.vector_load %arg5[%get3A_537] {strides = array<i32>} : memref<8192xi32, #tpu.memory_space<vmem>>, vector<16xi32>,
          %get3A_539 = vector.shape_cast %get3A_538 : vector<16xi32> to vector<16xi32>
          %and3A_540 = vector.broadcast %cond3A : i32 to vector<16xi32>
          %and3A_541 = arith.andi %get3A_539, %and3A_540 : vector<16xi32>
          %swap3A_542 = arith.constant 0 : i32
          %swap3A_543 = arith.index_cast %swap3A_542 : i32 to index
          %swap3A_544 = arith.constant 48 : index
          %swap3A_545 = tpu.vector_load %arg10[%swap3A_543, %swap3A_544] {strides = array<i32>} : memref<2x128xi32, #tpu.memory_space<vmem>>, vector<1x16xi32>,
          %swap3A_546 = vector.shape_cast %swap3A_545 : vector<1x16xi32> to vector<16xi32>
          %swap3A_547 = vector.shape_cast %and3A_541 : vector<16xi32> to vector<1x16xi32>
          tpu.vector_store %arg10[%swap3A_543, %swap3A_544], %swap3A_547 {strides = array<i32>} : memref<2x128xi32, #tpu.memory_space<vmem>>, vector<1x16xi32>,
          %shift_right_logical3A_548 = arith.constant 17 : i32
          %shift_right_logical3A_549 = vector.broadcast %shift_right_logical3A_548 : i32 to vector<16xi32>
          %shift_right_logical3A_550 = arith.shrui %get3A_539, %shift_right_logical3A_549 : vector<16xi32>
          %swap3A_551 = arith.constant 1 : i32
          %swap3A_552 = arith.index_cast %swap3A_551 : i32 to index
          %swap3A_553 = arith.constant 48 : index
          %swap3A_554 = tpu.vector_load %arg10[%swap3A_552, %swap3A_553] {strides = array<i32>} : memref<2x128xi32, #tpu.memory_space<vmem>>, vector<1x16xi32>,
          %swap3A_555 = vector.shape_cast %swap3A_554 : vector<1x16xi32> to vector<16xi32>
          %swap3A_556 = vector.shape_cast %shift_right_logical3A_550 : vector<16xi32> to vector<1x16xi32>
          tpu.vector_store %arg10[%swap3A_552, %swap3A_553], %swap3A_556 {strides = array<i32>} : memref<2x128xi32, #tpu.memory_space<vmem>>, vector<1x16xi32>,
          %add3A_557 = arith.constant 64 : i32
          %add3A_558 = arith.addi %mul3A_468, %add3A_557 : i32
          %get3A_559 = arith.index_cast %add3A_558 : i32 to index
          %get3A_560 = tpu.vector_load %arg5[%get3A_559] {strides = array<i32>} : memref<8192xi32, #tpu.memory_space<vmem>>, vector<16xi32>,
          %get3A_561 = vector.shape_cast %get3A_560 : vector<16xi32> to vector<16xi32>
          %and3A_562 = vector.broadcast %cond3A : i32 to vector<16xi32>
          %and3A_563 = arith.andi %get3A_561, %and3A_562 : vector<16xi32>
          %swap3A_564 = arith.constant 0 : i32
          %swap3A_565 = arith.index_cast %swap3A_564 : i32 to index
          %swap3A_566 = arith.constant 64 : index
          %swap3A_567 = tpu.vector_load %arg10[%swap3A_565, %swap3A_566] {strides = array<i32>} : memref<2x128xi32, #tpu.memory_space<vmem>>, vector<1x16xi32>,
          %swap3A_568 = vector.shape_cast %swap3A_567 : vector<1x16xi32> to vector<16xi32>
          %swap3A_569 = vector.shape_cast %and3A_563 : vector<16xi32> to vector<1x16xi32>
          tpu.vector_store %arg10[%swap3A_565, %swap3A_566], %swap3A_569 {strides = array<i32>} : memref<2x128xi32, #tpu.memory_space<vmem>>, vector<1x16xi32>,
          %shift_right_logical3A_570 = arith.constant 17 : i32
          %shift_right_logical3A_571 = vector.broadcast %shift_right_logical3A_570 : i32 to vector<16xi32>
          %shift_right_logical3A_572 = arith.shrui %get3A_561, %shift_right_logical3A_571 : vector<16xi32>
          %swap3A_573 = arith.constant 1 : i32
          %swap3A_574 = arith.index_cast %swap3A_573 : i32 to index
          %swap3A_575 = arith.constant 64 : index
          %swap3A_576 = tpu.vector_load %arg10[%swap3A_574, %swap3A_575] {strides = array<i32>} : memref<2x128xi32, #tpu.memory_space<vmem>>, vector<1x16xi32>,
          %swap3A_577 = vector.shape_cast %swap3A_576 : vector<1x16xi32> to vector<16xi32>
          %swap3A_578 = vector.shape_cast %shift_right_logical3A_572 : vector<16xi32> to vector<1x16xi32>
          tpu.vector_store %arg10[%swap3A_574, %swap3A_575], %swap3A_578 {strides = array<i32>} : memref<2x128xi32, #tpu.memory_space<vmem>>, vector<1x16xi32>,
          %add3A_579 = arith.constant 80 : i32
          %add3A_580 = arith.addi %mul3A_468, %add3A_579 : i32
          %get3A_581 = arith.index_cast %add3A_580 : i32 to index
          %get3A_582 = tpu.vector_load %arg5[%get3A_581] {strides = array<i32>} : memref<8192xi32, #tpu.memory_space<vmem>>, vector<16xi32>,
          %get3A_583 = vector.shape_cast %get3A_582 : vector<16xi32> to vector<16xi32>
          %and3A_584 = vector.broadcast %cond3A : i32 to vector<16xi32>
          %and3A_585 = arith.andi %get3A_583, %and3A_584 : vector<16xi32>
          %swap3A_586 = arith.constant 0 : i32
          %swap3A_587 = arith.index_cast %swap3A_586 : i32 to index
          %swap3A_588 = arith.constant 80 : index
          %swap3A_589 = tpu.vector_load %arg10[%swap3A_587, %swap3A_588] {strides = array<i32>} : memref<2x128xi32, #tpu.memory_space<vmem>>, vector<1x16xi32>,
          %swap3A_590 = vector.shape_cast %swap3A_589 : vector<1x16xi32> to vector<16xi32>
          %swap3A_591 = vector.shape_cast %and3A_585 : vector<16xi32> to vector<1x16xi32>
          tpu.vector_store %arg10[%swap3A_587, %swap3A_588], %swap3A_591 {strides = array<i32>} : memref<2x128xi32, #tpu.memory_space<vmem>>, vector<1x16xi32>,
          %shift_right_logical3A_592 = arith.constant 17 : i32
          %shift_right_logical3A_593 = vector.broadcast %shift_right_logical3A_592 : i32 to vector<16xi32>
          %shift_right_logical3A_594 = arith.shrui %get3A_583, %shift_right_logical3A_593 : vector<16xi32>
          %swap3A_595 = arith.constant 1 : i32
          %swap3A_596 = arith.index_cast %swap3A_595 : i32 to index
          %swap3A_597 = arith.constant 80 : index
          %swap3A_598 = tpu.vector_load %arg10[%swap3A_596, %swap3A_597] {strides = array<i32>} : memref<2x128xi32, #tpu.memory_space<vmem>>, vector<1x16xi32>,
          %swap3A_599 = vector.shape_cast %swap3A_598 : vector<1x16xi32> to vector<16xi32>
          %swap3A_600 = vector.shape_cast %shift_right_logical3A_594 : vector<16xi32> to vector<1x16xi32>
          tpu.vector_store %arg10[%swap3A_596, %swap3A_597], %swap3A_600 {strides = array<i32>} : memref<2x128xi32, #tpu.memory_space<vmem>>, vector<1x16xi32>,
          %add3A_601 = arith.constant 96 : i32
          %add3A_602 = arith.addi %mul3A_468, %add3A_601 : i32
          %get3A_603 = arith.index_cast %add3A_602 : i32 to index
          %get3A_604 = tpu.vector_load %arg5[%get3A_603] {strides = array<i32>} : memref<8192xi32, #tpu.memory_space<vmem>>, vector<16xi32>,
          %get3A_605 = vector.shape_cast %get3A_604 : vector<16xi32> to vector<16xi32>
          %and3A_606 = vector.broadcast %cond3A : i32 to vector<16xi32>
          %and3A_607 = arith.andi %get3A_605, %and3A_606 : vector<16xi32>
          %swap3A_608 = arith.constant 0 : i32
          %swap3A_609 = arith.index_cast %swap3A_608 : i32 to index
          %swap3A_610 = arith.constant 96 : index
          %swap3A_611 = tpu.vector_load %arg10[%swap3A_609, %swap3A_610] {strides = array<i32>} : memref<2x128xi32, #tpu.memory_space<vmem>>, vector<1x16xi32>,
          %swap3A_612 = vector.shape_cast %swap3A_611 : vector<1x16xi32> to vector<16xi32>
          %swap3A_613 = vector.shape_cast %and3A_607 : vector<16xi32> to vector<1x16xi32>
          tpu.vector_store %arg10[%swap3A_609, %swap3A_610], %swap3A_613 {strides = array<i32>} : memref<2x128xi32, #tpu.memory_space<vmem>>, vector<1x16xi32>,
          %shift_right_logical3A_614 = arith.constant 17 : i32
          %shift_right_logical3A_615 = vector.broadcast %shift_right_logical3A_614 : i32 to vector<16xi32>
          %shift_right_logical3A_616 = arith.shrui %get3A_605, %shift_right_logical3A_615 : vector<16xi32>
          %swap3A_617 = arith.constant 1 : i32
          %swap3A_618 = arith.index_cast %swap3A_617 : i32 to index
          %swap3A_619 = arith.constant 96 : index
          %swap3A_620 = tpu.vector_load %arg10[%swap3A_618, %swap3A_619] {strides = array<i32>} : memref<2x128xi32, #tpu.memory_space<vmem>>, vector<1x16xi32>,
          %swap3A_621 = vector.shape_cast %swap3A_620 : vector<1x16xi32> to vector<16xi32>
          %swap3A_622 = vector.shape_cast %shift_right_logical3A_616 : vector<16xi32> to vector<1x16xi32>
          tpu.vector_store %arg10[%swap3A_618, %swap3A_619], %swap3A_622 {strides = array<i32>} : memref<2x128xi32, #tpu.memory_space<vmem>>, vector<1x16xi32>,
          %add3A_623 = arith.constant 112 : i32
          %add3A_624 = arith.addi %mul3A_468, %add3A_623 : i32
          %get3A_625 = arith.index_cast %add3A_624 : i32 to index
          %get3A_626 = tpu.vector_load %arg5[%get3A_625] {strides = array<i32>} : memref<8192xi32, #tpu.memory_space<vmem>>, vector<16xi32>,
          %get3A_627 = vector.shape_cast %get3A_626 : vector<16xi32> to vector<16xi32>
          %and3A_628 = vector.broadcast %cond3A : i32 to vector<16xi32>
          %and3A_629 = arith.andi %get3A_627, %and3A_628 : vector<16xi32>
          %swap3A_630 = arith.constant 0 : i32
          %swap3A_631 = arith.index_cast %swap3A_630 : i32 to index
          %swap3A_632 = arith.constant 112 : index
          %swap3A_633 = tpu.vector_load %arg10[%swap3A_631, %swap3A_632] {strides = array<i32>} : memref<2x128xi32, #tpu.memory_space<vmem>>, vector<1x16xi32>,
          %swap3A_634 = vector.shape_cast %swap3A_633 : vector<1x16xi32> to vector<16xi32>
          %swap3A_635 = vector.shape_cast %and3A_629 : vector<16xi32> to vector<1x16xi32>
          tpu.vector_store %arg10[%swap3A_631, %swap3A_632], %swap3A_635 {strides = array<i32>} : memref<2x128xi32, #tpu.memory_space<vmem>>, vector<1x16xi32>,
          %shift_right_logical3A_636 = arith.constant 17 : i32
          %shift_right_logical3A_637 = vector.broadcast %shift_right_logical3A_636 : i32 to vector<16xi32>
          %shift_right_logical3A_638 = arith.shrui %get3A_627, %shift_right_logical3A_637 : vector<16xi32>
          %swap3A_639 = arith.constant 1 : i32
          %swap3A_640 = arith.index_cast %swap3A_639 : i32 to index
          %swap3A_641 = arith.constant 112 : index
          %swap3A_642 = tpu.vector_load %arg10[%swap3A_640, %swap3A_641] {strides = array<i32>} : memref<2x128xi32, #tpu.memory_space<vmem>>, vector<1x16xi32>,
          %swap3A_643 = vector.shape_cast %swap3A_642 : vector<1x16xi32> to vector<16xi32>
          %swap3A_644 = vector.shape_cast %shift_right_logical3A_638 : vector<16xi32> to vector<1x16xi32>
          tpu.vector_store %arg10[%swap3A_640, %swap3A_641], %swap3A_644 {strides = array<i32>} : memref<2x128xi32, #tpu.memory_space<vmem>>, vector<1x16xi32>,
          %dma_start3A_645 = arith.constant 0 : i32
          %dma_start3A_646 = arith.constant 0 : i32
          %dma_start3A_647 = tpu.memref_slice %arg10[%dma_start3A_645, %dma_start3A_646] : memref<2x128xi32, #tpu.memory_space<vmem>> -> memref<1x128xi32, #tpu.memory_space<vmem>>
          %dma_start3A_648 = tpu.memref_squeeze %dma_start3A_647 : memref<1x128xi32, #tpu.memory_space<vmem>> -> memref<128xi32, #tpu.memory_space<vmem>>
          %dma_start3A_649 = arith.constant 0 : i32
          %dma_start3A_650 = arith.constant 0 : i32
          %dma_start3A_651 = tpu.memref_slice %arg2[%dma_start3A_649, %dma_start3A_650] : memref<80000x128xf32, #tpu.memory_space<hbm>> -> memref<80000x128xf32, #tpu.memory_space<hbm>>
          tpu.enqueue_indirect_dma source(%dma_start3A_651 : memref<80000x128xf32, #tpu.memory_space<hbm>>) target(%arg8 : memref<128x128xf32, #tpu.memory_space<vmem>>) offsets(%dma_start3A_648 : memref<128xi32, #tpu.memory_space<vmem>>) semaphore(%arg12 : memref<!tpu.dma_semaphore, #tpu.memory_space<semaphore_mem>>)
        } else {
        }
      }
      %scan3A_420 = arith.constant 64 : i32
    } else {
    }
    %ne3A = arith.constant 0 : i32
    %ne3A_35 = arith.cmpi ne, %arg0, %ne3A : i32
    %convert_element_type3A_36 = arith.extui %ne3A_35 : i1 to i32
    %cond3A_37 = arith.constant 131071 : i32
    %cond3A_38 = arith.constant 0 : i32
    %cond3A_39 = arith.cmpi ne, %convert_element_type3A_36, %cond3A_38 : i32
    scf.if %cond3A_39 {
      %rem3A = arith.constant 0 : i32
      %rem3A_44 = arith.constant 64 : i32
      %rem3A_45 = arith.remsi %rem3A, %rem3A_44 : i32
      %mul3A_46 = arith.constant 128 : i32
      %mul3A_47 = arith.muli %rem3A_45, %mul3A_46 : i32
      %add3A_48 = arith.constant 0 : i32
      %add3A_49 = arith.addi %mul3A_47, %add3A_48 : i32
      %get3A = arith.index_cast %add3A_49 : i32 to index
      %get3A_50 = tpu.vector_load %arg5[%get3A] {strides = array<i32>} : memref<8192xi32, #tpu.memory_space<vmem>>, vector<16xi32>,
      %get3A_51 = vector.shape_cast %get3A_50 : vector<16xi32> to vector<16xi32>
      %and3A = vector.broadcast %cond3A_37 : i32 to vector<16xi32>
      %and3A_52 = arith.andi %get3A_51, %and3A : vector<16xi32>
      %swap3A = arith.constant 0 : i32
      %swap3A_53 = arith.index_cast %swap3A : i32 to index
      %swap3A_54 = arith.constant 0 : index
      %swap3A_55 = tpu.vector_load %arg9[%swap3A_53, %swap3A_54] {strides = array<i32>} : memref<2x128xi32, #tpu.memory_space<vmem>>, vector<1x16xi32>,
      %swap3A_56 = vector.shape_cast %swap3A_55 : vector<1x16xi32> to vector<16xi32>
      %swap3A_57 = vector.shape_cast %and3A_52 : vector<16xi32> to vector<1x16xi32>
      tpu.vector_store %arg9[%swap3A_53, %swap3A_54], %swap3A_57 {strides = array<i32>} : memref<2x128xi32, #tpu.memory_space<vmem>>, vector<1x16xi32>,
      %shift_right_logical3A = arith.constant 17 : i32
      %shift_right_logical3A_58 = vector.broadcast %shift_right_logical3A : i32 to vector<16xi32>
      %shift_right_logical3A_59 = arith.shrui %get3A_51, %shift_right_logical3A_58 : vector<16xi32>
      %swap3A_60 = arith.constant 1 : i32
      %swap3A_61 = arith.index_cast %swap3A_60 : i32 to index
      %swap3A_62 = arith.constant 0 : index
      %swap3A_63 = tpu.vector_load %arg9[%swap3A_61, %swap3A_62] {strides = array<i32>} : memref<2x128xi32, #tpu.memory_space<vmem>>, vector<1x16xi32>,
      %swap3A_64 = vector.shape_cast %swap3A_63 : vector<1x16xi32> to vector<16xi32>
      %swap3A_65 = vector.shape_cast %shift_right_logical3A_59 : vector<16xi32> to vector<1x16xi32>
      tpu.vector_store %arg9[%swap3A_61, %swap3A_62], %swap3A_65 {strides = array<i32>} : memref<2x128xi32, #tpu.memory_space<vmem>>, vector<1x16xi32>,
      %add3A_66 = arith.constant 16 : i32
      %add3A_67 = arith.addi %mul3A_47, %add3A_66 : i32
      %get3A_68 = arith.index_cast %add3A_67 : i32 to index
      %get3A_69 = tpu.vector_load %arg5[%get3A_68] {strides = array<i32>} : memref<8192xi32, #tpu.memory_space<vmem>>, vector<16xi32>,
      %get3A_70 = vector.shape_cast %get3A_69 : vector<16xi32> to vector<16xi32>
      %and3A_71 = vector.broadcast %cond3A_37 : i32 to vector<16xi32>
      %and3A_72 = arith.andi %get3A_70, %and3A_71 : vector<16xi32>
      %swap3A_73 = arith.constant 0 : i32
      %swap3A_74 = arith.index_cast %swap3A_73 : i32 to index
      %swap3A_75 = arith.constant 16 : index
      %swap3A_76 = tpu.vector_load %arg9[%swap3A_74, %swap3A_75] {strides = array<i32>} : memref<2x128xi32, #tpu.memory_space<vmem>>, vector<1x16xi32>,
      %swap3A_77 = vector.shape_cast %swap3A_76 : vector<1x16xi32> to vector<16xi32>
      %swap3A_78 = vector.shape_cast %and3A_72 : vector<16xi32> to vector<1x16xi32>
      tpu.vector_store %arg9[%swap3A_74, %swap3A_75], %swap3A_78 {strides = array<i32>} : memref<2x128xi32, #tpu.memory_space<vmem>>, vector<1x16xi32>,
      %shift_right_logical3A_79 = arith.constant 17 : i32
      %shift_right_logical3A_80 = vector.broadcast %shift_right_logical3A_79 : i32 to vector<16xi32>
      %shift_right_logical3A_81 = arith.shrui %get3A_70, %shift_right_logical3A_80 : vector<16xi32>
      %swap3A_82 = arith.constant 1 : i32
      %swap3A_83 = arith.index_cast %swap3A_82 : i32 to index
      %swap3A_84 = arith.constant 16 : index
      %swap3A_85 = tpu.vector_load %arg9[%swap3A_83, %swap3A_84] {strides = array<i32>} : memref<2x128xi32, #tpu.memory_space<vmem>>, vector<1x16xi32>,
      %swap3A_86 = vector.shape_cast %swap3A_85 : vector<1x16xi32> to vector<16xi32>
      %swap3A_87 = vector.shape_cast %shift_right_logical3A_81 : vector<16xi32> to vector<1x16xi32>
      tpu.vector_store %arg9[%swap3A_83, %swap3A_84], %swap3A_87 {strides = array<i32>} : memref<2x128xi32, #tpu.memory_space<vmem>>, vector<1x16xi32>,
      %add3A_88 = arith.constant 32 : i32
      %add3A_89 = arith.addi %mul3A_47, %add3A_88 : i32
      %get3A_90 = arith.index_cast %add3A_89 : i32 to index
      %get3A_91 = tpu.vector_load %arg5[%get3A_90] {strides = array<i32>} : memref<8192xi32, #tpu.memory_space<vmem>>, vector<16xi32>,
      %get3A_92 = vector.shape_cast %get3A_91 : vector<16xi32> to vector<16xi32>
      %and3A_93 = vector.broadcast %cond3A_37 : i32 to vector<16xi32>
      %and3A_94 = arith.andi %get3A_92, %and3A_93 : vector<16xi32>
      %swap3A_95 = arith.constant 0 : i32
      %swap3A_96 = arith.index_cast %swap3A_95 : i32 to index
      %swap3A_97 = arith.constant 32 : index
      %swap3A_98 = tpu.vector_load %arg9[%swap3A_96, %swap3A_97] {strides = array<i32>} : memref<2x128xi32, #tpu.memory_space<vmem>>, vector<1x16xi32>,
      %swap3A_99 = vector.shape_cast %swap3A_98 : vector<1x16xi32> to vector<16xi32>
      %swap3A_100 = vector.shape_cast %and3A_94 : vector<16xi32> to vector<1x16xi32>
      tpu.vector_store %arg9[%swap3A_96, %swap3A_97], %swap3A_100 {strides = array<i32>} : memref<2x128xi32, #tpu.memory_space<vmem>>, vector<1x16xi32>,
      %shift_right_logical3A_101 = arith.constant 17 : i32
      %shift_right_logical3A_102 = vector.broadcast %shift_right_logical3A_101 : i32 to vector<16xi32>
      %shift_right_logical3A_103 = arith.shrui %get3A_92, %shift_right_logical3A_102 : vector<16xi32>
      %swap3A_104 = arith.constant 1 : i32
      %swap3A_105 = arith.index_cast %swap3A_104 : i32 to index
      %swap3A_106 = arith.constant 32 : index
      %swap3A_107 = tpu.vector_load %arg9[%swap3A_105, %swap3A_106] {strides = array<i32>} : memref<2x128xi32, #tpu.memory_space<vmem>>, vector<1x16xi32>,
      %swap3A_108 = vector.shape_cast %swap3A_107 : vector<1x16xi32> to vector<16xi32>
      %swap3A_109 = vector.shape_cast %shift_right_logical3A_103 : vector<16xi32> to vector<1x16xi32>
      tpu.vector_store %arg9[%swap3A_105, %swap3A_106], %swap3A_109 {strides = array<i32>} : memref<2x128xi32, #tpu.memory_space<vmem>>, vector<1x16xi32>,
      %add3A_110 = arith.constant 48 : i32
      %add3A_111 = arith.addi %mul3A_47, %add3A_110 : i32
      %get3A_112 = arith.index_cast %add3A_111 : i32 to index
      %get3A_113 = tpu.vector_load %arg5[%get3A_112] {strides = array<i32>} : memref<8192xi32, #tpu.memory_space<vmem>>, vector<16xi32>,
      %get3A_114 = vector.shape_cast %get3A_113 : vector<16xi32> to vector<16xi32>
      %and3A_115 = vector.broadcast %cond3A_37 : i32 to vector<16xi32>
      %and3A_116 = arith.andi %get3A_114, %and3A_115 : vector<16xi32>
      %swap3A_117 = arith.constant 0 : i32
      %swap3A_118 = arith.index_cast %swap3A_117 : i32 to index
      %swap3A_119 = arith.constant 48 : index
      %swap3A_120 = tpu.vector_load %arg9[%swap3A_118, %swap3A_119] {strides = array<i32>} : memref<2x128xi32, #tpu.memory_space<vmem>>, vector<1x16xi32>,
      %swap3A_121 = vector.shape_cast %swap3A_120 : vector<1x16xi32> to vector<16xi32>
      %swap3A_122 = vector.shape_cast %and3A_116 : vector<16xi32> to vector<1x16xi32>
      tpu.vector_store %arg9[%swap3A_118, %swap3A_119], %swap3A_122 {strides = array<i32>} : memref<2x128xi32, #tpu.memory_space<vmem>>, vector<1x16xi32>,
      %shift_right_logical3A_123 = arith.constant 17 : i32
      %shift_right_logical3A_124 = vector.broadcast %shift_right_logical3A_123 : i32 to vector<16xi32>
      %shift_right_logical3A_125 = arith.shrui %get3A_114, %shift_right_logical3A_124 : vector<16xi32>
      %swap3A_126 = arith.constant 1 : i32
      %swap3A_127 = arith.index_cast %swap3A_126 : i32 to index
      %swap3A_128 = arith.constant 48 : index
      %swap3A_129 = tpu.vector_load %arg9[%swap3A_127, %swap3A_128] {strides = array<i32>} : memref<2x128xi32, #tpu.memory_space<vmem>>, vector<1x16xi32>,
      %swap3A_130 = vector.shape_cast %swap3A_129 : vector<1x16xi32> to vector<16xi32>
      %swap3A_131 = vector.shape_cast %shift_right_logical3A_125 : vector<16xi32> to vector<1x16xi32>
      tpu.vector_store %arg9[%swap3A_127, %swap3A_128], %swap3A_131 {strides = array<i32>} : memref<2x128xi32, #tpu.memory_space<vmem>>, vector<1x16xi32>,
      %add3A_132 = arith.constant 64 : i32
      %add3A_133 = arith.addi %mul3A_47, %add3A_132 : i32
      %get3A_134 = arith.index_cast %add3A_133 : i32 to index
      %get3A_135 = tpu.vector_load %arg5[%get3A_134] {strides = array<i32>} : memref<8192xi32, #tpu.memory_space<vmem>>, vector<16xi32>,
      %get3A_136 = vector.shape_cast %get3A_135 : vector<16xi32> to vector<16xi32>
      %and3A_137 = vector.broadcast %cond3A_37 : i32 to vector<16xi32>
      %and3A_138 = arith.andi %get3A_136, %and3A_137 : vector<16xi32>
      %swap3A_139 = arith.constant 0 : i32
      %swap3A_140 = arith.index_cast %swap3A_139 : i32 to index
      %swap3A_141 = arith.constant 64 : index
      %swap3A_142 = tpu.vector_load %arg9[%swap3A_140, %swap3A_141] {strides = array<i32>} : memref<2x128xi32, #tpu.memory_space<vmem>>, vector<1x16xi32>,
      %swap3A_143 = vector.shape_cast %swap3A_142 : vector<1x16xi32> to vector<16xi32>
      %swap3A_144 = vector.shape_cast %and3A_138 : vector<16xi32> to vector<1x16xi32>
      tpu.vector_store %arg9[%swap3A_140, %swap3A_141], %swap3A_144 {strides = array<i32>} : memref<2x128xi32, #tpu.memory_space<vmem>>, vector<1x16xi32>,
      %shift_right_logical3A_145 = arith.constant 17 : i32
      %shift_right_logical3A_146 = vector.broadcast %shift_right_logical3A_145 : i32 to vector<16xi32>
      %shift_right_logical3A_147 = arith.shrui %get3A_136, %shift_right_logical3A_146 : vector<16xi32>
      %swap3A_148 = arith.constant 1 : i32
      %swap3A_149 = arith.index_cast %swap3A_148 : i32 to index
      %swap3A_150 = arith.constant 64 : index
      %swap3A_151 = tpu.vector_load %arg9[%swap3A_149, %swap3A_150] {strides = array<i32>} : memref<2x128xi32, #tpu.memory_space<vmem>>, vector<1x16xi32>,
      %swap3A_152 = vector.shape_cast %swap3A_151 : vector<1x16xi32> to vector<16xi32>
      %swap3A_153 = vector.shape_cast %shift_right_logical3A_147 : vector<16xi32> to vector<1x16xi32>
      tpu.vector_store %arg9[%swap3A_149, %swap3A_150], %swap3A_153 {strides = array<i32>} : memref<2x128xi32, #tpu.memory_space<vmem>>, vector<1x16xi32>,
      %add3A_154 = arith.constant 80 : i32
      %add3A_155 = arith.addi %mul3A_47, %add3A_154 : i32
      %get3A_156 = arith.index_cast %add3A_155 : i32 to index
      %get3A_157 = tpu.vector_load %arg5[%get3A_156] {strides = array<i32>} : memref<8192xi32, #tpu.memory_space<vmem>>, vector<16xi32>,
      %get3A_158 = vector.shape_cast %get3A_157 : vector<16xi32> to vector<16xi32>
      %and3A_159 = vector.broadcast %cond3A_37 : i32 to vector<16xi32>
      %and3A_160 = arith.andi %get3A_158, %and3A_159 : vector<16xi32>
      %swap3A_161 = arith.constant 0 : i32
      %swap3A_162 = arith.index_cast %swap3A_161 : i32 to index
      %swap3A_163 = arith.constant 80 : index
      %swap3A_164 = tpu.vector_load %arg9[%swap3A_162, %swap3A_163] {strides = array<i32>} : memref<2x128xi32, #tpu.memory_space<vmem>>, vector<1x16xi32>,
      %swap3A_165 = vector.shape_cast %swap3A_164 : vector<1x16xi32> to vector<16xi32>
      %swap3A_166 = vector.shape_cast %and3A_160 : vector<16xi32> to vector<1x16xi32>
      tpu.vector_store %arg9[%swap3A_162, %swap3A_163], %swap3A_166 {strides = array<i32>} : memref<2x128xi32, #tpu.memory_space<vmem>>, vector<1x16xi32>,
      %shift_right_logical3A_167 = arith.constant 17 : i32
      %shift_right_logical3A_168 = vector.broadcast %shift_right_logical3A_167 : i32 to vector<16xi32>
      %shift_right_logical3A_169 = arith.shrui %get3A_158, %shift_right_logical3A_168 : vector<16xi32>
      %swap3A_170 = arith.constant 1 : i32
      %swap3A_171 = arith.index_cast %swap3A_170 : i32 to index
      %swap3A_172 = arith.constant 80 : index
      %swap3A_173 = tpu.vector_load %arg9[%swap3A_171, %swap3A_172] {strides = array<i32>} : memref<2x128xi32, #tpu.memory_space<vmem>>, vector<1x16xi32>,
      %swap3A_174 = vector.shape_cast %swap3A_173 : vector<1x16xi32> to vector<16xi32>
      %swap3A_175 = vector.shape_cast %shift_right_logical3A_169 : vector<16xi32> to vector<1x16xi32>
      tpu.vector_store %arg9[%swap3A_171, %swap3A_172], %swap3A_175 {strides = array<i32>} : memref<2x128xi32, #tpu.memory_space<vmem>>, vector<1x16xi32>,
      %add3A_176 = arith.constant 96 : i32
      %add3A_177 = arith.addi %mul3A_47, %add3A_176 : i32
      %get3A_178 = arith.index_cast %add3A_177 : i32 to index
      %get3A_179 = tpu.vector_load %arg5[%get3A_178] {strides = array<i32>} : memref<8192xi32, #tpu.memory_space<vmem>>, vector<16xi32>,
      %get3A_180 = vector.shape_cast %get3A_179 : vector<16xi32> to vector<16xi32>
      %and3A_181 = vector.broadcast %cond3A_37 : i32 to vector<16xi32>
      %and3A_182 = arith.andi %get3A_180, %and3A_181 : vector<16xi32>
      %swap3A_183 = arith.constant 0 : i32
      %swap3A_184 = arith.index_cast %swap3A_183 : i32 to index
      %swap3A_185 = arith.constant 96 : index
      %swap3A_186 = tpu.vector_load %arg9[%swap3A_184, %swap3A_185] {strides = array<i32>} : memref<2x128xi32, #tpu.memory_space<vmem>>, vector<1x16xi32>,
      %swap3A_187 = vector.shape_cast %swap3A_186 : vector<1x16xi32> to vector<16xi32>
      %swap3A_188 = vector.shape_cast %and3A_182 : vector<16xi32> to vector<1x16xi32>
      tpu.vector_store %arg9[%swap3A_184, %swap3A_185], %swap3A_188 {strides = array<i32>} : memref<2x128xi32, #tpu.memory_space<vmem>>, vector<1x16xi32>,
      %shift_right_logical3A_189 = arith.constant 17 : i32
      %shift_right_logical3A_190 = vector.broadcast %shift_right_logical3A_189 : i32 to vector<16xi32>
      %shift_right_logical3A_191 = arith.shrui %get3A_180, %shift_right_logical3A_190 : vector<16xi32>
      %swap3A_192 = arith.constant 1 : i32
      %swap3A_193 = arith.index_cast %swap3A_192 : i32 to index
      %swap3A_194 = arith.constant 96 : index
      %swap3A_195 = tpu.vector_load %arg9[%swap3A_193, %swap3A_194] {strides = array<i32>} : memref<2x128xi32, #tpu.memory_space<vmem>>, vector<1x16xi32>,
      %swap3A_196 = vector.shape_cast %swap3A_195 : vector<1x16xi32> to vector<16xi32>
      %swap3A_197 = vector.shape_cast %shift_right_logical3A_191 : vector<16xi32> to vector<1x16xi32>
      tpu.vector_store %arg9[%swap3A_193, %swap3A_194], %swap3A_197 {strides = array<i32>} : memref<2x128xi32, #tpu.memory_space<vmem>>, vector<1x16xi32>,
      %add3A_198 = arith.constant 112 : i32
      %add3A_199 = arith.addi %mul3A_47, %add3A_198 : i32
      %get3A_200 = arith.index_cast %add3A_199 : i32 to index
      %get3A_201 = tpu.vector_load %arg5[%get3A_200] {strides = array<i32>} : memref<8192xi32, #tpu.memory_space<vmem>>, vector<16xi32>,
      %get3A_202 = vector.shape_cast %get3A_201 : vector<16xi32> to vector<16xi32>
      %and3A_203 = vector.broadcast %cond3A_37 : i32 to vector<16xi32>
      %and3A_204 = arith.andi %get3A_202, %and3A_203 : vector<16xi32>
      %swap3A_205 = arith.constant 0 : i32
      %swap3A_206 = arith.index_cast %swap3A_205 : i32 to index
      %swap3A_207 = arith.constant 112 : index
      %swap3A_208 = tpu.vector_load %arg9[%swap3A_206, %swap3A_207] {strides = array<i32>} : memref<2x128xi32, #tpu.memory_space<vmem>>, vector<1x16xi32>,
      %swap3A_209 = vector.shape_cast %swap3A_208 : vector<1x16xi32> to vector<16xi32>
      %swap3A_210 = vector.shape_cast %and3A_204 : vector<16xi32> to vector<1x16xi32>
      tpu.vector_store %arg9[%swap3A_206, %swap3A_207], %swap3A_210 {strides = array<i32>} : memref<2x128xi32, #tpu.memory_space<vmem>>, vector<1x16xi32>,
      %shift_right_logical3A_211 = arith.constant 17 : i32
      %shift_right_logical3A_212 = vector.broadcast %shift_right_logical3A_211 : i32 to vector<16xi32>
      %shift_right_logical3A_213 = arith.shrui %get3A_202, %shift_right_logical3A_212 : vector<16xi32>
      %swap3A_214 = arith.constant 1 : i32
      %swap3A_215 = arith.index_cast %swap3A_214 : i32 to index
      %swap3A_216 = arith.constant 112 : index
      %swap3A_217 = tpu.vector_load %arg9[%swap3A_215, %swap3A_216] {strides = array<i32>} : memref<2x128xi32, #tpu.memory_space<vmem>>, vector<1x16xi32>,
      %swap3A_218 = vector.shape_cast %swap3A_217 : vector<1x16xi32> to vector<16xi32>
      %swap3A_219 = vector.shape_cast %shift_right_logical3A_213 : vector<16xi32> to vector<1x16xi32>
      tpu.vector_store %arg9[%swap3A_215, %swap3A_216], %swap3A_219 {strides = array<i32>} : memref<2x128xi32, #tpu.memory_space<vmem>>, vector<1x16xi32>,
      %dma_start3A = arith.constant 0 : i32
      %dma_start3A_220 = arith.constant 0 : i32
      %dma_start3A_221 = tpu.memref_slice %arg9[%dma_start3A, %dma_start3A_220] : memref<2x128xi32, #tpu.memory_space<vmem>> -> memref<1x128xi32, #tpu.memory_space<vmem>>
      %dma_start3A_222 = tpu.memref_squeeze %dma_start3A_221 : memref<1x128xi32, #tpu.memory_space<vmem>> -> memref<128xi32, #tpu.memory_space<vmem>>
      %dma_start3A_223 = arith.constant 0 : i32
      %dma_start3A_224 = arith.constant 0 : i32
      %dma_start3A_225 = tpu.memref_slice %arg2[%dma_start3A_223, %dma_start3A_224] : memref<80000x128xf32, #tpu.memory_space<hbm>> -> memref<80000x128xf32, #tpu.memory_space<hbm>>
      tpu.enqueue_indirect_dma source(%dma_start3A_225 : memref<80000x128xf32, #tpu.memory_space<hbm>>) target(%arg7 : memref<128x128xf32, #tpu.memory_space<vmem>>) offsets(%dma_start3A_222 : memref<128xi32, #tpu.memory_space<vmem>>) semaphore(%arg11 : memref<!tpu.dma_semaphore, #tpu.memory_space<semaphore_mem>>)
      %rem3A_226 = arith.constant 1 : i32
      %rem3A_227 = arith.constant 64 : i32
      %rem3A_228 = arith.remsi %rem3A_226, %rem3A_227 : i32
      %mul3A_229 = arith.constant 128 : i32
      %mul3A_230 = arith.muli %rem3A_228, %mul3A_229 : i32
      %add3A_231 = arith.constant 0 : i32
      %add3A_232 = arith.addi %mul3A_230, %add3A_231 : i32
      %get3A_233 = arith.index_cast %add3A_232 : i32 to index
      %get3A_234 = tpu.vector_load %arg5[%get3A_233] {strides = array<i32>} : memref<8192xi32, #tpu.memory_space<vmem>>, vector<16xi32>,
      %get3A_235 = vector.shape_cast %get3A_234 : vector<16xi32> to vector<16xi32>
      %and3A_236 = vector.broadcast %cond3A_37 : i32 to vector<16xi32>
      %and3A_237 = arith.andi %get3A_235, %and3A_236 : vector<16xi32>
      %swap3A_238 = arith.constant 0 : i32
      %swap3A_239 = arith.index_cast %swap3A_238 : i32 to index
      %swap3A_240 = arith.constant 0 : index
      %swap3A_241 = tpu.vector_load %arg10[%swap3A_239, %swap3A_240] {strides = array<i32>} : memref<2x128xi32, #tpu.memory_space<vmem>>, vector<1x16xi32>,
      %swap3A_242 = vector.shape_cast %swap3A_241 : vector<1x16xi32> to vector<16xi32>
      %swap3A_243 = vector.shape_cast %and3A_237 : vector<16xi32> to vector<1x16xi32>
      tpu.vector_store %arg10[%swap3A_239, %swap3A_240], %swap3A_243 {strides = array<i32>} : memref<2x128xi32, #tpu.memory_space<vmem>>, vector<1x16xi32>,
      %shift_right_logical3A_244 = arith.constant 17 : i32
      %shift_right_logical3A_245 = vector.broadcast %shift_right_logical3A_244 : i32 to vector<16xi32>
      %shift_right_logical3A_246 = arith.shrui %get3A_235, %shift_right_logical3A_245 : vector<16xi32>
      %swap3A_247 = arith.constant 1 : i32
      %swap3A_248 = arith.index_cast %swap3A_247 : i32 to index
      %swap3A_249 = arith.constant 0 : index
      %swap3A_250 = tpu.vector_load %arg10[%swap3A_248, %swap3A_249] {strides = array<i32>} : memref<2x128xi32, #tpu.memory_space<vmem>>, vector<1x16xi32>,
      %swap3A_251 = vector.shape_cast %swap3A_250 : vector<1x16xi32> to vector<16xi32>
      %swap3A_252 = vector.shape_cast %shift_right_logical3A_246 : vector<16xi32> to vector<1x16xi32>
      tpu.vector_store %arg10[%swap3A_248, %swap3A_249], %swap3A_252 {strides = array<i32>} : memref<2x128xi32, #tpu.memory_space<vmem>>, vector<1x16xi32>,
      %add3A_253 = arith.constant 16 : i32
      %add3A_254 = arith.addi %mul3A_230, %add3A_253 : i32
      %get3A_255 = arith.index_cast %add3A_254 : i32 to index
      %get3A_256 = tpu.vector_load %arg5[%get3A_255] {strides = array<i32>} : memref<8192xi32, #tpu.memory_space<vmem>>, vector<16xi32>,
      %get3A_257 = vector.shape_cast %get3A_256 : vector<16xi32> to vector<16xi32>
      %and3A_258 = vector.broadcast %cond3A_37 : i32 to vector<16xi32>
      %and3A_259 = arith.andi %get3A_257, %and3A_258 : vector<16xi32>
      %swap3A_260 = arith.constant 0 : i32
      %swap3A_261 = arith.index_cast %swap3A_260 : i32 to index
      %swap3A_262 = arith.constant 16 : index
      %swap3A_263 = tpu.vector_load %arg10[%swap3A_261, %swap3A_262] {strides = array<i32>} : memref<2x128xi32, #tpu.memory_space<vmem>>, vector<1x16xi32>,
      %swap3A_264 = vector.shape_cast %swap3A_263 : vector<1x16xi32> to vector<16xi32>
      %swap3A_265 = vector.shape_cast %and3A_259 : vector<16xi32> to vector<1x16xi32>
      tpu.vector_store %arg10[%swap3A_261, %swap3A_262], %swap3A_265 {strides = array<i32>} : memref<2x128xi32, #tpu.memory_space<vmem>>, vector<1x16xi32>,
      %shift_right_logical3A_266 = arith.constant 17 : i32
      %shift_right_logical3A_267 = vector.broadcast %shift_right_logical3A_266 : i32 to vector<16xi32>
      %shift_right_logical3A_268 = arith.shrui %get3A_257, %shift_right_logical3A_267 : vector<16xi32>
      %swap3A_269 = arith.constant 1 : i32
      %swap3A_270 = arith.index_cast %swap3A_269 : i32 to index
      %swap3A_271 = arith.constant 16 : index
      %swap3A_272 = tpu.vector_load %arg10[%swap3A_270, %swap3A_271] {strides = array<i32>} : memref<2x128xi32, #tpu.memory_space<vmem>>, vector<1x16xi32>,
      %swap3A_273 = vector.shape_cast %swap3A_272 : vector<1x16xi32> to vector<16xi32>
      %swap3A_274 = vector.shape_cast %shift_right_logical3A_268 : vector<16xi32> to vector<1x16xi32>
      tpu.vector_store %arg10[%swap3A_270, %swap3A_271], %swap3A_274 {strides = array<i32>} : memref<2x128xi32, #tpu.memory_space<vmem>>, vector<1x16xi32>,
      %add3A_275 = arith.constant 32 : i32
      %add3A_276 = arith.addi %mul3A_230, %add3A_275 : i32
      %get3A_277 = arith.index_cast %add3A_276 : i32 to index
      %get3A_278 = tpu.vector_load %arg5[%get3A_277] {strides = array<i32>} : memref<8192xi32, #tpu.memory_space<vmem>>, vector<16xi32>,
      %get3A_279 = vector.shape_cast %get3A_278 : vector<16xi32> to vector<16xi32>
      %and3A_280 = vector.broadcast %cond3A_37 : i32 to vector<16xi32>
      %and3A_281 = arith.andi %get3A_279, %and3A_280 : vector<16xi32>
      %swap3A_282 = arith.constant 0 : i32
      %swap3A_283 = arith.index_cast %swap3A_282 : i32 to index
      %swap3A_284 = arith.constant 32 : index
      %swap3A_285 = tpu.vector_load %arg10[%swap3A_283, %swap3A_284] {strides = array<i32>} : memref<2x128xi32, #tpu.memory_space<vmem>>, vector<1x16xi32>,
      %swap3A_286 = vector.shape_cast %swap3A_285 : vector<1x16xi32> to vector<16xi32>
      %swap3A_287 = vector.shape_cast %and3A_281 : vector<16xi32> to vector<1x16xi32>
      tpu.vector_store %arg10[%swap3A_283, %swap3A_284], %swap3A_287 {strides = array<i32>} : memref<2x128xi32, #tpu.memory_space<vmem>>, vector<1x16xi32>,
      %shift_right_logical3A_288 = arith.constant 17 : i32
      %shift_right_logical3A_289 = vector.broadcast %shift_right_logical3A_288 : i32 to vector<16xi32>
      %shift_right_logical3A_290 = arith.shrui %get3A_279, %shift_right_logical3A_289 : vector<16xi32>
      %swap3A_291 = arith.constant 1 : i32
      %swap3A_292 = arith.index_cast %swap3A_291 : i32 to index
      %swap3A_293 = arith.constant 32 : index
      %swap3A_294 = tpu.vector_load %arg10[%swap3A_292, %swap3A_293] {strides = array<i32>} : memref<2x128xi32, #tpu.memory_space<vmem>>, vector<1x16xi32>,
      %swap3A_295 = vector.shape_cast %swap3A_294 : vector<1x16xi32> to vector<16xi32>
      %swap3A_296 = vector.shape_cast %shift_right_logical3A_290 : vector<16xi32> to vector<1x16xi32>
      tpu.vector_store %arg10[%swap3A_292, %swap3A_293], %swap3A_296 {strides = array<i32>} : memref<2x128xi32, #tpu.memory_space<vmem>>, vector<1x16xi32>,
      %add3A_297 = arith.constant 48 : i32
      %add3A_298 = arith.addi %mul3A_230, %add3A_297 : i32
      %get3A_299 = arith.index_cast %add3A_298 : i32 to index
      %get3A_300 = tpu.vector_load %arg5[%get3A_299] {strides = array<i32>} : memref<8192xi32, #tpu.memory_space<vmem>>, vector<16xi32>,
      %get3A_301 = vector.shape_cast %get3A_300 : vector<16xi32> to vector<16xi32>
      %and3A_302 = vector.broadcast %cond3A_37 : i32 to vector<16xi32>
      %and3A_303 = arith.andi %get3A_301, %and3A_302 : vector<16xi32>
      %swap3A_304 = arith.constant 0 : i32
      %swap3A_305 = arith.index_cast %swap3A_304 : i32 to index
      %swap3A_306 = arith.constant 48 : index
      %swap3A_307 = tpu.vector_load %arg10[%swap3A_305, %swap3A_306] {strides = array<i32>} : memref<2x128xi32, #tpu.memory_space<vmem>>, vector<1x16xi32>,
      %swap3A_308 = vector.shape_cast %swap3A_307 : vector<1x16xi32> to vector<16xi32>
      %swap3A_309 = vector.shape_cast %and3A_303 : vector<16xi32> to vector<1x16xi32>
      tpu.vector_store %arg10[%swap3A_305, %swap3A_306], %swap3A_309 {strides = array<i32>} : memref<2x128xi32, #tpu.memory_space<vmem>>, vector<1x16xi32>,
      %shift_right_logical3A_310 = arith.constant 17 : i32
      %shift_right_logical3A_311 = vector.broadcast %shift_right_logical3A_310 : i32 to vector<16xi32>
      %shift_right_logical3A_312 = arith.shrui %get3A_301, %shift_right_logical3A_311 : vector<16xi32>
      %swap3A_313 = arith.constant 1 : i32
      %swap3A_314 = arith.index_cast %swap3A_313 : i32 to index
      %swap3A_315 = arith.constant 48 : index
      %swap3A_316 = tpu.vector_load %arg10[%swap3A_314, %swap3A_315] {strides = array<i32>} : memref<2x128xi32, #tpu.memory_space<vmem>>, vector<1x16xi32>,
      %swap3A_317 = vector.shape_cast %swap3A_316 : vector<1x16xi32> to vector<16xi32>
      %swap3A_318 = vector.shape_cast %shift_right_logical3A_312 : vector<16xi32> to vector<1x16xi32>
      tpu.vector_store %arg10[%swap3A_314, %swap3A_315], %swap3A_318 {strides = array<i32>} : memref<2x128xi32, #tpu.memory_space<vmem>>, vector<1x16xi32>,
      %add3A_319 = arith.constant 64 : i32
      %add3A_320 = arith.addi %mul3A_230, %add3A_319 : i32
      %get3A_321 = arith.index_cast %add3A_320 : i32 to index
      %get3A_322 = tpu.vector_load %arg5[%get3A_321] {strides = array<i32>} : memref<8192xi32, #tpu.memory_space<vmem>>, vector<16xi32>,
      %get3A_323 = vector.shape_cast %get3A_322 : vector<16xi32> to vector<16xi32>
      %and3A_324 = vector.broadcast %cond3A_37 : i32 to vector<16xi32>
      %and3A_325 = arith.andi %get3A_323, %and3A_324 : vector<16xi32>
      %swap3A_326 = arith.constant 0 : i32
      %swap3A_327 = arith.index_cast %swap3A_326 : i32 to index
      %swap3A_328 = arith.constant 64 : index
      %swap3A_329 = tpu.vector_load %arg10[%swap3A_327, %swap3A_328] {strides = array<i32>} : memref<2x128xi32, #tpu.memory_space<vmem>>, vector<1x16xi32>,
      %swap3A_330 = vector.shape_cast %swap3A_329 : vector<1x16xi32> to vector<16xi32>
      %swap3A_331 = vector.shape_cast %and3A_325 : vector<16xi32> to vector<1x16xi32>
      tpu.vector_store %arg10[%swap3A_327, %swap3A_328], %swap3A_331 {strides = array<i32>} : memref<2x128xi32, #tpu.memory_space<vmem>>, vector<1x16xi32>,
      %shift_right_logical3A_332 = arith.constant 17 : i32
      %shift_right_logical3A_333 = vector.broadcast %shift_right_logical3A_332 : i32 to vector<16xi32>
      %shift_right_logical3A_334 = arith.shrui %get3A_323, %shift_right_logical3A_333 : vector<16xi32>
      %swap3A_335 = arith.constant 1 : i32
      %swap3A_336 = arith.index_cast %swap3A_335 : i32 to index
      %swap3A_337 = arith.constant 64 : index
      %swap3A_338 = tpu.vector_load %arg10[%swap3A_336, %swap3A_337] {strides = array<i32>} : memref<2x128xi32, #tpu.memory_space<vmem>>, vector<1x16xi32>,
      %swap3A_339 = vector.shape_cast %swap3A_338 : vector<1x16xi32> to vector<16xi32>
      %swap3A_340 = vector.shape_cast %shift_right_logical3A_334 : vector<16xi32> to vector<1x16xi32>
      tpu.vector_store %arg10[%swap3A_336, %swap3A_337], %swap3A_340 {strides = array<i32>} : memref<2x128xi32, #tpu.memory_space<vmem>>, vector<1x16xi32>,
      %add3A_341 = arith.constant 80 : i32
      %add3A_342 = arith.addi %mul3A_230, %add3A_341 : i32
      %get3A_343 = arith.index_cast %add3A_342 : i32 to index
      %get3A_344 = tpu.vector_load %arg5[%get3A_343] {strides = array<i32>} : memref<8192xi32, #tpu.memory_space<vmem>>, vector<16xi32>,
      %get3A_345 = vector.shape_cast %get3A_344 : vector<16xi32> to vector<16xi32>
      %and3A_346 = vector.broadcast %cond3A_37 : i32 to vector<16xi32>
      %and3A_347 = arith.andi %get3A_345, %and3A_346 : vector<16xi32>
      %swap3A_348 = arith.constant 0 : i32
      %swap3A_349 = arith.index_cast %swap3A_348 : i32 to index
      %swap3A_350 = arith.constant 80 : index
      %swap3A_351 = tpu.vector_load %arg10[%swap3A_349, %swap3A_350] {strides = array<i32>} : memref<2x128xi32, #tpu.memory_space<vmem>>, vector<1x16xi32>,
      %swap3A_352 = vector.shape_cast %swap3A_351 : vector<1x16xi32> to vector<16xi32>
      %swap3A_353 = vector.shape_cast %and3A_347 : vector<16xi32> to vector<1x16xi32>
      tpu.vector_store %arg10[%swap3A_349, %swap3A_350], %swap3A_353 {strides = array<i32>} : memref<2x128xi32, #tpu.memory_space<vmem>>, vector<1x16xi32>,
      %shift_right_logical3A_354 = arith.constant 17 : i32
      %shift_right_logical3A_355 = vector.broadcast %shift_right_logical3A_354 : i32 to vector<16xi32>
      %shift_right_logical3A_356 = arith.shrui %get3A_345, %shift_right_logical3A_355 : vector<16xi32>
      %swap3A_357 = arith.constant 1 : i32
      %swap3A_358 = arith.index_cast %swap3A_357 : i32 to index
      %swap3A_359 = arith.constant 80 : index
      %swap3A_360 = tpu.vector_load %arg10[%swap3A_358, %swap3A_359] {strides = array<i32>} : memref<2x128xi32, #tpu.memory_space<vmem>>, vector<1x16xi32>,
      %swap3A_361 = vector.shape_cast %swap3A_360 : vector<1x16xi32> to vector<16xi32>
      %swap3A_362 = vector.shape_cast %shift_right_logical3A_356 : vector<16xi32> to vector<1x16xi32>
      tpu.vector_store %arg10[%swap3A_358, %swap3A_359], %swap3A_362 {strides = array<i32>} : memref<2x128xi32, #tpu.memory_space<vmem>>, vector<1x16xi32>,
      %add3A_363 = arith.constant 96 : i32
      %add3A_364 = arith.addi %mul3A_230, %add3A_363 : i32
      %get3A_365 = arith.index_cast %add3A_364 : i32 to index
      %get3A_366 = tpu.vector_load %arg5[%get3A_365] {strides = array<i32>} : memref<8192xi32, #tpu.memory_space<vmem>>, vector<16xi32>,
      %get3A_367 = vector.shape_cast %get3A_366 : vector<16xi32> to vector<16xi32>
      %and3A_368 = vector.broadcast %cond3A_37 : i32 to vector<16xi32>
      %and3A_369 = arith.andi %get3A_367, %and3A_368 : vector<16xi32>
      %swap3A_370 = arith.constant 0 : i32
      %swap3A_371 = arith.index_cast %swap3A_370 : i32 to index
      %swap3A_372 = arith.constant 96 : index
      %swap3A_373 = tpu.vector_load %arg10[%swap3A_371, %swap3A_372] {strides = array<i32>} : memref<2x128xi32, #tpu.memory_space<vmem>>, vector<1x16xi32>,
      %swap3A_374 = vector.shape_cast %swap3A_373 : vector<1x16xi32> to vector<16xi32>
      %swap3A_375 = vector.shape_cast %and3A_369 : vector<16xi32> to vector<1x16xi32>
      tpu.vector_store %arg10[%swap3A_371, %swap3A_372], %swap3A_375 {strides = array<i32>} : memref<2x128xi32, #tpu.memory_space<vmem>>, vector<1x16xi32>,
      %shift_right_logical3A_376 = arith.constant 17 : i32
      %shift_right_logical3A_377 = vector.broadcast %shift_right_logical3A_376 : i32 to vector<16xi32>
      %shift_right_logical3A_378 = arith.shrui %get3A_367, %shift_right_logical3A_377 : vector<16xi32>
      %swap3A_379 = arith.constant 1 : i32
      %swap3A_380 = arith.index_cast %swap3A_379 : i32 to index
      %swap3A_381 = arith.constant 96 : index
      %swap3A_382 = tpu.vector_load %arg10[%swap3A_380, %swap3A_381] {strides = array<i32>} : memref<2x128xi32, #tpu.memory_space<vmem>>, vector<1x16xi32>,
      %swap3A_383 = vector.shape_cast %swap3A_382 : vector<1x16xi32> to vector<16xi32>
      %swap3A_384 = vector.shape_cast %shift_right_logical3A_378 : vector<16xi32> to vector<1x16xi32>
      tpu.vector_store %arg10[%swap3A_380, %swap3A_381], %swap3A_384 {strides = array<i32>} : memref<2x128xi32, #tpu.memory_space<vmem>>, vector<1x16xi32>,
      %add3A_385 = arith.constant 112 : i32
      %add3A_386 = arith.addi %mul3A_230, %add3A_385 : i32
      %get3A_387 = arith.index_cast %add3A_386 : i32 to index
      %get3A_388 = tpu.vector_load %arg5[%get3A_387] {strides = array<i32>} : memref<8192xi32, #tpu.memory_space<vmem>>, vector<16xi32>,
      %get3A_389 = vector.shape_cast %get3A_388 : vector<16xi32> to vector<16xi32>
      %and3A_390 = vector.broadcast %cond3A_37 : i32 to vector<16xi32>
      %and3A_391 = arith.andi %get3A_389, %and3A_390 : vector<16xi32>
      %swap3A_392 = arith.constant 0 : i32
      %swap3A_393 = arith.index_cast %swap3A_392 : i32 to index
      %swap3A_394 = arith.constant 112 : index
      %swap3A_395 = tpu.vector_load %arg10[%swap3A_393, %swap3A_394] {strides = array<i32>} : memref<2x128xi32, #tpu.memory_space<vmem>>, vector<1x16xi32>,
      %swap3A_396 = vector.shape_cast %swap3A_395 : vector<1x16xi32> to vector<16xi32>
      %swap3A_397 = vector.shape_cast %and3A_391 : vector<16xi32> to vector<1x16xi32>
      tpu.vector_store %arg10[%swap3A_393, %swap3A_394], %swap3A_397 {strides = array<i32>} : memref<2x128xi32, #tpu.memory_space<vmem>>, vector<1x16xi32>,
      %shift_right_logical3A_398 = arith.constant 17 : i32
      %shift_right_logical3A_399 = vector.broadcast %shift_right_logical3A_398 : i32 to vector<16xi32>
      %shift_right_logical3A_400 = arith.shrui %get3A_389, %shift_right_logical3A_399 : vector<16xi32>
      %swap3A_401 = arith.constant 1 : i32
      %swap3A_402 = arith.index_cast %swap3A_401 : i32 to index
      %swap3A_403 = arith.constant 112 : index
      %swap3A_404 = tpu.vector_load %arg10[%swap3A_402, %swap3A_403] {strides = array<i32>} : memref<2x128xi32, #tpu.memory_space<vmem>>, vector<1x16xi32>,
      %swap3A_405 = vector.shape_cast %swap3A_404 : vector<1x16xi32> to vector<16xi32>
      %swap3A_406 = vector.shape_cast %shift_right_logical3A_400 : vector<16xi32> to vector<1x16xi32>
      tpu.vector_store %arg10[%swap3A_402, %swap3A_403], %swap3A_406 {strides = array<i32>} : memref<2x128xi32, #tpu.memory_space<vmem>>, vector<1x16xi32>,
      %dma_start3A_407 = arith.constant 0 : i32
      %dma_start3A_408 = arith.constant 0 : i32
      %dma_start3A_409 = tpu.memref_slice %arg10[%dma_start3A_407, %dma_start3A_408] : memref<2x128xi32, #tpu.memory_space<vmem>> -> memref<1x128xi32, #tpu.memory_space<vmem>>
      %dma_start3A_410 = tpu.memref_squeeze %dma_start3A_409 : memref<1x128xi32, #tpu.memory_space<vmem>> -> memref<128xi32, #tpu.memory_space<vmem>>
      %dma_start3A_411 = arith.constant 0 : i32
      %dma_start3A_412 = arith.constant 0 : i32
      %dma_start3A_413 = tpu.memref_slice %arg2[%dma_start3A_411, %dma_start3A_412] : memref<80000x128xf32, #tpu.memory_space<hbm>> -> memref<80000x128xf32, #tpu.memory_space<hbm>>
      tpu.enqueue_indirect_dma source(%dma_start3A_413 : memref<80000x128xf32, #tpu.memory_space<hbm>>) target(%arg8 : memref<128x128xf32, #tpu.memory_space<vmem>>) offsets(%dma_start3A_410 : memref<128xi32, #tpu.memory_space<vmem>>) semaphore(%arg12 : memref<!tpu.dma_semaphore, #tpu.memory_space<semaphore_mem>>)
      %barrier3A_414 = arith.constant 0 : index
      tpu.barrier barrier_id(%barrier3A_414)
      %scan3A_415 = arith.constant 0 : i32
      %scan3A_416 = arith.constant 0 : i32
      %scan3A_417 = arith.constant 15 : i32
      %scan3A_418 = arith.addi %scan3A_416, %scan3A_417 : i32
      %scan3A_419 = arith.constant 1 : i32
      scf.for %scan3A_421 = %scan3A_416 to %scan3A_418 step %scan3A_419  : i32 {
        %rem3A_422 = arith.constant 32 : i32
        %rem3A_423 = arith.remsi %scan3A_421, %rem3A_422 : i32
        %eq3A_424 = arith.constant 31 : i32
        %eq3A_425 = arith.cmpi eq, %rem3A_423, %eq3A_424 : i32
        %lt3A = arith.constant 14 : i32
        %lt3A_426 = arith.cmpi slt, %scan3A_421, %lt3A : i32
        %and3A_427 = arith.andi %eq3A_425, %lt3A_426 : i1
        %convert_element_type3A_428 = arith.extui %and3A_427 : i1 to i32
        %cond3A_429 = arith.constant 0 : i32
        %cond3A_430 = arith.cmpi ne, %convert_element_type3A_428, %cond3A_429 : i32
        scf.if %cond3A_430 {
          %jit3A = arith.constant 32 : i32
          %div3A = arith.divsi %scan3A_421, %jit3A : i32
          %sign3A = arith.constant 0 : i32
          %sign3A_463 = arith.cmpi sgt, %scan3A_421, %sign3A : i32
          %sign3A_464 = arith.extui %sign3A_463 : i1 to i32
          %sign3A_465 = arith.constant 0 : i32
          %sign3A_466 = arith.cmpi slt, %scan3A_421, %sign3A_465 : i32
          %sign3A_467 = arith.extui %sign3A_466 : i1 to i32
          %sign3A_468 = arith.subi %sign3A_464, %sign3A_467 : i32
          %sign3A_469 = arith.constant 0 : i32
          %sign3A_470 = arith.cmpi sgt, %jit3A, %sign3A_469 : i32
          %sign3A_471 = arith.extui %sign3A_470 : i1 to i32
          %sign3A_472 = arith.constant 0 : i32
          %sign3A_473 = arith.cmpi slt, %jit3A, %sign3A_472 : i32
          %sign3A_474 = arith.extui %sign3A_473 : i1 to i32
          %sign3A_475 = arith.subi %sign3A_471, %sign3A_474 : i32
          %ne3A_476 = arith.cmpi ne, %sign3A_468, %sign3A_475 : i32
          %rem3A_477 = arith.remsi %scan3A_421, %jit3A : i32
          %ne3A_478 = arith.constant 0 : i32
          %ne3A_479 = arith.cmpi ne, %rem3A_477, %ne3A_478 : i32
          %and3A_480 = arith.andi %ne3A_476, %ne3A_479 : i1
          %sub3A = arith.constant 1 : i32
          %sub3A_481 = arith.subi %div3A, %sub3A : i32
          %select_n3A_482 = arith.select %and3A_480, %sub3A_481, %div3A : i32
          %add3A_483 = arith.constant 1 : i32
          %add3A_484 = arith.addi %select_n3A_482, %add3A_483 : i32
          %mul3A_485 = arith.constant 8192 : i32
          %mul3A_486 = arith.muli %add3A_484, %mul3A_485 : i32
          %add3A_487 = arith.addi %select_n3A, %mul3A_486 : i32
          "tpu.region"() ({
            %run_scoped3A_488 = tpu.sem_alloc : memref<!tpu.dma_semaphore, #tpu.memory_space<semaphore_mem>>
            %dma_start3A_489 = tpu.memref_slice %arg3[%add3A_487] : memref<327936xi32, #tpu.memory_space<hbm>> -> memref<8192xi32, #tpu.memory_space<hbm>>
            %dma_start3A_490 = tpu.memref_slice %arg3[%add3A_487] : memref<327936xi32, #tpu.memory_space<hbm>> -> memref<8192xi32, #tpu.memory_space<hbm>>
            tpu.enqueue_dma source(%dma_start3A_490 : memref<8192xi32, #tpu.memory_space<hbm>>) target(%arg5 : memref<8192xi32, #tpu.memory_space<vmem>>) target_semaphore(%run_scoped3A_488 : memref<!tpu.dma_semaphore, #tpu.memory_space<semaphore_mem>>)
            %dma_wait3A_491 = tpu.memref_slice %arg3[%add3A_487] : memref<327936xi32, #tpu.memory_space<hbm>> -> memref<8192xi32, #tpu.memory_space<hbm>>
            %dma_wait3A_492 = tpu.memref_slice %arg3[%add3A_487] : memref<327936xi32, #tpu.memory_space<hbm>> -> memref<8192xi32, #tpu.memory_space<hbm>>
            tpu.wait_dma2 semaphore(%run_scoped3A_488 : memref<!tpu.dma_semaphore, #tpu.memory_space<semaphore_mem>>) src(%dma_wait3A_492 : memref<8192xi32, #tpu.memory_space<hbm>>) dst(%arg5 : memref<8192xi32, #tpu.memory_space<vmem>>)
            tpu.yield
          }) : () -> ()
        } else {
        }
        %mul3A_431 = arith.constant 2 : i32
        %mul3A_432 = arith.muli %scan3A_421, %mul3A_431 : i32
        %add3A_433 = arith.constant 0 : i32
        %add3A_434 = arith.addi %mul3A_432, %add3A_433 : i32
        %dma_wait3A = arith.constant 0 : i32
        %dma_wait3A_435 = arith.constant 0 : i32
        %dma_wait3A_436 = tpu.memref_slice %arg9[%dma_wait3A, %dma_wait3A_435] : memref<2x128xi32, #tpu.memory_space<vmem>> -> memref<1x128xi32, #tpu.memory_space<vmem>>
        %dma_wait3A_437 = tpu.memref_squeeze %dma_wait3A_436 : memref<1x128xi32, #tpu.memory_space<vmem>> -> memref<128xi32, #tpu.memory_space<vmem>>
        %dma_wait3A_438 = arith.constant 0 : i32
        %dma_wait3A_439 = arith.constant 0 : i32
        %dma_wait3A_440 = tpu.memref_slice %arg2[%dma_wait3A_438, %dma_wait3A_439] : memref<80000x128xf32, #tpu.memory_space<hbm>> -> memref<80000x128xf32, #tpu.memory_space<hbm>>
        tpu.wait_indirect_dma semaphore(%arg11 : memref<!tpu.dma_semaphore, #tpu.memory_space<semaphore_mem>>) src(%dma_wait3A_440 : memref<80000x128xf32, #tpu.memory_space<hbm>>) dst(%arg7 : memref<128x128xf32, #tpu.memory_space<vmem>>)
        %run_scoped3A = arith.constant 1 : i32
        "tpu.region"() ({
          %run_scoped3A_463 = tpu.sem_alloc : memref<!tpu.dma_semaphore, #tpu.memory_space<semaphore_mem>>
          %dma_start3A_464 = arith.constant 0 : i32
          %dma_start3A_465 = tpu.memref_slice %arg9[%run_scoped3A, %dma_start3A_464] : memref<2x128xi32, #tpu.memory_space<vmem>> -> memref<1x128xi32, #tpu.memory_space<vmem>>
          %dma_start3A_466 = tpu.memref_squeeze %dma_start3A_465 : memref<1x128xi32, #tpu.memory_space<vmem>> -> memref<128xi32, #tpu.memory_space<vmem>>
          %dma_start3A_467 = arith.constant 0 : i32
          %dma_start3A_468 = arith.constant 0 : i32
          %dma_start3A_469 = tpu.memref_slice %arg6[%dma_start3A_467, %dma_start3A_468] : memref<10112x128xf32, #tpu.memory_space<vmem_shared>> -> memref<10112x128xf32, #tpu.memory_space<vmem_shared>>
          tpu.enqueue_indirect_dma source(%arg7 : memref<128x128xf32, #tpu.memory_space<vmem>>) target(%dma_start3A_469 : memref<10112x128xf32, #tpu.memory_space<vmem_shared>>) offsets(%dma_start3A_466 : memref<128xi32, #tpu.memory_space<vmem>>) semaphore(%run_scoped3A_463 : memref<!tpu.dma_semaphore, #tpu.memory_space<semaphore_mem>>) {add = true}
          %dma_wait3A_470 = arith.constant 0 : i32
          %dma_wait3A_471 = tpu.memref_slice %arg9[%run_scoped3A, %dma_wait3A_470] : memref<2x128xi32, #tpu.memory_space<vmem>> -> memref<1x128xi32, #tpu.memory_space<vmem>>
          %dma_wait3A_472 = tpu.memref_squeeze %dma_wait3A_471 : memref<1x128xi32, #tpu.memory_space<vmem>> -> memref<128xi32, #tpu.memory_space<vmem>>
          %dma_wait3A_473 = arith.constant 0 : i32
          %dma_wait3A_474 = arith.constant 0 : i32
          %dma_wait3A_475 = tpu.memref_slice %arg6[%dma_wait3A_473, %dma_wait3A_474] : memref<10112x128xf32, #tpu.memory_space<vmem_shared>> -> memref<10112x128xf32, #tpu.memory_space<vmem_shared>>
          tpu.wait_indirect_dma semaphore(%run_scoped3A_463 : memref<!tpu.dma_semaphore, #tpu.memory_space<semaphore_mem>>) src(%arg7 : memref<128x128xf32, #tpu.memory_space<vmem>>) dst(%dma_wait3A_475 : memref<10112x128xf32, #tpu.memory_space<vmem_shared>>)
          tpu.yield
        }) : () -> ()
        %lt3A_441 = arith.constant 14 : i32
        %lt3A_442 = arith.cmpi slt, %scan3A_421, %lt3A_441 : i32
        %convert_element_type3A_443 = arith.extui %lt3A_442 : i1 to i32
        %cond3A_444 = arith.constant 0 : i32
        %cond3A_445 = arith.cmpi ne, %convert_element_type3A_443, %cond3A_444 : i32
        scf.if %cond3A_445 {
          %add3A_463 = arith.constant 2 : i32
          %add3A_464 = arith.addi %add3A_434, %add3A_463 : i32
          %rem3A_465 = arith.constant 64 : i32
          %rem3A_466 = arith.remsi %add3A_464, %rem3A_465 : i32
          %mul3A_467 = arith.constant 128 : i32
          %mul3A_468 = arith.muli %rem3A_466, %mul3A_467 : i32
          %add3A_469 = arith.constant 0 : i32
          %add3A_470 = arith.addi %mul3A_468, %add3A_469 : i32
          %get3A_471 = arith.index_cast %add3A_470 : i32 to index
          %get3A_472 = tpu.vector_load %arg5[%get3A_471] {strides = array<i32>} : memref<8192xi32, #tpu.memory_space<vmem>>, vector<16xi32>,
          %get3A_473 = vector.shape_cast %get3A_472 : vector<16xi32> to vector<16xi32>
          %and3A_474 = vector.broadcast %cond3A_37 : i32 to vector<16xi32>
          %and3A_475 = arith.andi %get3A_473, %and3A_474 : vector<16xi32>
          %swap3A_476 = arith.constant 0 : i32
          %swap3A_477 = arith.index_cast %swap3A_476 : i32 to index
          %swap3A_478 = arith.constant 0 : index
          %swap3A_479 = tpu.vector_load %arg9[%swap3A_477, %swap3A_478] {strides = array<i32>} : memref<2x128xi32, #tpu.memory_space<vmem>>, vector<1x16xi32>,
          %swap3A_480 = vector.shape_cast %swap3A_479 : vector<1x16xi32> to vector<16xi32>
          %swap3A_481 = vector.shape_cast %and3A_475 : vector<16xi32> to vector<1x16xi32>
          tpu.vector_store %arg9[%swap3A_477, %swap3A_478], %swap3A_481 {strides = array<i32>} : memref<2x128xi32, #tpu.memory_space<vmem>>, vector<1x16xi32>,
          %shift_right_logical3A_482 = arith.constant 17 : i32
          %shift_right_logical3A_483 = vector.broadcast %shift_right_logical3A_482 : i32 to vector<16xi32>
          %shift_right_logical3A_484 = arith.shrui %get3A_473, %shift_right_logical3A_483 : vector<16xi32>
          %swap3A_485 = arith.constant 1 : i32
          %swap3A_486 = arith.index_cast %swap3A_485 : i32 to index
          %swap3A_487 = arith.constant 0 : index
          %swap3A_488 = tpu.vector_load %arg9[%swap3A_486, %swap3A_487] {strides = array<i32>} : memref<2x128xi32, #tpu.memory_space<vmem>>, vector<1x16xi32>,
          %swap3A_489 = vector.shape_cast %swap3A_488 : vector<1x16xi32> to vector<16xi32>
          %swap3A_490 = vector.shape_cast %shift_right_logical3A_484 : vector<16xi32> to vector<1x16xi32>
          tpu.vector_store %arg9[%swap3A_486, %swap3A_487], %swap3A_490 {strides = array<i32>} : memref<2x128xi32, #tpu.memory_space<vmem>>, vector<1x16xi32>,
          %add3A_491 = arith.constant 16 : i32
          %add3A_492 = arith.addi %mul3A_468, %add3A_491 : i32
          %get3A_493 = arith.index_cast %add3A_492 : i32 to index
          %get3A_494 = tpu.vector_load %arg5[%get3A_493] {strides = array<i32>} : memref<8192xi32, #tpu.memory_space<vmem>>, vector<16xi32>,
          %get3A_495 = vector.shape_cast %get3A_494 : vector<16xi32> to vector<16xi32>
          %and3A_496 = vector.broadcast %cond3A_37 : i32 to vector<16xi32>
          %and3A_497 = arith.andi %get3A_495, %and3A_496 : vector<16xi32>
          %swap3A_498 = arith.constant 0 : i32
          %swap3A_499 = arith.index_cast %swap3A_498 : i32 to index
          %swap3A_500 = arith.constant 16 : index
          %swap3A_501 = tpu.vector_load %arg9[%swap3A_499, %swap3A_500] {strides = array<i32>} : memref<2x128xi32, #tpu.memory_space<vmem>>, vector<1x16xi32>,
          %swap3A_502 = vector.shape_cast %swap3A_501 : vector<1x16xi32> to vector<16xi32>
          %swap3A_503 = vector.shape_cast %and3A_497 : vector<16xi32> to vector<1x16xi32>
          tpu.vector_store %arg9[%swap3A_499, %swap3A_500], %swap3A_503 {strides = array<i32>} : memref<2x128xi32, #tpu.memory_space<vmem>>, vector<1x16xi32>,
          %shift_right_logical3A_504 = arith.constant 17 : i32
          %shift_right_logical3A_505 = vector.broadcast %shift_right_logical3A_504 : i32 to vector<16xi32>
          %shift_right_logical3A_506 = arith.shrui %get3A_495, %shift_right_logical3A_505 : vector<16xi32>
          %swap3A_507 = arith.constant 1 : i32
          %swap3A_508 = arith.index_cast %swap3A_507 : i32 to index
          %swap3A_509 = arith.constant 16 : index
          %swap3A_510 = tpu.vector_load %arg9[%swap3A_508, %swap3A_509] {strides = array<i32>} : memref<2x128xi32, #tpu.memory_space<vmem>>, vector<1x16xi32>,
          %swap3A_511 = vector.shape_cast %swap3A_510 : vector<1x16xi32> to vector<16xi32>
          %swap3A_512 = vector.shape_cast %shift_right_logical3A_506 : vector<16xi32> to vector<1x16xi32>
          tpu.vector_store %arg9[%swap3A_508, %swap3A_509], %swap3A_512 {strides = array<i32>} : memref<2x128xi32, #tpu.memory_space<vmem>>, vector<1x16xi32>,
          %add3A_513 = arith.constant 32 : i32
          %add3A_514 = arith.addi %mul3A_468, %add3A_513 : i32
          %get3A_515 = arith.index_cast %add3A_514 : i32 to index
          %get3A_516 = tpu.vector_load %arg5[%get3A_515] {strides = array<i32>} : memref<8192xi32, #tpu.memory_space<vmem>>, vector<16xi32>,
          %get3A_517 = vector.shape_cast %get3A_516 : vector<16xi32> to vector<16xi32>
          %and3A_518 = vector.broadcast %cond3A_37 : i32 to vector<16xi32>
          %and3A_519 = arith.andi %get3A_517, %and3A_518 : vector<16xi32>
          %swap3A_520 = arith.constant 0 : i32
          %swap3A_521 = arith.index_cast %swap3A_520 : i32 to index
          %swap3A_522 = arith.constant 32 : index
          %swap3A_523 = tpu.vector_load %arg9[%swap3A_521, %swap3A_522] {strides = array<i32>} : memref<2x128xi32, #tpu.memory_space<vmem>>, vector<1x16xi32>,
          %swap3A_524 = vector.shape_cast %swap3A_523 : vector<1x16xi32> to vector<16xi32>
          %swap3A_525 = vector.shape_cast %and3A_519 : vector<16xi32> to vector<1x16xi32>
          tpu.vector_store %arg9[%swap3A_521, %swap3A_522], %swap3A_525 {strides = array<i32>} : memref<2x128xi32, #tpu.memory_space<vmem>>, vector<1x16xi32>,
          %shift_right_logical3A_526 = arith.constant 17 : i32
          %shift_right_logical3A_527 = vector.broadcast %shift_right_logical3A_526 : i32 to vector<16xi32>
          %shift_right_logical3A_528 = arith.shrui %get3A_517, %shift_right_logical3A_527 : vector<16xi32>
          %swap3A_529 = arith.constant 1 : i32
          %swap3A_530 = arith.index_cast %swap3A_529 : i32 to index
          %swap3A_531 = arith.constant 32 : index
          %swap3A_532 = tpu.vector_load %arg9[%swap3A_530, %swap3A_531] {strides = array<i32>} : memref<2x128xi32, #tpu.memory_space<vmem>>, vector<1x16xi32>,
          %swap3A_533 = vector.shape_cast %swap3A_532 : vector<1x16xi32> to vector<16xi32>
          %swap3A_534 = vector.shape_cast %shift_right_logical3A_528 : vector<16xi32> to vector<1x16xi32>
          tpu.vector_store %arg9[%swap3A_530, %swap3A_531], %swap3A_534 {strides = array<i32>} : memref<2x128xi32, #tpu.memory_space<vmem>>, vector<1x16xi32>,
          %add3A_535 = arith.constant 48 : i32
          %add3A_536 = arith.addi %mul3A_468, %add3A_535 : i32
          %get3A_537 = arith.index_cast %add3A_536 : i32 to index
          %get3A_538 = tpu.vector_load %arg5[%get3A_537] {strides = array<i32>} : memref<8192xi32, #tpu.memory_space<vmem>>, vector<16xi32>,
          %get3A_539 = vector.shape_cast %get3A_538 : vector<16xi32> to vector<16xi32>
          %and3A_540 = vector.broadcast %cond3A_37 : i32 to vector<16xi32>
          %and3A_541 = arith.andi %get3A_539, %and3A_540 : vector<16xi32>
          %swap3A_542 = arith.constant 0 : i32
          %swap3A_543 = arith.index_cast %swap3A_542 : i32 to index
          %swap3A_544 = arith.constant 48 : index
          %swap3A_545 = tpu.vector_load %arg9[%swap3A_543, %swap3A_544] {strides = array<i32>} : memref<2x128xi32, #tpu.memory_space<vmem>>, vector<1x16xi32>,
          %swap3A_546 = vector.shape_cast %swap3A_545 : vector<1x16xi32> to vector<16xi32>
          %swap3A_547 = vector.shape_cast %and3A_541 : vector<16xi32> to vector<1x16xi32>
          tpu.vector_store %arg9[%swap3A_543, %swap3A_544], %swap3A_547 {strides = array<i32>} : memref<2x128xi32, #tpu.memory_space<vmem>>, vector<1x16xi32>,
          %shift_right_logical3A_548 = arith.constant 17 : i32
          %shift_right_logical3A_549 = vector.broadcast %shift_right_logical3A_548 : i32 to vector<16xi32>
          %shift_right_logical3A_550 = arith.shrui %get3A_539, %shift_right_logical3A_549 : vector<16xi32>
          %swap3A_551 = arith.constant 1 : i32
          %swap3A_552 = arith.index_cast %swap3A_551 : i32 to index
          %swap3A_553 = arith.constant 48 : index
          %swap3A_554 = tpu.vector_load %arg9[%swap3A_552, %swap3A_553] {strides = array<i32>} : memref<2x128xi32, #tpu.memory_space<vmem>>, vector<1x16xi32>,
          %swap3A_555 = vector.shape_cast %swap3A_554 : vector<1x16xi32> to vector<16xi32>
          %swap3A_556 = vector.shape_cast %shift_right_logical3A_550 : vector<16xi32> to vector<1x16xi32>
          tpu.vector_store %arg9[%swap3A_552, %swap3A_553], %swap3A_556 {strides = array<i32>} : memref<2x128xi32, #tpu.memory_space<vmem>>, vector<1x16xi32>,
          %add3A_557 = arith.constant 64 : i32
          %add3A_558 = arith.addi %mul3A_468, %add3A_557 : i32
          %get3A_559 = arith.index_cast %add3A_558 : i32 to index
          %get3A_560 = tpu.vector_load %arg5[%get3A_559] {strides = array<i32>} : memref<8192xi32, #tpu.memory_space<vmem>>, vector<16xi32>,
          %get3A_561 = vector.shape_cast %get3A_560 : vector<16xi32> to vector<16xi32>
          %and3A_562 = vector.broadcast %cond3A_37 : i32 to vector<16xi32>
          %and3A_563 = arith.andi %get3A_561, %and3A_562 : vector<16xi32>
          %swap3A_564 = arith.constant 0 : i32
          %swap3A_565 = arith.index_cast %swap3A_564 : i32 to index
          %swap3A_566 = arith.constant 64 : index
          %swap3A_567 = tpu.vector_load %arg9[%swap3A_565, %swap3A_566] {strides = array<i32>} : memref<2x128xi32, #tpu.memory_space<vmem>>, vector<1x16xi32>,
          %swap3A_568 = vector.shape_cast %swap3A_567 : vector<1x16xi32> to vector<16xi32>
          %swap3A_569 = vector.shape_cast %and3A_563 : vector<16xi32> to vector<1x16xi32>
          tpu.vector_store %arg9[%swap3A_565, %swap3A_566], %swap3A_569 {strides = array<i32>} : memref<2x128xi32, #tpu.memory_space<vmem>>, vector<1x16xi32>,
          %shift_right_logical3A_570 = arith.constant 17 : i32
          %shift_right_logical3A_571 = vector.broadcast %shift_right_logical3A_570 : i32 to vector<16xi32>
          %shift_right_logical3A_572 = arith.shrui %get3A_561, %shift_right_logical3A_571 : vector<16xi32>
          %swap3A_573 = arith.constant 1 : i32
          %swap3A_574 = arith.index_cast %swap3A_573 : i32 to index
          %swap3A_575 = arith.constant 64 : index
          %swap3A_576 = tpu.vector_load %arg9[%swap3A_574, %swap3A_575] {strides = array<i32>} : memref<2x128xi32, #tpu.memory_space<vmem>>, vector<1x16xi32>,
          %swap3A_577 = vector.shape_cast %swap3A_576 : vector<1x16xi32> to vector<16xi32>
          %swap3A_578 = vector.shape_cast %shift_right_logical3A_572 : vector<16xi32> to vector<1x16xi32>
          tpu.vector_store %arg9[%swap3A_574, %swap3A_575], %swap3A_578 {strides = array<i32>} : memref<2x128xi32, #tpu.memory_space<vmem>>, vector<1x16xi32>,
          %add3A_579 = arith.constant 80 : i32
          %add3A_580 = arith.addi %mul3A_468, %add3A_579 : i32
          %get3A_581 = arith.index_cast %add3A_580 : i32 to index
          %get3A_582 = tpu.vector_load %arg5[%get3A_581] {strides = array<i32>} : memref<8192xi32, #tpu.memory_space<vmem>>, vector<16xi32>,
          %get3A_583 = vector.shape_cast %get3A_582 : vector<16xi32> to vector<16xi32>
          %and3A_584 = vector.broadcast %cond3A_37 : i32 to vector<16xi32>
          %and3A_585 = arith.andi %get3A_583, %and3A_584 : vector<16xi32>
          %swap3A_586 = arith.constant 0 : i32
          %swap3A_587 = arith.index_cast %swap3A_586 : i32 to index
          %swap3A_588 = arith.constant 80 : index
          %swap3A_589 = tpu.vector_load %arg9[%swap3A_587, %swap3A_588] {strides = array<i32>} : memref<2x128xi32, #tpu.memory_space<vmem>>, vector<1x16xi32>,
          %swap3A_590 = vector.shape_cast %swap3A_589 : vector<1x16xi32> to vector<16xi32>
          %swap3A_591 = vector.shape_cast %and3A_585 : vector<16xi32> to vector<1x16xi32>
          tpu.vector_store %arg9[%swap3A_587, %swap3A_588], %swap3A_591 {strides = array<i32>} : memref<2x128xi32, #tpu.memory_space<vmem>>, vector<1x16xi32>,
          %shift_right_logical3A_592 = arith.constant 17 : i32
          %shift_right_logical3A_593 = vector.broadcast %shift_right_logical3A_592 : i32 to vector<16xi32>
          %shift_right_logical3A_594 = arith.shrui %get3A_583, %shift_right_logical3A_593 : vector<16xi32>
          %swap3A_595 = arith.constant 1 : i32
          %swap3A_596 = arith.index_cast %swap3A_595 : i32 to index
          %swap3A_597 = arith.constant 80 : index
          %swap3A_598 = tpu.vector_load %arg9[%swap3A_596, %swap3A_597] {strides = array<i32>} : memref<2x128xi32, #tpu.memory_space<vmem>>, vector<1x16xi32>,
          %swap3A_599 = vector.shape_cast %swap3A_598 : vector<1x16xi32> to vector<16xi32>
          %swap3A_600 = vector.shape_cast %shift_right_logical3A_594 : vector<16xi32> to vector<1x16xi32>
          tpu.vector_store %arg9[%swap3A_596, %swap3A_597], %swap3A_600 {strides = array<i32>} : memref<2x128xi32, #tpu.memory_space<vmem>>, vector<1x16xi32>,
          %add3A_601 = arith.constant 96 : i32
          %add3A_602 = arith.addi %mul3A_468, %add3A_601 : i32
          %get3A_603 = arith.index_cast %add3A_602 : i32 to index
          %get3A_604 = tpu.vector_load %arg5[%get3A_603] {strides = array<i32>} : memref<8192xi32, #tpu.memory_space<vmem>>, vector<16xi32>,
          %get3A_605 = vector.shape_cast %get3A_604 : vector<16xi32> to vector<16xi32>
          %and3A_606 = vector.broadcast %cond3A_37 : i32 to vector<16xi32>
          %and3A_607 = arith.andi %get3A_605, %and3A_606 : vector<16xi32>
          %swap3A_608 = arith.constant 0 : i32
          %swap3A_609 = arith.index_cast %swap3A_608 : i32 to index
          %swap3A_610 = arith.constant 96 : index
          %swap3A_611 = tpu.vector_load %arg9[%swap3A_609, %swap3A_610] {strides = array<i32>} : memref<2x128xi32, #tpu.memory_space<vmem>>, vector<1x16xi32>,
          %swap3A_612 = vector.shape_cast %swap3A_611 : vector<1x16xi32> to vector<16xi32>
          %swap3A_613 = vector.shape_cast %and3A_607 : vector<16xi32> to vector<1x16xi32>
          tpu.vector_store %arg9[%swap3A_609, %swap3A_610], %swap3A_613 {strides = array<i32>} : memref<2x128xi32, #tpu.memory_space<vmem>>, vector<1x16xi32>,
          %shift_right_logical3A_614 = arith.constant 17 : i32
          %shift_right_logical3A_615 = vector.broadcast %shift_right_logical3A_614 : i32 to vector<16xi32>
          %shift_right_logical3A_616 = arith.shrui %get3A_605, %shift_right_logical3A_615 : vector<16xi32>
          %swap3A_617 = arith.constant 1 : i32
          %swap3A_618 = arith.index_cast %swap3A_617 : i32 to index
          %swap3A_619 = arith.constant 96 : index
          %swap3A_620 = tpu.vector_load %arg9[%swap3A_618, %swap3A_619] {strides = array<i32>} : memref<2x128xi32, #tpu.memory_space<vmem>>, vector<1x16xi32>,
          %swap3A_621 = vector.shape_cast %swap3A_620 : vector<1x16xi32> to vector<16xi32>
          %swap3A_622 = vector.shape_cast %shift_right_logical3A_616 : vector<16xi32> to vector<1x16xi32>
          tpu.vector_store %arg9[%swap3A_618, %swap3A_619], %swap3A_622 {strides = array<i32>} : memref<2x128xi32, #tpu.memory_space<vmem>>, vector<1x16xi32>,
          %add3A_623 = arith.constant 112 : i32
          %add3A_624 = arith.addi %mul3A_468, %add3A_623 : i32
          %get3A_625 = arith.index_cast %add3A_624 : i32 to index
          %get3A_626 = tpu.vector_load %arg5[%get3A_625] {strides = array<i32>} : memref<8192xi32, #tpu.memory_space<vmem>>, vector<16xi32>,
          %get3A_627 = vector.shape_cast %get3A_626 : vector<16xi32> to vector<16xi32>
          %and3A_628 = vector.broadcast %cond3A_37 : i32 to vector<16xi32>
          %and3A_629 = arith.andi %get3A_627, %and3A_628 : vector<16xi32>
          %swap3A_630 = arith.constant 0 : i32
          %swap3A_631 = arith.index_cast %swap3A_630 : i32 to index
          %swap3A_632 = arith.constant 112 : index
          %swap3A_633 = tpu.vector_load %arg9[%swap3A_631, %swap3A_632] {strides = array<i32>} : memref<2x128xi32, #tpu.memory_space<vmem>>, vector<1x16xi32>,
          %swap3A_634 = vector.shape_cast %swap3A_633 : vector<1x16xi32> to vector<16xi32>
          %swap3A_635 = vector.shape_cast %and3A_629 : vector<16xi32> to vector<1x16xi32>
          tpu.vector_store %arg9[%swap3A_631, %swap3A_632], %swap3A_635 {strides = array<i32>} : memref<2x128xi32, #tpu.memory_space<vmem>>, vector<1x16xi32>,
          %shift_right_logical3A_636 = arith.constant 17 : i32
          %shift_right_logical3A_637 = vector.broadcast %shift_right_logical3A_636 : i32 to vector<16xi32>
          %shift_right_logical3A_638 = arith.shrui %get3A_627, %shift_right_logical3A_637 : vector<16xi32>
          %swap3A_639 = arith.constant 1 : i32
          %swap3A_640 = arith.index_cast %swap3A_639 : i32 to index
          %swap3A_641 = arith.constant 112 : index
          %swap3A_642 = tpu.vector_load %arg9[%swap3A_640, %swap3A_641] {strides = array<i32>} : memref<2x128xi32, #tpu.memory_space<vmem>>, vector<1x16xi32>,
          %swap3A_643 = vector.shape_cast %swap3A_642 : vector<1x16xi32> to vector<16xi32>
          %swap3A_644 = vector.shape_cast %shift_right_logical3A_638 : vector<16xi32> to vector<1x16xi32>
          tpu.vector_store %arg9[%swap3A_640, %swap3A_641], %swap3A_644 {strides = array<i32>} : memref<2x128xi32, #tpu.memory_space<vmem>>, vector<1x16xi32>,
          %dma_start3A_645 = arith.constant 0 : i32
          %dma_start3A_646 = arith.constant 0 : i32
          %dma_start3A_647 = tpu.memref_slice %arg9[%dma_start3A_645, %dma_start3A_646] : memref<2x128xi32, #tpu.memory_space<vmem>> -> memref<1x128xi32, #tpu.memory_space<vmem>>
          %dma_start3A_648 = tpu.memref_squeeze %dma_start3A_647 : memref<1x128xi32, #tpu.memory_space<vmem>> -> memref<128xi32, #tpu.memory_space<vmem>>
          %dma_start3A_649 = arith.constant 0 : i32
          %dma_start3A_650 = arith.constant 0 : i32
          %dma_start3A_651 = tpu.memref_slice %arg2[%dma_start3A_649, %dma_start3A_650] : memref<80000x128xf32, #tpu.memory_space<hbm>> -> memref<80000x128xf32, #tpu.memory_space<hbm>>
          tpu.enqueue_indirect_dma source(%dma_start3A_651 : memref<80000x128xf32, #tpu.memory_space<hbm>>) target(%arg7 : memref<128x128xf32, #tpu.memory_space<vmem>>) offsets(%dma_start3A_648 : memref<128xi32, #tpu.memory_space<vmem>>) semaphore(%arg11 : memref<!tpu.dma_semaphore, #tpu.memory_space<semaphore_mem>>)
        } else {
        }
        %mul3A_446 = arith.constant 2 : i32
        %mul3A_447 = arith.muli %scan3A_421, %mul3A_446 : i32
        %add3A_448 = arith.constant 1 : i32
        %add3A_449 = arith.addi %mul3A_447, %add3A_448 : i32
        %dma_wait3A_450 = arith.constant 0 : i32
        %dma_wait3A_451 = arith.constant 0 : i32
        %dma_wait3A_452 = tpu.memref_slice %arg10[%dma_wait3A_450, %dma_wait3A_451] : memref<2x128xi32, #tpu.memory_space<vmem>> -> memref<1x128xi32, #tpu.memory_space<vmem>>
        %dma_wait3A_453 = tpu.memref_squeeze %dma_wait3A_452 : memref<1x128xi32, #tpu.memory_space<vmem>> -> memref<128xi32, #tpu.memory_space<vmem>>
        %dma_wait3A_454 = arith.constant 0 : i32
        %dma_wait3A_455 = arith.constant 0 : i32
        %dma_wait3A_456 = tpu.memref_slice %arg2[%dma_wait3A_454, %dma_wait3A_455] : memref<80000x128xf32, #tpu.memory_space<hbm>> -> memref<80000x128xf32, #tpu.memory_space<hbm>>
        tpu.wait_indirect_dma semaphore(%arg12 : memref<!tpu.dma_semaphore, #tpu.memory_space<semaphore_mem>>) src(%dma_wait3A_456 : memref<80000x128xf32, #tpu.memory_space<hbm>>) dst(%arg8 : memref<128x128xf32, #tpu.memory_space<vmem>>)
        %run_scoped3A_457 = arith.constant 1 : i32
        "tpu.region"() ({
          %run_scoped3A_463 = tpu.sem_alloc : memref<!tpu.dma_semaphore, #tpu.memory_space<semaphore_mem>>
          %dma_start3A_464 = arith.constant 0 : i32
          %dma_start3A_465 = tpu.memref_slice %arg10[%run_scoped3A_457, %dma_start3A_464] : memref<2x128xi32, #tpu.memory_space<vmem>> -> memref<1x128xi32, #tpu.memory_space<vmem>>
          %dma_start3A_466 = tpu.memref_squeeze %dma_start3A_465 : memref<1x128xi32, #tpu.memory_space<vmem>> -> memref<128xi32, #tpu.memory_space<vmem>>
          %dma_start3A_467 = arith.constant 0 : i32
          %dma_start3A_468 = arith.constant 0 : i32
          %dma_start3A_469 = tpu.memref_slice %arg6[%dma_start3A_467, %dma_start3A_468] : memref<10112x128xf32, #tpu.memory_space<vmem_shared>> -> memref<10112x128xf32, #tpu.memory_space<vmem_shared>>
          tpu.enqueue_indirect_dma source(%arg8 : memref<128x128xf32, #tpu.memory_space<vmem>>) target(%dma_start3A_469 : memref<10112x128xf32, #tpu.memory_space<vmem_shared>>) offsets(%dma_start3A_466 : memref<128xi32, #tpu.memory_space<vmem>>) semaphore(%run_scoped3A_463 : memref<!tpu.dma_semaphore, #tpu.memory_space<semaphore_mem>>) {add = true}
          %dma_wait3A_470 = arith.constant 0 : i32
          %dma_wait3A_471 = tpu.memref_slice %arg10[%run_scoped3A_457, %dma_wait3A_470] : memref<2x128xi32, #tpu.memory_space<vmem>> -> memref<1x128xi32, #tpu.memory_space<vmem>>
          %dma_wait3A_472 = tpu.memref_squeeze %dma_wait3A_471 : memref<1x128xi32, #tpu.memory_space<vmem>> -> memref<128xi32, #tpu.memory_space<vmem>>
          %dma_wait3A_473 = arith.constant 0 : i32
          %dma_wait3A_474 = arith.constant 0 : i32
          %dma_wait3A_475 = tpu.memref_slice %arg6[%dma_wait3A_473, %dma_wait3A_474] : memref<10112x128xf32, #tpu.memory_space<vmem_shared>> -> memref<10112x128xf32, #tpu.memory_space<vmem_shared>>
          tpu.wait_indirect_dma semaphore(%run_scoped3A_463 : memref<!tpu.dma_semaphore, #tpu.memory_space<semaphore_mem>>) src(%arg8 : memref<128x128xf32, #tpu.memory_space<vmem>>) dst(%dma_wait3A_475 : memref<10112x128xf32, #tpu.memory_space<vmem_shared>>)
          tpu.yield
        }) : () -> ()
        %lt3A_458 = arith.constant 14 : i32
        %lt3A_459 = arith.cmpi slt, %scan3A_421, %lt3A_458 : i32
        %convert_element_type3A_460 = arith.extui %lt3A_459 : i1 to i32
        %cond3A_461 = arith.constant 0 : i32
        %cond3A_462 = arith.cmpi ne, %convert_element_type3A_460, %cond3A_461 : i32
        scf.if %cond3A_462 {
          %add3A_463 = arith.constant 2 : i32
          %add3A_464 = arith.addi %add3A_449, %add3A_463 : i32
          %rem3A_465 = arith.constant 64 : i32
          %rem3A_466 = arith.remsi %add3A_464, %rem3A_465 : i32
          %mul3A_467 = arith.constant 128 : i32
          %mul3A_468 = arith.muli %rem3A_466, %mul3A_467 : i32
          %add3A_469 = arith.constant 0 : i32
          %add3A_470 = arith.addi %mul3A_468, %add3A_469 : i32
          %get3A_471 = arith.index_cast %add3A_470 : i32 to index
          %get3A_472 = tpu.vector_load %arg5[%get3A_471] {strides = array<i32>} : memref<8192xi32, #tpu.memory_space<vmem>>, vector<16xi32>,
          %get3A_473 = vector.shape_cast %get3A_472 : vector<16xi32> to vector<16xi32>
          %and3A_474 = vector.broadcast %cond3A_37 : i32 to vector<16xi32>
          %and3A_475 = arith.andi %get3A_473, %and3A_474 : vector<16xi32>
          %swap3A_476 = arith.constant 0 : i32
          %swap3A_477 = arith.index_cast %swap3A_476 : i32 to index
          %swap3A_478 = arith.constant 0 : index
          %swap3A_479 = tpu.vector_load %arg10[%swap3A_477, %swap3A_478] {strides = array<i32>} : memref<2x128xi32, #tpu.memory_space<vmem>>, vector<1x16xi32>,
          %swap3A_480 = vector.shape_cast %swap3A_479 : vector<1x16xi32> to vector<16xi32>
          %swap3A_481 = vector.shape_cast %and3A_475 : vector<16xi32> to vector<1x16xi32>
          tpu.vector_store %arg10[%swap3A_477, %swap3A_478], %swap3A_481 {strides = array<i32>} : memref<2x128xi32, #tpu.memory_space<vmem>>, vector<1x16xi32>,
          %shift_right_logical3A_482 = arith.constant 17 : i32
          %shift_right_logical3A_483 = vector.broadcast %shift_right_logical3A_482 : i32 to vector<16xi32>
          %shift_right_logical3A_484 = arith.shrui %get3A_473, %shift_right_logical3A_483 : vector<16xi32>
          %swap3A_485 = arith.constant 1 : i32
          %swap3A_486 = arith.index_cast %swap3A_485 : i32 to index
          %swap3A_487 = arith.constant 0 : index
          %swap3A_488 = tpu.vector_load %arg10[%swap3A_486, %swap3A_487] {strides = array<i32>} : memref<2x128xi32, #tpu.memory_space<vmem>>, vector<1x16xi32>,
          %swap3A_489 = vector.shape_cast %swap3A_488 : vector<1x16xi32> to vector<16xi32>
          %swap3A_490 = vector.shape_cast %shift_right_logical3A_484 : vector<16xi32> to vector<1x16xi32>
          tpu.vector_store %arg10[%swap3A_486, %swap3A_487], %swap3A_490 {strides = array<i32>} : memref<2x128xi32, #tpu.memory_space<vmem>>, vector<1x16xi32>,
          %add3A_491 = arith.constant 16 : i32
          %add3A_492 = arith.addi %mul3A_468, %add3A_491 : i32
          %get3A_493 = arith.index_cast %add3A_492 : i32 to index
          %get3A_494 = tpu.vector_load %arg5[%get3A_493] {strides = array<i32>} : memref<8192xi32, #tpu.memory_space<vmem>>, vector<16xi32>,
          %get3A_495 = vector.shape_cast %get3A_494 : vector<16xi32> to vector<16xi32>
          %and3A_496 = vector.broadcast %cond3A_37 : i32 to vector<16xi32>
          %and3A_497 = arith.andi %get3A_495, %and3A_496 : vector<16xi32>
          %swap3A_498 = arith.constant 0 : i32
          %swap3A_499 = arith.index_cast %swap3A_498 : i32 to index
          %swap3A_500 = arith.constant 16 : index
          %swap3A_501 = tpu.vector_load %arg10[%swap3A_499, %swap3A_500] {strides = array<i32>} : memref<2x128xi32, #tpu.memory_space<vmem>>, vector<1x16xi32>,
          %swap3A_502 = vector.shape_cast %swap3A_501 : vector<1x16xi32> to vector<16xi32>
          %swap3A_503 = vector.shape_cast %and3A_497 : vector<16xi32> to vector<1x16xi32>
          tpu.vector_store %arg10[%swap3A_499, %swap3A_500], %swap3A_503 {strides = array<i32>} : memref<2x128xi32, #tpu.memory_space<vmem>>, vector<1x16xi32>,
          %shift_right_logical3A_504 = arith.constant 17 : i32
          %shift_right_logical3A_505 = vector.broadcast %shift_right_logical3A_504 : i32 to vector<16xi32>
          %shift_right_logical3A_506 = arith.shrui %get3A_495, %shift_right_logical3A_505 : vector<16xi32>
          %swap3A_507 = arith.constant 1 : i32
          %swap3A_508 = arith.index_cast %swap3A_507 : i32 to index
          %swap3A_509 = arith.constant 16 : index
          %swap3A_510 = tpu.vector_load %arg10[%swap3A_508, %swap3A_509] {strides = array<i32>} : memref<2x128xi32, #tpu.memory_space<vmem>>, vector<1x16xi32>,
          %swap3A_511 = vector.shape_cast %swap3A_510 : vector<1x16xi32> to vector<16xi32>
          %swap3A_512 = vector.shape_cast %shift_right_logical3A_506 : vector<16xi32> to vector<1x16xi32>
          tpu.vector_store %arg10[%swap3A_508, %swap3A_509], %swap3A_512 {strides = array<i32>} : memref<2x128xi32, #tpu.memory_space<vmem>>, vector<1x16xi32>,
          %add3A_513 = arith.constant 32 : i32
          %add3A_514 = arith.addi %mul3A_468, %add3A_513 : i32
          %get3A_515 = arith.index_cast %add3A_514 : i32 to index
          %get3A_516 = tpu.vector_load %arg5[%get3A_515] {strides = array<i32>} : memref<8192xi32, #tpu.memory_space<vmem>>, vector<16xi32>,
          %get3A_517 = vector.shape_cast %get3A_516 : vector<16xi32> to vector<16xi32>
          %and3A_518 = vector.broadcast %cond3A_37 : i32 to vector<16xi32>
          %and3A_519 = arith.andi %get3A_517, %and3A_518 : vector<16xi32>
          %swap3A_520 = arith.constant 0 : i32
          %swap3A_521 = arith.index_cast %swap3A_520 : i32 to index
          %swap3A_522 = arith.constant 32 : index
          %swap3A_523 = tpu.vector_load %arg10[%swap3A_521, %swap3A_522] {strides = array<i32>} : memref<2x128xi32, #tpu.memory_space<vmem>>, vector<1x16xi32>,
          %swap3A_524 = vector.shape_cast %swap3A_523 : vector<1x16xi32> to vector<16xi32>
          %swap3A_525 = vector.shape_cast %and3A_519 : vector<16xi32> to vector<1x16xi32>
          tpu.vector_store %arg10[%swap3A_521, %swap3A_522], %swap3A_525 {strides = array<i32>} : memref<2x128xi32, #tpu.memory_space<vmem>>, vector<1x16xi32>,
          %shift_right_logical3A_526 = arith.constant 17 : i32
          %shift_right_logical3A_527 = vector.broadcast %shift_right_logical3A_526 : i32 to vector<16xi32>
          %shift_right_logical3A_528 = arith.shrui %get3A_517, %shift_right_logical3A_527 : vector<16xi32>
          %swap3A_529 = arith.constant 1 : i32
          %swap3A_530 = arith.index_cast %swap3A_529 : i32 to index
          %swap3A_531 = arith.constant 32 : index
          %swap3A_532 = tpu.vector_load %arg10[%swap3A_530, %swap3A_531] {strides = array<i32>} : memref<2x128xi32, #tpu.memory_space<vmem>>, vector<1x16xi32>,
          %swap3A_533 = vector.shape_cast %swap3A_532 : vector<1x16xi32> to vector<16xi32>
          %swap3A_534 = vector.shape_cast %shift_right_logical3A_528 : vector<16xi32> to vector<1x16xi32>
          tpu.vector_store %arg10[%swap3A_530, %swap3A_531], %swap3A_534 {strides = array<i32>} : memref<2x128xi32, #tpu.memory_space<vmem>>, vector<1x16xi32>,
          %add3A_535 = arith.constant 48 : i32
          %add3A_536 = arith.addi %mul3A_468, %add3A_535 : i32
          %get3A_537 = arith.index_cast %add3A_536 : i32 to index
          %get3A_538 = tpu.vector_load %arg5[%get3A_537] {strides = array<i32>} : memref<8192xi32, #tpu.memory_space<vmem>>, vector<16xi32>,
          %get3A_539 = vector.shape_cast %get3A_538 : vector<16xi32> to vector<16xi32>
          %and3A_540 = vector.broadcast %cond3A_37 : i32 to vector<16xi32>
          %and3A_541 = arith.andi %get3A_539, %and3A_540 : vector<16xi32>
          %swap3A_542 = arith.constant 0 : i32
          %swap3A_543 = arith.index_cast %swap3A_542 : i32 to index
          %swap3A_544 = arith.constant 48 : index
          %swap3A_545 = tpu.vector_load %arg10[%swap3A_543, %swap3A_544] {strides = array<i32>} : memref<2x128xi32, #tpu.memory_space<vmem>>, vector<1x16xi32>,
          %swap3A_546 = vector.shape_cast %swap3A_545 : vector<1x16xi32> to vector<16xi32>
          %swap3A_547 = vector.shape_cast %and3A_541 : vector<16xi32> to vector<1x16xi32>
          tpu.vector_store %arg10[%swap3A_543, %swap3A_544], %swap3A_547 {strides = array<i32>} : memref<2x128xi32, #tpu.memory_space<vmem>>, vector<1x16xi32>,
          %shift_right_logical3A_548 = arith.constant 17 : i32
          %shift_right_logical3A_549 = vector.broadcast %shift_right_logical3A_548 : i32 to vector<16xi32>
          %shift_right_logical3A_550 = arith.shrui %get3A_539, %shift_right_logical3A_549 : vector<16xi32>
          %swap3A_551 = arith.constant 1 : i32
          %swap3A_552 = arith.index_cast %swap3A_551 : i32 to index
          %swap3A_553 = arith.constant 48 : index
          %swap3A_554 = tpu.vector_load %arg10[%swap3A_552, %swap3A_553] {strides = array<i32>} : memref<2x128xi32, #tpu.memory_space<vmem>>, vector<1x16xi32>,
          %swap3A_555 = vector.shape_cast %swap3A_554 : vector<1x16xi32> to vector<16xi32>
          %swap3A_556 = vector.shape_cast %shift_right_logical3A_550 : vector<16xi32> to vector<1x16xi32>
          tpu.vector_store %arg10[%swap3A_552, %swap3A_553], %swap3A_556 {strides = array<i32>} : memref<2x128xi32, #tpu.memory_space<vmem>>, vector<1x16xi32>,
          %add3A_557 = arith.constant 64 : i32
          %add3A_558 = arith.addi %mul3A_468, %add3A_557 : i32
          %get3A_559 = arith.index_cast %add3A_558 : i32 to index
          %get3A_560 = tpu.vector_load %arg5[%get3A_559] {strides = array<i32>} : memref<8192xi32, #tpu.memory_space<vmem>>, vector<16xi32>,
          %get3A_561 = vector.shape_cast %get3A_560 : vector<16xi32> to vector<16xi32>
          %and3A_562 = vector.broadcast %cond3A_37 : i32 to vector<16xi32>
          %and3A_563 = arith.andi %get3A_561, %and3A_562 : vector<16xi32>
          %swap3A_564 = arith.constant 0 : i32
          %swap3A_565 = arith.index_cast %swap3A_564 : i32 to index
          %swap3A_566 = arith.constant 64 : index
          %swap3A_567 = tpu.vector_load %arg10[%swap3A_565, %swap3A_566] {strides = array<i32>} : memref<2x128xi32, #tpu.memory_space<vmem>>, vector<1x16xi32>,
          %swap3A_568 = vector.shape_cast %swap3A_567 : vector<1x16xi32> to vector<16xi32>
          %swap3A_569 = vector.shape_cast %and3A_563 : vector<16xi32> to vector<1x16xi32>
          tpu.vector_store %arg10[%swap3A_565, %swap3A_566], %swap3A_569 {strides = array<i32>} : memref<2x128xi32, #tpu.memory_space<vmem>>, vector<1x16xi32>,
          %shift_right_logical3A_570 = arith.constant 17 : i32
          %shift_right_logical3A_571 = vector.broadcast %shift_right_logical3A_570 : i32 to vector<16xi32>
          %shift_right_logical3A_572 = arith.shrui %get3A_561, %shift_right_logical3A_571 : vector<16xi32>
          %swap3A_573 = arith.constant 1 : i32
          %swap3A_574 = arith.index_cast %swap3A_573 : i32 to index
          %swap3A_575 = arith.constant 64 : index
          %swap3A_576 = tpu.vector_load %arg10[%swap3A_574, %swap3A_575] {strides = array<i32>} : memref<2x128xi32, #tpu.memory_space<vmem>>, vector<1x16xi32>,
          %swap3A_577 = vector.shape_cast %swap3A_576 : vector<1x16xi32> to vector<16xi32>
          %swap3A_578 = vector.shape_cast %shift_right_logical3A_572 : vector<16xi32> to vector<1x16xi32>
          tpu.vector_store %arg10[%swap3A_574, %swap3A_575], %swap3A_578 {strides = array<i32>} : memref<2x128xi32, #tpu.memory_space<vmem>>, vector<1x16xi32>,
          %add3A_579 = arith.constant 80 : i32
          %add3A_580 = arith.addi %mul3A_468, %add3A_579 : i32
          %get3A_581 = arith.index_cast %add3A_580 : i32 to index
          %get3A_582 = tpu.vector_load %arg5[%get3A_581] {strides = array<i32>} : memref<8192xi32, #tpu.memory_space<vmem>>, vector<16xi32>,
          %get3A_583 = vector.shape_cast %get3A_582 : vector<16xi32> to vector<16xi32>
          %and3A_584 = vector.broadcast %cond3A_37 : i32 to vector<16xi32>
          %and3A_585 = arith.andi %get3A_583, %and3A_584 : vector<16xi32>
          %swap3A_586 = arith.constant 0 : i32
          %swap3A_587 = arith.index_cast %swap3A_586 : i32 to index
          %swap3A_588 = arith.constant 80 : index
          %swap3A_589 = tpu.vector_load %arg10[%swap3A_587, %swap3A_588] {strides = array<i32>} : memref<2x128xi32, #tpu.memory_space<vmem>>, vector<1x16xi32>,
          %swap3A_590 = vector.shape_cast %swap3A_589 : vector<1x16xi32> to vector<16xi32>
          %swap3A_591 = vector.shape_cast %and3A_585 : vector<16xi32> to vector<1x16xi32>
          tpu.vector_store %arg10[%swap3A_587, %swap3A_588], %swap3A_591 {strides = array<i32>} : memref<2x128xi32, #tpu.memory_space<vmem>>, vector<1x16xi32>,
          %shift_right_logical3A_592 = arith.constant 17 : i32
          %shift_right_logical3A_593 = vector.broadcast %shift_right_logical3A_592 : i32 to vector<16xi32>
          %shift_right_logical3A_594 = arith.shrui %get3A_583, %shift_right_logical3A_593 : vector<16xi32>
          %swap3A_595 = arith.constant 1 : i32
          %swap3A_596 = arith.index_cast %swap3A_595 : i32 to index
          %swap3A_597 = arith.constant 80 : index
          %swap3A_598 = tpu.vector_load %arg10[%swap3A_596, %swap3A_597] {strides = array<i32>} : memref<2x128xi32, #tpu.memory_space<vmem>>, vector<1x16xi32>,
          %swap3A_599 = vector.shape_cast %swap3A_598 : vector<1x16xi32> to vector<16xi32>
          %swap3A_600 = vector.shape_cast %shift_right_logical3A_594 : vector<16xi32> to vector<1x16xi32>
          tpu.vector_store %arg10[%swap3A_596, %swap3A_597], %swap3A_600 {strides = array<i32>} : memref<2x128xi32, #tpu.memory_space<vmem>>, vector<1x16xi32>,
          %add3A_601 = arith.constant 96 : i32
          %add3A_602 = arith.addi %mul3A_468, %add3A_601 : i32
          %get3A_603 = arith.index_cast %add3A_602 : i32 to index
          %get3A_604 = tpu.vector_load %arg5[%get3A_603] {strides = array<i32>} : memref<8192xi32, #tpu.memory_space<vmem>>, vector<16xi32>,
          %get3A_605 = vector.shape_cast %get3A_604 : vector<16xi32> to vector<16xi32>
          %and3A_606 = vector.broadcast %cond3A_37 : i32 to vector<16xi32>
          %and3A_607 = arith.andi %get3A_605, %and3A_606 : vector<16xi32>
          %swap3A_608 = arith.constant 0 : i32
          %swap3A_609 = arith.index_cast %swap3A_608 : i32 to index
          %swap3A_610 = arith.constant 96 : index
          %swap3A_611 = tpu.vector_load %arg10[%swap3A_609, %swap3A_610] {strides = array<i32>} : memref<2x128xi32, #tpu.memory_space<vmem>>, vector<1x16xi32>,
          %swap3A_612 = vector.shape_cast %swap3A_611 : vector<1x16xi32> to vector<16xi32>
          %swap3A_613 = vector.shape_cast %and3A_607 : vector<16xi32> to vector<1x16xi32>
          tpu.vector_store %arg10[%swap3A_609, %swap3A_610], %swap3A_613 {strides = array<i32>} : memref<2x128xi32, #tpu.memory_space<vmem>>, vector<1x16xi32>,
          %shift_right_logical3A_614 = arith.constant 17 : i32
          %shift_right_logical3A_615 = vector.broadcast %shift_right_logical3A_614 : i32 to vector<16xi32>
          %shift_right_logical3A_616 = arith.shrui %get3A_605, %shift_right_logical3A_615 : vector<16xi32>
          %swap3A_617 = arith.constant 1 : i32
          %swap3A_618 = arith.index_cast %swap3A_617 : i32 to index
          %swap3A_619 = arith.constant 96 : index
          %swap3A_620 = tpu.vector_load %arg10[%swap3A_618, %swap3A_619] {strides = array<i32>} : memref<2x128xi32, #tpu.memory_space<vmem>>, vector<1x16xi32>,
          %swap3A_621 = vector.shape_cast %swap3A_620 : vector<1x16xi32> to vector<16xi32>
          %swap3A_622 = vector.shape_cast %shift_right_logical3A_616 : vector<16xi32> to vector<1x16xi32>
          tpu.vector_store %arg10[%swap3A_618, %swap3A_619], %swap3A_622 {strides = array<i32>} : memref<2x128xi32, #tpu.memory_space<vmem>>, vector<1x16xi32>,
          %add3A_623 = arith.constant 112 : i32
          %add3A_624 = arith.addi %mul3A_468, %add3A_623 : i32
          %get3A_625 = arith.index_cast %add3A_624 : i32 to index
          %get3A_626 = tpu.vector_load %arg5[%get3A_625] {strides = array<i32>} : memref<8192xi32, #tpu.memory_space<vmem>>, vector<16xi32>,
          %get3A_627 = vector.shape_cast %get3A_626 : vector<16xi32> to vector<16xi32>
          %and3A_628 = vector.broadcast %cond3A_37 : i32 to vector<16xi32>
          %and3A_629 = arith.andi %get3A_627, %and3A_628 : vector<16xi32>
          %swap3A_630 = arith.constant 0 : i32
          %swap3A_631 = arith.index_cast %swap3A_630 : i32 to index
          %swap3A_632 = arith.constant 112 : index
          %swap3A_633 = tpu.vector_load %arg10[%swap3A_631, %swap3A_632] {strides = array<i32>} : memref<2x128xi32, #tpu.memory_space<vmem>>, vector<1x16xi32>,
          %swap3A_634 = vector.shape_cast %swap3A_633 : vector<1x16xi32> to vector<16xi32>
          %swap3A_635 = vector.shape_cast %and3A_629 : vector<16xi32> to vector<1x16xi32>
          tpu.vector_store %arg10[%swap3A_631, %swap3A_632], %swap3A_635 {strides = array<i32>} : memref<2x128xi32, #tpu.memory_space<vmem>>, vector<1x16xi32>,
          %shift_right_logical3A_636 = arith.constant 17 : i32
          %shift_right_logical3A_637 = vector.broadcast %shift_right_logical3A_636 : i32 to vector<16xi32>
          %shift_right_logical3A_638 = arith.shrui %get3A_627, %shift_right_logical3A_637 : vector<16xi32>
          %swap3A_639 = arith.constant 1 : i32
          %swap3A_640 = arith.index_cast %swap3A_639 : i32 to index
          %swap3A_641 = arith.constant 112 : index
          %swap3A_642 = tpu.vector_load %arg10[%swap3A_640, %swap3A_641] {strides = array<i32>} : memref<2x128xi32, #tpu.memory_space<vmem>>, vector<1x16xi32>,
          %swap3A_643 = vector.shape_cast %swap3A_642 : vector<1x16xi32> to vector<16xi32>
          %swap3A_644 = vector.shape_cast %shift_right_logical3A_638 : vector<16xi32> to vector<1x16xi32>
          tpu.vector_store %arg10[%swap3A_640, %swap3A_641], %swap3A_644 {strides = array<i32>} : memref<2x128xi32, #tpu.memory_space<vmem>>, vector<1x16xi32>,
          %dma_start3A_645 = arith.constant 0 : i32
          %dma_start3A_646 = arith.constant 0 : i32
          %dma_start3A_647 = tpu.memref_slice %arg10[%dma_start3A_645, %dma_start3A_646] : memref<2x128xi32, #tpu.memory_space<vmem>> -> memref<1x128xi32, #tpu.memory_space<vmem>>
          %dma_start3A_648 = tpu.memref_squeeze %dma_start3A_647 : memref<1x128xi32, #tpu.memory_space<vmem>> -> memref<128xi32, #tpu.memory_space<vmem>>
          %dma_start3A_649 = arith.constant 0 : i32
          %dma_start3A_650 = arith.constant 0 : i32
          %dma_start3A_651 = tpu.memref_slice %arg2[%dma_start3A_649, %dma_start3A_650] : memref<80000x128xf32, #tpu.memory_space<hbm>> -> memref<80000x128xf32, #tpu.memory_space<hbm>>
          tpu.enqueue_indirect_dma source(%dma_start3A_651 : memref<80000x128xf32, #tpu.memory_space<hbm>>) target(%arg8 : memref<128x128xf32, #tpu.memory_space<vmem>>) offsets(%dma_start3A_648 : memref<128xi32, #tpu.memory_space<vmem>>) semaphore(%arg12 : memref<!tpu.dma_semaphore, #tpu.memory_space<semaphore_mem>>)
        } else {
        }
      }
      %scan3A_420 = arith.constant 15 : i32
    } else {
    }
    %barrier3A = arith.constant 0 : index
    tpu.barrier barrier_id(%barrier3A)
    %mul3A_40 = arith.constant 632 : i32
    %mul3A_41 = arith.muli %arg1, %mul3A_40 : i32
    %mul3A_42 = arith.constant 632 : i32
    %mul3A_43 = arith.muli %arg1, %mul3A_42 : i32
    "tpu.region"() ({
      %run_scoped3A = tpu.sem_alloc : memref<!tpu.dma_semaphore, #tpu.memory_space<semaphore_mem>>
      %dma_start3A = arith.constant 0 : i32
      %dma_start3A_44 = tpu.memref_slice %arg4[%arg0, %mul3A_43, %dma_start3A] : memref<2x10112x128xf32, #tpu.memory_space<hbm>> -> memref<1x632x128xf32, #tpu.memory_space<hbm>>
      %dma_start3A_45 = tpu.memref_squeeze %dma_start3A_44 : memref<1x632x128xf32, #tpu.memory_space<hbm>> -> memref<632x128xf32, #tpu.memory_space<hbm>>
      %dma_start3A_46 = arith.constant 0 : i32
      %dma_start3A_47 = tpu.memref_slice %arg6[%mul3A_41, %dma_start3A_46] : memref<10112x128xf32, #tpu.memory_space<vmem_shared>> -> memref<632x128xf32, #tpu.memory_space<vmem_shared>>
      tpu.enqueue_dma source(%dma_start3A_47 : memref<632x128xf32, #tpu.memory_space<vmem_shared>>) target(%dma_start3A_45 : memref<632x128xf32, #tpu.memory_space<hbm>>) target_semaphore(%run_scoped3A : memref<!tpu.dma_semaphore, #tpu.memory_space<semaphore_mem>>)
      %dma_wait3A = arith.constant 0 : i32
      %dma_wait3A_48 = tpu.memref_slice %arg4[%arg0, %mul3A_43, %dma_wait3A] : memref<2x10112x128xf32, #tpu.memory_space<hbm>> -> memref<1x632x128xf32, #tpu.memory_space<hbm>>
      %dma_wait3A_49 = tpu.memref_squeeze %dma_wait3A_48 : memref<1x632x128xf32, #tpu.memory_space<hbm>> -> memref<632x128xf32, #tpu.memory_space<hbm>>
      %dma_wait3A_50 = arith.constant 0 : i32
      %dma_wait3A_51 = tpu.memref_slice %arg6[%mul3A_41, %dma_wait3A_50] : memref<10112x128xf32, #tpu.memory_space<vmem_shared>> -> memref<632x128xf32, #tpu.memory_space<vmem_shared>>
      tpu.wait_dma2 semaphore(%run_scoped3A : memref<!tpu.dma_semaphore, #tpu.memory_space<semaphore_mem>>) src(%dma_wait3A_51 : memref<632x128xf32, #tpu.memory_space<vmem_shared>>) dst(%dma_wait3A_49 : memref<632x128xf32, #tpu.memory_space<hbm>>)
      tpu.yield
    }) : () -> ()
    return
  }
}

module attributes {stable_mosaic.version = 14 : i64} {
  func.func @_add_body(%arg0: i32, %arg1: memref<2x1000x128xf32, #tpu.memory_space<vmem>>, %arg2: memref<1000x128xf32, #tpu.memory_space<vmem>>) attributes {dimension_semantics = [#tpu.dimension_semantics<arbitrary>], iteration_bounds = array<i64: 10>, scalar_prefetch = 0 : i64, scratch_operands = 0 : i64, tpu.core_type = #tpu.core_type<tc>, window_params = [{transform_indices = @transform_0, window_bounds = array<i64: 2, 1000, 128>}, {transform_indices = @transform_1, window_bounds = array<i64: 1000, 128>}]} {
    %get3A = arith.constant 0 : index
    %get3A_0 = arith.constant 0 : index
    %get3A_1 = arith.constant 0 : index
    %get3A_2 = vector.load %arg1[%get3A, %get3A_0, %get3A_1] : memref<2x1000x128xf32, #tpu.memory_space<vmem>>, vector<1x1000x128xf32>
    %get3A_3 = vector.shape_cast %get3A_2 : vector<1x1000x128xf32> to vector<1000x128xf32>
    %get3A_4 = arith.constant 1 : index
    %get3A_5 = arith.constant 0 : index
    %get3A_6 = arith.constant 0 : index
    %get3A_7 = vector.load %arg1[%get3A_4, %get3A_5, %get3A_6] : memref<2x1000x128xf32, #tpu.memory_space<vmem>>, vector<1x1000x128xf32>
    %get3A_8 = vector.shape_cast %get3A_7 : vector<1x1000x128xf32> to vector<1000x128xf32>
    %add3A = arith.addf %get3A_3, %get3A_8 : vector<1000x128xf32>
    %swap3A = arith.constant 0 : index
    %swap3A_9 = arith.constant 0 : index
    %swap3A_10 = vector.load %arg2[%swap3A, %swap3A_9] : memref<1000x128xf32, #tpu.memory_space<vmem>>, vector<1000x128xf32>
    tpu.vector_store %arg2[%swap3A, %swap3A_9], %add3A {strides = array<i32>} : memref<1000x128xf32, #tpu.memory_space<vmem>>, vector<1000x128xf32>,
    return
  }
  func.func @transform_0(%arg0: i32) -> (i32, i32, i32) {
    %c0_i32 = arith.constant 0 : i32
    %c0_i32_0 = arith.constant 0 : i32
    %c0_i32_1 = arith.constant 0 : i32
    return %c0_i32, %arg0, %c0_i32_0 : i32, i32, i32
  }
  func.func @transform_1(%arg0: i32) -> (i32, i32) {
    %c0_i32 = arith.constant 0 : i32
    %c0_i32_0 = arith.constant 0 : i32
    return %arg0, %c0_i32 : i32, i32
  }
}

module attributes {stable_mosaic.version = 14 : i64} {
  func.func @_pack_body(%arg0: i32, %arg1: memref<2x2500x128xi32, #tpu.memory_space<vmem>>, %arg2: memref<2500x128xi32, #tpu.memory_space<vmem>>, %arg3: memref<2500x128xi32, #tpu.memory_space<vmem>>) attributes {dimension_semantics = [#tpu.dimension_semantics<arbitrary>], iteration_bounds = array<i64: 1>, scalar_prefetch = 0 : i64, scratch_operands = 0 : i64, tpu.core_type = #tpu.core_type<tc>, window_params = [{pipeline_mode = #tpu.pipeline_mode<synchronous>, transform_indices = @transform_0, window_bounds = array<i64: 2, 2500, 128>}, {pipeline_mode = #tpu.pipeline_mode<synchronous>, transform_indices = @transform_1, window_bounds = array<i64: 2500, 128>}, {pipeline_mode = #tpu.pipeline_mode<synchronous>, transform_indices = @transform_2, window_bounds = array<i64: 2500, 128>}]} {
    %get3A = arith.constant 0 : index
    %get3A_0 = arith.constant 0 : index
    %get3A_1 = arith.constant 0 : index
    %get3A_2 = vector.load %arg1[%get3A, %get3A_0, %get3A_1] : memref<2x2500x128xi32, #tpu.memory_space<vmem>>, vector<1x2500x128xi32>
    %get3A_3 = vector.shape_cast %get3A_2 : vector<1x2500x128xi32> to vector<2500x128xi32>
    %get3A_4 = arith.constant 1 : index
    %get3A_5 = arith.constant 0 : index
    %get3A_6 = arith.constant 0 : index
    %get3A_7 = vector.load %arg1[%get3A_4, %get3A_5, %get3A_6] : memref<2x2500x128xi32, #tpu.memory_space<vmem>>, vector<1x2500x128xi32>
    %get3A_8 = vector.shape_cast %get3A_7 : vector<1x2500x128xi32> to vector<2500x128xi32>
    %shift_left3A = arith.constant 17 : i32
    %shift_left3A_9 = vector.broadcast %shift_left3A : i32 to vector<2500x128xi32>
    %shift_left3A_10 = arith.shli %get3A_8, %shift_left3A_9 : vector<2500x128xi32>
    %get3A_11 = arith.constant 0 : index
    %get3A_12 = arith.constant 0 : index
    %get3A_13 = vector.load %arg2[%get3A_11, %get3A_12] : memref<2500x128xi32, #tpu.memory_space<vmem>>, vector<2500x128xi32>
    %mul3A = arith.constant 10000 : i32
    %mul3A_14 = vector.broadcast %mul3A : i32 to vector<2500x128xi32>
    %mul3A_15 = arith.muli %get3A_13, %mul3A_14 : vector<2500x128xi32>
    %add3A = arith.addi %mul3A_15, %get3A_3 : vector<2500x128xi32>
    %or3A = arith.ori %shift_left3A_10, %add3A : vector<2500x128xi32>
    %swap3A = arith.constant 0 : index
    %swap3A_16 = arith.constant 0 : index
    %swap3A_17 = vector.load %arg3[%swap3A, %swap3A_16] : memref<2500x128xi32, #tpu.memory_space<vmem>>, vector<2500x128xi32>
    tpu.vector_store %arg3[%swap3A, %swap3A_16], %or3A {strides = array<i32>} : memref<2500x128xi32, #tpu.memory_space<vmem>>, vector<2500x128xi32>,
    return
  }
  func.func @transform_0(%arg0: i32) -> (i32, i32, i32) {
    %c0_i32 = arith.constant 0 : i32
    %c0_i32_0 = arith.constant 0 : i32
    %c0_i32_1 = arith.constant 0 : i32
    %c0_i32_2 = arith.constant 0 : i32
    return %c0_i32, %c0_i32_0, %c0_i32_1 : i32, i32, i32
  }
  func.func @transform_1(%arg0: i32) -> (i32, i32) {
    %c0_i32 = arith.constant 0 : i32
    %c0_i32_0 = arith.constant 0 : i32
    %c0_i32_1 = arith.constant 0 : i32
    return %c0_i32, %c0_i32_0 : i32, i32
  }
  func.func @transform_2(%arg0: i32) -> (i32, i32) {
    %c0_i32 = arith.constant 0 : i32
    %c0_i32_0 = arith.constant 0 : i32
    %c0_i32_1 = arith.constant 0 : i32
    return %c0_i32, %c0_i32_0 : i32, i32
  }
}

module attributes {stable_mosaic.version = 14 : i64} {
  func.func @_xw_body(%arg0: i32, %arg1: i32, %arg2: memref<8x4xf32, #tpu.memory_space<smem>>, %arg3: memref<4x128x128xf32, #tpu.memory_space<vmem>>, %arg4: memref<2000x128xf32, #tpu.memory_space<vmem>>, %arg5: memref<2000x128xf32, #tpu.memory_space<vmem>>) attributes {dimension_semantics = [#tpu.dimension_semantics<arbitrary>, #tpu.dimension_semantics<arbitrary>], iteration_bounds = array<i64: 5, 8>, scalar_prefetch = 0 : i64, scratch_operands = 0 : i64, tpu.core_type = #tpu.core_type<tc>, window_params = [{transform_indices = @transform_0, window_bounds = array<i64: 8, 4>}, {pipeline_mode = #tpu.pipeline_mode<synchronous>, transform_indices = @transform_1, window_bounds = array<i64: 4, 128, 128>}, {transform_indices = @transform_2, window_bounds = array<i64: 2000, 128>}, {transform_indices = @transform_3, window_bounds = array<i64: 2000, 128>}]} {
    %get3A = arith.constant 0 : index
    %get3A_0 = arith.constant 0 : index
    %get3A_1 = arith.constant 0 : index
    %get3A_2 = vector.load %arg3[%get3A, %get3A_0, %get3A_1] : memref<4x128x128xf32, #tpu.memory_space<vmem>>, vector<4x128x128xf32>
    %get3A_3 = arith.index_cast %arg1 : i32 to index
    %get3A_4 = arith.constant 0 : index
    %get3A_5 = memref.load %arg2[%get3A_3, %get3A_4] : memref<8x4xf32, #tpu.memory_space<smem>>
    %slice3A = vector.extract_strided_slice %get3A_2 {offsets = [0, 0, 0], sizes = [1, 128, 128], strides = [1, 1, 1]} : vector<4x128x128xf32> to vector<1x128x128xf32>
    %squeeze3A = vector.shape_cast %slice3A : vector<1x128x128xf32> to vector<128x128xf32>
    %mul3A = vector.broadcast %get3A_5 : f32 to vector<128x128xf32>
    %mul3A_6 = arith.mulf %mul3A, %squeeze3A : vector<128x128xf32>
    %get3A_7 = arith.index_cast %arg1 : i32 to index
    %get3A_8 = arith.constant 1 : index
    %get3A_9 = memref.load %arg2[%get3A_7, %get3A_8] : memref<8x4xf32, #tpu.memory_space<smem>>
    %slice3A_10 = vector.extract_strided_slice %get3A_2 {offsets = [1, 0, 0], sizes = [1, 128, 128], strides = [1, 1, 1]} : vector<4x128x128xf32> to vector<1x128x128xf32>
    %squeeze3A_11 = vector.shape_cast %slice3A_10 : vector<1x128x128xf32> to vector<128x128xf32>
    %mul3A_12 = vector.broadcast %get3A_9 : f32 to vector<128x128xf32>
    %mul3A_13 = arith.mulf %mul3A_12, %squeeze3A_11 : vector<128x128xf32>
    %add3A = arith.addf %mul3A_6, %mul3A_13 : vector<128x128xf32>
    %get3A_14 = arith.index_cast %arg1 : i32 to index
    %get3A_15 = arith.constant 2 : index
    %get3A_16 = memref.load %arg2[%get3A_14, %get3A_15] : memref<8x4xf32, #tpu.memory_space<smem>>
    %slice3A_17 = vector.extract_strided_slice %get3A_2 {offsets = [2, 0, 0], sizes = [1, 128, 128], strides = [1, 1, 1]} : vector<4x128x128xf32> to vector<1x128x128xf32>
    %squeeze3A_18 = vector.shape_cast %slice3A_17 : vector<1x128x128xf32> to vector<128x128xf32>
    %mul3A_19 = vector.broadcast %get3A_16 : f32 to vector<128x128xf32>
    %mul3A_20 = arith.mulf %mul3A_19, %squeeze3A_18 : vector<128x128xf32>
    %add3A_21 = arith.addf %add3A, %mul3A_20 : vector<128x128xf32>
    %get3A_22 = arith.index_cast %arg1 : i32 to index
    %get3A_23 = arith.constant 3 : index
    %get3A_24 = memref.load %arg2[%get3A_22, %get3A_23] : memref<8x4xf32, #tpu.memory_space<smem>>
    %slice3A_25 = vector.extract_strided_slice %get3A_2 {offsets = [3, 0, 0], sizes = [1, 128, 128], strides = [1, 1, 1]} : vector<4x128x128xf32> to vector<1x128x128xf32>
    %squeeze3A_26 = vector.shape_cast %slice3A_25 : vector<1x128x128xf32> to vector<128x128xf32>
    %mul3A_27 = vector.broadcast %get3A_24 : f32 to vector<128x128xf32>
    %mul3A_28 = arith.mulf %mul3A_27, %squeeze3A_26 : vector<128x128xf32>
    %add3A_29 = arith.addf %add3A_21, %mul3A_28 : vector<128x128xf32>
    %get3A_30 = arith.constant 0 : index
    %get3A_31 = arith.constant 0 : index
    %get3A_32 = vector.load %arg4[%get3A_30, %get3A_31] : memref<2000x128xf32, #tpu.memory_space<vmem>>, vector<2000x128xf32>
    %dot_general3A = arith.constant dense<0.000000e+00> : vector<2000x128xf32>
    %dot_general3A_33 = tpu.matmul %get3A_32, %add3A_29, %dot_general3A {dimension_numbers = #tpu.dot_dimension_numbers<[1], [0], [0], [1], [0, 0, 1, 1], [], []>, transpose_lhs_hint = false} : vector<2000x128xf32>, vector<128x128xf32>, vector<2000x128xf32> -> vector<2000x128xf32>
    %swap3A = arith.constant 0 : index
    %swap3A_34 = arith.constant 0 : index
    %swap3A_35 = vector.load %arg5[%swap3A, %swap3A_34] : memref<2000x128xf32, #tpu.memory_space<vmem>>, vector<2000x128xf32>
    tpu.vector_store %arg5[%swap3A, %swap3A_34], %dot_general3A_33 {strides = array<i32>} : memref<2000x128xf32, #tpu.memory_space<vmem>>, vector<2000x128xf32>,
    return
  }
  func.func @transform_0(%arg0: i32, %arg1: i32) -> (i32, i32) {
    %c0_i32 = arith.constant 0 : i32
    %c0_i32_0 = arith.constant 0 : i32
    %c0_i32_1 = arith.constant 0 : i32
    return %c0_i32, %c0_i32_0 : i32, i32
  }
  func.func @transform_1(%arg0: i32, %arg1: i32) -> (i32, i32, i32) {
    %c0_i32 = arith.constant 0 : i32
    %c0_i32_0 = arith.constant 0 : i32
    %c0_i32_1 = arith.constant 0 : i32
    %c0_i32_2 = arith.constant 0 : i32
    return %c0_i32, %c0_i32_0, %c0_i32_1 : i32, i32, i32
  }
  func.func @transform_2(%arg0: i32, %arg1: i32) -> (i32, i32) {
    %c0_i32 = arith.constant 0 : i32
    %c0_i32_0 = arith.constant 0 : i32
    return %arg0, %c0_i32 : i32, i32
  }
  func.func @transform_3(%arg0: i32, %arg1: i32) -> (i32, i32) {
    %mul3A = arith.constant 5 : i32
    %mul3A_0 = arith.muli %arg1, %mul3A : i32
    %add3A = arith.addi %mul3A_0, %arg0 : i32
    %c0_i32 = arith.constant 0 : i32
    %c0_i32_1 = arith.constant 0 : i32
    return %add3A, %c0_i32 : i32, i32
  }
}

</mosaic_0001>

<sc_bundles>
// kernel: kernel.6.cloned.1.call-start
scs
__scs_entry_jumppad:
0x0: {  	(pc) =	sbr.rel $0x88, $3  }
0x1: {  	(tag) =	ssettag $0x0;
	lr =	simm.s32 $0x1  }
0x2: {  	[smem:$0x3F9C] =	sst lr;
	_ =	strace $0xD0000000  }
0x3: {  	_ = 	snop  }
0x4: {  	_ = 	snop  }
0x5: {  	_ = 	snop  }
0x6: {  	_ = 	snop  }
0x7: {  	_ = 	snop  }
__scs_overlays_trampoline_lowered:
0x8: {  	[smem:$0x3FAB] =	sst s0  }
0x9: {  	[smem:$0x3FAC] =	sst s1  }
0xa: {  	[smem:$0x3FAD] =	sst s2  }
0xb: {  	[smem:$0x3FAE] =	sst s3  }
0xc: {  	[smem:$0x3FAF] =	sst s4  }
0xd: {  	[smem:$0x3FB0] =	sst s5  }
0xe: {  	[smem:$0x3FB1] =	sst s6  }
0xf: {  	[smem:$0x3FB2] =	sst s7  }
0x10: {  	[smem:$0x3FB3] =	sst s8  }
0x11: {  	[smem:$0x3FB4] =	sst s9;
	s0 =	simm.s32 @!p0 $0x0  }
0x12: {  	s1 =	sld [smem:$0x3F9A];
	s0 =	simm.s32 @p0 $0x1  }
0x13: {  	[smem:$0x3FB5] =	sst s0;
	s0 =	simm.s32 @!p1 $0x0  }
0x14: {  	s2 =	sld [smem:$0x3F99];
	s0 =	simm.s32 @p1 $0x1  }
0x15: {  	[smem:$0x3FB6] =	sst s0;
	s0 =	simm.s32 @!p2 $0x0  }
0x16: {  	s3 =	sld [smem:$0x3FDB];
	s0 =	simm.s32 @p2 $0x1  }
0x17: {  	s4 =	simm.s32 $0x1BF5;
	[smem:$0x3FB8] =	sst s0  }
0x18: {  	s0 =	sld [smem:$0x3F9B];
	_ =	swait.ge [sflag:s4], $0x0  }
0x19: {  	s7 =	sld [smem:$0x3F9C]  }
0x1a: {  	s8 =	sadd.s32 $0xFFFFE003, lr  }
0x1b: {  	s9 =	sadd.s32 $0xFFFFFEF7, lr;
	s5 =	simm.s32 $0xFFFFFFFF;
	p2 =	slt.u32 s8, $0xFFFFF086  }
0x1c: {  	p1 =	slt.u32 s9, $0xF7A;
	s5 =	simm.s32 @!p2 $0x0  }
0x1d: {  	s5 =	simm.s32 @p1 $0x1;
	p0 =	seq.s32 s7, s2  }
0x1e: {  	s7 =	smul.u32 @!p0 $0xF7A, s2;
	p2 =	seq.s32 @!p0 s5, $0x0  }
0x1f: {  	s9 =	smul.u32 $0xF7A, s1;
	s8 =	simm.s32 @!p0 $0x1BF5;
	p2 =	por !p2, p0  }
0x20: {  	[sflag:s8] =	ssyncset.s32 @!p0 $0xFFFFF086;
	s6 =	sadd.s32 @!p0 s3, s7;
	s7 =	simm.s32 @!p0 $0x108  }
0x21: {  	s3 =	sadd.s32 s3, s9;
	s6 =	sadd.s32 @!p0 $0x88, s6;
	s7 =	simm.s32 @p2 $0x1082  }
0x22: {  	[simem:s7], [sflag:s8] =	dma.local @!p0 [hbm:s6], $0xF7A  }
0x23: {  	s9 =	sor.u32 $0xD0000000, s2;
	s6 =	simm.s32 $0x108;
	_ =	swait.ge @!p0 [sflag:s8], $0x0  }
0x24: {  	s3 =	sadd.s32 $0x88, s3;
	s6 =	simm.s32 @!p1 $0x1082;
	[sflag:s4] =	ssyncset.s32 $0xFFFFF086  }
0x25: {  	[simem:s6], [sflag:s4] =	dma.local [hbm:s3], $0xF7A  }
0x26: {  	[smem:$0x3F9C] =	sst s1;
	(tag) =	ssettag s2;
	_ =	strace s9  }
0x27: {  	s1 =	sld [smem:$0x3FAC]  }
0x28: {  	s2 =	sld [smem:$0x3FAD]  }
0x29: {  	s4 =	sld [smem:$0x3FAF]  }
0x2a: {  	p0 =	seq.s32 s5, $0x0;
	s5 =	sld [smem:$0x3FB0]  }
0x2b: {  	s6 =	sld [smem:$0x3FB1]  }
0x2c: {  	s7 =	sld [smem:$0x3FB2]  }
0x2d: {  	s3 =	simm.s32 $0x108;
	s8 =	sld [smem:$0x3FB3]  }
0x2e: {  	s3 =	simm.s32 @!p0 $0x1082;
	s9 =	sld [smem:$0x3FB4]  }
0x2f: {  	lr =	sadd.s32 s0, s3;
	s0 =	sld [smem:$0x3FAB]  }
0x30: {  	s3 =	sld [smem:$0x3FAE]  }
0x31: {  	[smem:$0x3FB7] =	sst s10  }
0x32: {  	s10 =	sld [smem:$0x3FB5];
	_ =	sdelay $0x3  }
0x33: {  	p0 =	seq.s32 s10, $0x1;
	s10 =	sld [smem:$0x3FB7];
	_ =	sdelay $0x3  }
0x34: {  	[smem:$0x3FB7] =	sst s10  }
0x35: {  	s10 =	sld [smem:$0x3FB6];
	_ =	sdelay $0x3  }
0x36: {  	p1 =	seq.s32 s10, $0x1;
	s10 =	sld [smem:$0x3FB7];
	_ =	sdelay $0x3  }
0x37: {  	[smem:$0x3FB7] =	sst s10  }
0x38: {  	s10 =	sld [smem:$0x3FB8]  }
0x39: {  	_ = 	snop;
	(pc) =	sbr.ind lr, $3  }
0x3a: {  	_ = 	snop  }
0x3b: {  	_ = 	snop  }
0x3c: {  	p2 =	seq.s32 s10, $0x1;
	s10 =	sld [smem:$0x3FB7]  }
0x3d: {  	_ =	shalt  }
0x3e: {  	_ =	shalt  }
0x3f: {  	_ =	shalt  }
0x40: {  	_ =	shalt  }
0x41: {  	_ =	shalt  }
0x42: {  	_ =	shalt  }
0x43: {  	_ =	shalt  }
0x44: {  	_ =	shalt  }
0x45: {  	_ =	shalt  }
0x46: {  	_ =	shalt  }
0x47: {  	_ =	shalt  }
0x48: {  	_ =	shalt  }
0x49: {  	_ =	shalt  }
0x4a: {  	_ =	shalt  }
0x4b: {  	_ =	shalt  }
0x4c: {  	_ =	shalt  }
0x4d: {  	_ =	shalt  }
0x4e: {  	_ =	shalt  }
0x4f: {  	_ =	shalt  }
0x50: {  	_ =	shalt  }
0x51: {  	_ =	shalt  }
0x52: {  	_ =	shalt  }
0x53: {  	_ =	shalt  }
0x54: {  	_ =	shalt  }
0x55: {  	_ =	shalt  }
0x56: {  	_ =	shalt  }
0x57: {  	_ =	shalt  }
0x58: {  	_ =	shalt  }
0x59: {  	_ =	shalt  }
0x5a: {  	_ =	shalt  }
0x5b: {  	_ =	shalt  }
0x5c: {  	_ =	shalt  }
0x5d: {  	_ =	shalt  }
0x5e: {  	_ =	shalt  }
0x5f: {  	_ =	shalt  }
0x60: {  	_ =	shalt  }
0x61: {  	_ =	shalt  }
0x62: {  	_ =	shalt  }
0x63: {  	_ =	shalt  }
0x64: {  	_ =	shalt  }
0x65: {  	_ =	shalt  }
0x66: {  	_ =	shalt  }
0x67: {  	_ =	shalt  }
0x68: {  	_ =	shalt  }
0x69: {  	_ =	shalt  }
0x6a: {  	_ =	shalt  }
0x6b: {  	_ =	shalt  }
0x6c: {  	_ =	shalt  }
0x6d: {  	_ =	shalt  }
0x6e: {  	_ =	shalt  }
0x6f: {  	_ =	shalt  }
0x70: {  	_ =	shalt  }
0x71: {  	_ =	shalt  }
0x72: {  	_ =	shalt  }
0x73: {  	_ =	shalt  }
0x74: {  	_ =	shalt  }
0x75: {  	_ =	shalt  }
0x76: {  	_ =	shalt  }
0x77: {  	_ =	shalt  }
0x78: {  	_ =	shalt  }
0x79: {  	_ =	shalt  }
0x7a: {  	_ =	shalt  }
0x7b: {  	_ =	shalt  }
0x7c: {  	_ =	shalt  }
0x7d: {  	_ =	shalt  }
0x7e: {  	_ =	shalt  }
0x7f: {  	_ =	shalt  }
0x80: {  	_ =	shalt  }
0x81: {  	_ =	shalt  }
0x82: {  	_ =	shalt  }
0x83: {  	_ =	shalt  }
0x84: {  	_ =	shalt  }
0x85: {  	_ =	shalt  }
0x86: {  	_ =	shalt  }
0x87: {  	_ =	shalt  }
.Lfunc_end0:
.L_simem_size_0:
called_computation_lowered:
.L_overlay_start_0:
0x88: {  	s2 =	sld [smem:$0x3FD9]  }
0x89: {  	s3 =	sld [smem:$0x3FFE];
	_ =	sdelay $0x1  }
0x8a: {  	s1 =	srdreg.scid  }
0x8b: {  	s0 =	sand.u32 $0x1, s1  }
0x8c: {  	s17 =	sshll.u32 s0, $0xA;
	s2 =	sadd.s32 s3, s2  }
0x8d: {  	s2 =	sadd.s32 s2, s17  }
0x8e: {  	[smem:$0x3FC3] =	sst s2  }
0x8f: {  	_ = 	snop  }
0x90: {  	s2 =	sld [smem:$0x3FD0];
	(tm) =	ssettm $0x1  }
0x91: {  	s18 =	sld [smem:$0x3FFB];
	_ =	sdelay $0x3  }
0x92: {  	_ =	strace s18  }
0x93: {  	s3 =	sld [smem:$0x3FFC];
	_ =	sdelay $0x3  }
0x94: {  	_ =	strace s3  }
0x95: {  	s3 =	sld [smem:$0x3FFD];
	_ =	sdelay $0x3  }
0x96: {  	_ =	strace s3  }
0x97: {  	_ =	strace $0x8FFFFFFF  }
0x98: {  	s19 =	sld [smem:$0x3FDB];
	_ =	sdelay $0x1  }
0x99: {  	s4 =	simm.s32 $_scs_section_size  }
0x9a: {  	s5 =	simm.s32 $_size__tile_overlayer_lowered;
	s6 =	simm.s32 $_tile_overlayer_lowered  }
0x9b: {  	s22 =	simm.s32 $0x1BFF;
	s21 =	sshll.u32 s6, $0x1;
	s3 =	sadd.s32 s4, s19  }
0x9c: {  	s7 =	simm.s32 $0x0;
	s20 =	sshll.u32 s5, $0x1;
	s5 =	sadd.s32 s21, s3  }
0x9d: {  	[timem:s7], [sflag:s22] =	dma.local [hbm:s5], s20  }
0x9e: {  	_ =	swait.ge [sflag:s22], s20  }
0x9f: {  	s4 =	ssub.s32 $0x0, s20;
	[sflag:s22] =	ssyncset.done $0x0  }
0xa0: {  	[sflag:s22] =	ssyncadd.s32 s4;
	_ =	sdelay $0x1  }
0xa1: {  	s23 =	simm.s32 $0x1B8B  }
0xa2: {  	_ =	swait.ge [sflag:s23], $0x1  }
0xa3: {  	[sflag:s23] =	ssyncset.done $0x0  }
0xa4: {  	s25 =	simm.s32 $0x1B8E;
	s24 =	sld [smem:$0x3FFE];
	[sflag:s23] =	ssyncadd.s32 $0xFFFFFFFF  }
0xa5: {  	s26 =	simm.s32 $execute0_lowered;
	[smem:$0x3FD2] =	sst s25  }
0xa6: {  	s5 =	sshll.u32 s26, $0x1;
	_ =	strace $0x80000046;
	[dreg:$0x1] =	wrdreg $0xFFFFFFFF  }
0xa7: {  	s28 =	simm.s32 $_size_execute0_lowered;
	s3 =	sadd.s32 s3, s5;
	[dreg:$0x0] =	wrdreg $0x0  }
0xa8: {  	s5 =	sshll.u32 s28, $0x1;
	[dreg:$0x2] =	wrdreg s3  }
0xa9: {  	[dreg:$0x3] =	wrdreg s5  }
0xaa: {  	[dreg:$0x4] =	wrdreg $0xC0  }
0xab: {  	_ =	task [dreg:s7], $0x5FFFF  }
0xac: {  	[dreg:$0x1] =	wrdreg $0xFFFFFFFF  }
0xad: {  	[dreg:$0x0] =	wrdreg $0x60  }
0xae: {  	[dreg:$0x2] =	wrdreg s24  }
0xaf: {  	[dreg:$0x3] =	wrdreg s2  }
0xb0: {  	[dreg:$0x4] =	wrdreg $0x20000  }
0xb1: {  	[dreg:$0x5] =	wrdreg $0x9  }
0xb2: {  	_ =	task.clear_ibuf [dreg:s7], $0x6FFFF;
	_ =	strace $0x90000046  }
0xb3: {  	s29 =	simm.s32 $0x9;
	_ =	strace $0x80000048  }
0xb4: {  	_ =	swait.ge [sflag:s29], $0x1  }
0xb5: {  	[sflag:s29] =	ssyncadd.s32 $0xFFFFFFFF  }
0xb6: {  	_ =	strace $0x90000048  }
0xb7: {  	_ =	sfence  }
0xb8: {  	s30 =	sld [smem:$0x0];
	_ =	sdelay $0x2  }
0xb9: {  	s31 =	sshll.u32 s1, $0xD;
	s1 =	sshrl.u32 s1, $0x2  }
0xba: {  	s3 =	sand.u32 $0x4000, s31;
	s1 =	sadd.s32 s1, s30  }
0xbb: {  	s0 =	sor.u32 s3, s0;
	s1 =	sshll.u32 s1, $0x11  }
0xbc: {  	s0 =	sor.u32 s1, s0  }
0xbd: {  	s0 =	sadd.s32 $0x8F2B, s0  }
0xbe: {  	[sflag:s0] =	ssyncadd.remote.s32 $0x1  }
0xbf: {  	_ =	sfence.sel $0xFFFF  }
0xc0: {  	[dreg:$0x0] =	wrdreg $0xFFFFFFFF;
	(pc) =	sbr.abs _section_cstart, $3  }
0xc1: {  	[dreg:$0x1] =	wrdreg $0xFFFFFFFF  }
0xc2: {  	_ =	task.clear_ibuf [dreg:s7], $0x2FFFF;
	_ =	strace $0x9FFFFFFF  }
0xc3: {  	(tm) =	ssettm $0x7FFFFFFF  }
tec
execute0_lowered:
.L_overlay_start_1:
0x0: {  	(tag) =	ssettag $0x1  }
0x1: {  	s6 =	rddreg [dreg:$0x0]  }
0x2: {  	s2 =	rddreg [dreg:$0x1];
	s0 =	srdreg.scid  }
0x3: {  	s3 =	rddreg [dreg:$0x2];
	s1 =	stileid.u32;
	s4 =	simm.s32 $0x0  }
0x4: {  	s15 =	simm.s32 $0x3;
	s16 =	simm.s32 $0x15C00;
	s17 =	simm.s32 $0x80  }
0x5: {  	s18 =	simm.s32 $0x1DC00;
	s19 =	simm.s32 $0x1DD00;
	s20 =	simm.s32 $0x19C00  }
0x6: {  	s21 =	simm.s32 $0x1;
	s22 =	simm.s32 $0x1DC80;
	s23 =	simm.s32 $0x2  }
0x7: {  	s24 =	simm.s32 $0x1DD80;
	s25 =	simm.s32 $0x0;
	s8 =	smul.u32 $0x13C00, s1  }
0x8: {  	s7 =	sand.u32 $0x1, s0;
	s0 =	rddreg [dreg:$0x3];
	s9 =	smul.u32 $0xF00, s1  }
0x9: {  	[smem:$0x7FF] =	sst s4;
	s10 =	sshll.u32 s1, $0xE;
	s29 =	smul.u32 $0x4F000, s1  }
0xa: {  	s5 =	smul.u32 $0x13C000, s7;
	_ =	strace $0x80000047;
	s30 =	ssub.s32 $0x2, s7  }
0xb: {  	p0 =	seq.s32 s7, $0x0;
	s12 =	sor.u32 $0x40000, s9;
	s7 =	sshrl.u32 s30, $0x1  }
0xc: {  	s9 =	sshrl.u32 s29, $0x2;
	s8 =	sadd.s32 s8, s5;
	s5 =	sadd.s32 $0x1200, s6  }
.Ltmp0:
0xd: {  	s12 =	smov.u32 @p0 s10;
	s14 =	ssub.s32 s30, s7;
	(pc) =	sbr.rel .LBB2_1-.Ltmp0, $4  }
0xe: {  	s7 =	sadd.s32 s9, s3;
	s8 =	sshrl.u32 s8, $0x3;
	s31 =	sshrl.u32 s12, $0x3  }
0xf: {  	s9 =	sadd.s32 $0x8000, s7;
	s10 =	sadd.s32 $0xC000, s7;
	s11 =	sadd.s32 $0x10000, s7  }
0x10: {  	s12 =	sadd.s32 $0x2000, s12;
	s14 =	smax.u32 s14, $0x1;
	s13 =	sadd.s32 s8, s6  }
0x11: {  	v0 =	vimm.f32 $0.0e+00;
	s6 =	sadd.s32 s2, s31;
	s8 =	sadd.s32 $0x4000, s7;
	s13 =	sadd.s32 $0x139A00, s13  }
.LBB2_9:
0x12: {  	[tilespmem:$0x1DDE0] =	vst v1  }
0x13: {  	v1 =	vld [tilespmem:s26+$0x0];
	_ =	sdelay $0x4  }
0x14: {  	v2 =	vand.u32 $0x1FFFF, v1  }
0x15: {  	v1 =	vshrl.u32 v1, $0x11;
	[tilespmem:$0x1DD70] =	vst v2  }
0x16: {  	[tilespmem:$0x1DDF0] =	vst v1  }
0x17: {  	[tilespmem:s20], [sflag:$0x2] =	stream.indirect.gather [hbm4b:s5+s17], $0x80, s19, s17, $0xb8;
	[tilespmem:$0x1DE00] =	vst v63  }
0x18: {  	_ =	swait.ge [sflag:s21], $0x4000  }
0x19: {  	[sflag:s21] =	ssyncset.done $0x0  }
0x1a: {  	[sflag:s21] =	ssyncadd.s32 $0xFFFFC000  }
0x1b: {  	[spmem:s3] =	stream.indirect.scatter.add.f32 [tilespmem:s16], [sflag:$0x3], $0x80, s22, s17, $0xb8;
	[tilespmem:$0x1DE00] =	vst v63  }
0x1c: {  	_ =	swait.ge [sflag:s15], $0x4000  }
0x1d: {  	[sflag:s15] =	ssyncset.done $0x0  }
0x1e: {  	[sflag:s15] =	ssyncadd.s32 $0xFFFFC000  }
.LBB2_10:
0x1f: {  	_ =	swait.ge [sflag:s23], $0x4000  }
0x20: {  	[sflag:s23] =	ssyncset.done $0x0  }
0x21: {  	[sflag:s23] =	ssyncadd.s32 $0xFFFFC000  }
0x22: {  	[spmem:s3] =	stream.indirect.scatter.add.f32 [tilespmem:s20], [sflag:$0x3], $0x80, s24, s17, $0xb8;
	[tilespmem:$0x1DE00] =	vst v63  }
0x23: {  	_ =	swait.ge [sflag:s15], $0x4000  }
0x24: {  	s26 =	sshll.u32 s1, $0x6;
	s25 =	sadd.s32 $0x1, s25;
	[sflag:s15] =	ssyncset.done $0x0  }
0x25: {  	s28 =	sshrl.u32 s7, $0x3;
	p1 =	sne.s32 s25, s14;
	[sflag:s15] =	ssyncadd.s32 $0xFFFFC000  }
.Ltmp1:
0x26: {  	s26 =	sor.u32 $0x1C03, s26;
	[bflag:$0x0] =	sbarrier.arrive $0xFFFF;
	(pc) =	sbr.rel @!p1 .LBB2_11-.Ltmp1, $4  }
0x27: {  	[hbm:s13], [sflag:s26] =	dma.local [spmem:s28], $0x2780  }
0x28: {  	_ =	swait.ge [sflag:s15], $0x2780  }
0x29: {  	[sflag:s15] =	ssyncset.done $0x0  }
0x2a: {  	[sflag:s15] =	ssyncadd.s32 $0xFFFFD880  }
.LBB2_1:
0x2b: {  	[tilespmem:s4], [sflag:$0x3] =	stream.linear.gather [hbm4b:s6+s4], $0x2000, $0x38;
	[tilespmem:$0x1DE00] =	vst v63  }
0x2c: {  	_ =	swait.ge [sflag:s15], $0x2000  }
0x2d: {  	[sflag:s15] =	ssyncset.done $0x0  }
0x2e: {  	s26 =	simm.s32 $0x0;
	s28 =	simm.s32 $0x200;
	[sflag:s15] =	ssyncadd.s32 $0xFFFFE000  }
.LBB2_2:
0x2f: {  	p1 =	sne.s32 s28, $0xFE00;
	[tilespmem:s26+$0x15C70] =	vst v0  }
0x30: {  	[tilespmem:s26+$0x15C00] =	vst v0  }
0x31: {  	[tilespmem:s26+$0x15C10] =	vst v0  }
.Ltmp2:
0x32: {  	[tilespmem:s26+$0x15C20] =	vst v0;
	(pc) =	sbr.rel @p1 .LBB2_2-.Ltmp2, $4  }
0x33: {  	[tilespmem:s26+$0x15C30] =	vst v0  }
0x34: {  	[tilespmem:s26+$0x15C40] =	vst v0  }
0x35: {  	[tilespmem:s26+$0x15C50] =	vst v0  }
0x36: {  	[tilespmem:s26+$0x15C60] =	vst v0;
	s26 =	sshra.s32 s28, $0x2;
	s28 =	sadd.s32 $0x200, s28  }
0x37: {  	[tilespmem:s26+$0x15C70] =	vst v0  }
0x38: {  	[tilespmem:s26+$0x15C00] =	vst v0  }
0x39: {  	[tilespmem:s26+$0x15C10] =	vst v0  }
0x3a: {  	[tilespmem:s26+$0x15C20] =	vst v0  }
0x3b: {  	[tilespmem:s26+$0x15C30] =	vst v0  }
0x3c: {  	[tilespmem:s26+$0x15C40] =	vst v0  }
0x3d: {  	[tilespmem:s26+$0x15C50] =	vst v0  }
0x3e: {  	[tilespmem:s26+$0x15C60] =	vst v0  }
0x3f: {  	[spmem:s7] =	stream.linear.scatter [tilespmem:s16], [sflag:$0x3], $0x4000, $0x38;
	[tilespmem:$0x1DE00] =	vst v63  }
0x40: {  	_ =	swait.ge [sflag:s15], $0x4000  }
0x41: {  	[sflag:s15] =	ssyncset.done $0x0  }
0x42: {  	[sflag:s15] =	ssyncadd.s32 $0xFFFFC000  }
0x43: {  	[spmem:s8] =	stream.linear.scatter [tilespmem:s16], [sflag:$0x3], $0x4000, $0x38;
	[tilespmem:$0x1DE00] =	vst v63  }
0x44: {  	_ =	swait.ge [sflag:s15], $0x4000  }
0x45: {  	[sflag:s15] =	ssyncset.done $0x0  }
0x46: {  	[sflag:s15] =	ssyncadd.s32 $0xFFFFC000  }
0x47: {  	[spmem:s9] =	stream.linear.scatter [tilespmem:s16], [sflag:$0x3], $0x4000, $0x38;
	[tilespmem:$0x1DE00] =	vst v63  }
0x48: {  	_ =	swait.ge [sflag:s15], $0x4000  }
0x49: {  	[sflag:s15] =	ssyncset.done $0x0  }
0x4a: {  	[sflag:s15] =	ssyncadd.s32 $0xFFFFC000  }
0x4b: {  	[spmem:s10] =	stream.linear.scatter [tilespmem:s16], [sflag:$0x3], $0x4000, $0x38;
	[tilespmem:$0x1DE00] =	vst v63  }
0x4c: {  	_ =	swait.ge [sflag:s15], $0x4000  }
0x4d: {  	[sflag:s15] =	ssyncset.done $0x0  }
0x4e: {  	[sflag:s15] =	ssyncadd.s32 $0xFFFFC000  }
0x4f: {  	[spmem:s11] =	stream.linear.scatter [tilespmem:s16], [sflag:$0x3], $0x3C00, $0x38;
	[tilespmem:$0x1DE00] =	vst v63  }
0x50: {  	_ =	swait.ge [sflag:s15], $0x3C00  }
0x51: {  	[sflag:s15] =	ssyncset.done $0x0  }
0x52: {  	[sflag:s15] =	ssyncadd.s32 $0xFFFFC400  }
0x53: {  	v1 =	vld [tilespmem:$0x0];
	_ =	sdelay $0x1  }
0x54: {  	v2 =	vld [tilespmem:$0x10];
	_ =	sdelay $0x1  }
0x55: {  	v3 =	vld [tilespmem:$0x20]  }
0x56: {  	v4 =	vand.u32 $0x1FFFF, v1  }
0x57: {  	v59 =	vld [tilespmem:$0x30];
	v1 =	vshrl.u32 v1, $0x11;
	[tilespmem:$0x1DC00] =	vst v4  }
0x58: {  	[tilespmem:$0x1DC80] =	vst v1;
	v1 =	vand.u32 $0x1FFFF, v2  }
0x59: {  	[tilespmem:$0x1DC10] =	vst v1;
	v1 =	vshrl.u32 v2, $0x11;
	v2 =	vld [tilespmem:$0x40]  }
0x5a: {  	[tilespmem:$0x1DC90] =	vst v1;
	v1 =	vand.u32 $0x1FFFF, v3  }
0x5b: {  	[tilespmem:$0x1DC20] =	vst v1;
	v1 =	vshrl.u32 v3, $0x11;
	v3 =	vld [tilespmem:$0x50]  }
0x5c: {  	[tilespmem:$0x1DCA0] =	vst v1;
	v1 =	vand.u32 $0x1FFFF, v59  }
0x5d: {  	v60 =	vld [tilespmem:$0x60];
	[tilespmem:$0x1DC30] =	vst v1;
	v1 =	vshrl.u32 v59, $0x11  }
0x5e: {  	[tilespmem:$0x1DCB0] =	vst v1;
	v1 =	vand.u32 $0x1FFFF, v2  }
0x5f: {  	[tilespmem:$0x1DC40] =	vst v1;
	v1 =	vshrl.u32 v2, $0x11;
	v2 =	vld [tilespmem:$0x70]  }
0x60: {  	[tilespmem:$0x1DCC0] =	vst v1;
	v1 =	vand.u32 $0x1FFFF, v3  }
0x61: {  	[tilespmem:$0x1DC50] =	vst v1;
	v1 =	vshrl.u32 v3, $0x11  }
0x62: {  	[tilespmem:$0x1DCD0] =	vst v1;
	v1 =	vand.u32 $0x1FFFF, v60  }
0x63: {  	[tilespmem:$0x1DC60] =	vst v1;
	v1 =	vshrl.u32 v60, $0x11  }
0x64: {  	[tilespmem:$0x1DCE0] =	vst v1;
	v1 =	vand.u32 $0x1FFFF, v2  }
0x65: {  	[tilespmem:$0x1DC70] =	vst v1;
	v1 =	vshrl.u32 v2, $0x11  }
0x66: {  	[tilespmem:$0x1DCF0] =	vst v1  }
0x67: {  	[tilespmem:s16], [sflag:$0x1] =	stream.indirect.gather [hbm4b:s5+s17], $0x80, s18, s17, $0xb8;
	[tilespmem:$0x1DE00] =	vst v63  }
0x68: {  	v1 =	vld [tilespmem:$0x80];
	_ =	sdelay $0x1  }
0x69: {  	v2 =	vld [tilespmem:$0x90];
	_ =	sdelay $0x1  }
0x6a: {  	v3 =	vld [tilespmem:$0xA0]  }
0x6b: {  	v61 =	vand.u32 $0x1FFFF, v1  }
0x6c: {  	v62 =	vld [tilespmem:$0xB0];
	v1 =	vshrl.u32 v1, $0x11;
	[tilespmem:$0x1DD00] =	vst v61  }
0x6d: {  	[tilespmem:$0x1DD80] =	vst v1;
	v1 =	vand.u32 $0x1FFFF, v2  }
0x6e: {  	[tilespmem:$0x1DD10] =	vst v1;
	v1 =	vshrl.u32 v2, $0x11;
	v2 =	vld [tilespmem:$0xC0]  }
0x6f: {  	[tilespmem:$0x1DD90] =	vst v1;
	v1 =	vand.u32 $0x1FFFF, v3  }
0x70: {  	[tilespmem:$0x1DD20] =	vst v1;
	v1 =	vshrl.u32 v3, $0x11;
	v3 =	vld [tilespmem:$0xD0]  }
0x71: {  	[tilespmem:$0x1DDA0] =	vst v1;
	v1 =	vand.u32 $0x1FFFF, v62  }
0x72: {  	v63 =	vld [tilespmem:$0xE0];
	[tilespmem:$0x1DD30] =	vst v1;
	v1 =	vshrl.u32 v62, $0x11  }
0x73: {  	[tilespmem:$0x1DDB0] =	vst v1;
	v1 =	vand.u32 $0x1FFFF, v2  }
0x74: {  	[tilespmem:$0x1DD40] =	vst v1;
	v1 =	vshrl.u32 v2, $0x11;
	v2 =	vld [tilespmem:$0xF0]  }
0x75: {  	[tilespmem:$0x1DDC0] =	vst v1;
	v1 =	vand.u32 $0x1FFFF, v3  }
0x76: {  	[tilespmem:$0x1DD50] =	vst v1;
	v1 =	vshrl.u32 v3, $0x11  }
0x77: {  	[tilespmem:$0x1DDD0] =	vst v1;
	v1 =	vand.u32 $0x1FFFF, v63  }
0x78: {  	[tilespmem:$0x1DD60] =	vst v1;
	v1 =	vshrl.u32 v63, $0x11  }
0x79: {  	[tilespmem:$0x1DDE0] =	vst v1;
	v1 =	vand.u32 $0x1FFFF, v2  }
.Ltmp3:
0x7a: {  	[tilespmem:$0x1DD70] =	vst v1;
	v1 =	vshrl.u32 v2, $0x11;
	(pc) =	sbr.rel @!p0 .LBB2_7-.Ltmp3, $3  }
0x7b: {  	[tilespmem:$0x1DDF0] =	vst v1  }
0x7c: {  	[tilespmem:s20], [sflag:$0x2] =	stream.indirect.gather [hbm4b:s5+s17], $0x80, s19, s17, $0xb8;
	[tilespmem:$0x1DE00] =	vst v63  }
0x7d: {  	[bflag:$0x0] =	sbarrier.arrive $0xFFFF;
	_ =	sdelay $0x1  }
0x7e: {  	s26 =	simm.s32 $0x600;
	s28 =	simm.s32 $0x0;
	s29 =	simm.s32 $0x0  }
.LBB2_5:
0x7f: {  	s30 =	sand.u32 $0x1F, s29;
	p1 =	seq.s32 s28, $0x3F00  }
0x80: {  	p2 =	sne.s32 @!p1 s30, $0x1F  }
0x81: {  	p2 =	por p2, p1  }
0x82: {  	s30 =	sand.u32 @!p2 $0x2000, s28  }
0x83: {  	s30 =	sadd.s32 @!p2 s30, s12  }
0x84: {  	s30 =	sshrl.u32 @!p2 s30, $0x3  }
0x85: {  	s31 =	simm.s32 @!p2 $0x0;
	s30 =	sadd.s32 @!p2 s2, s30  }
0x86: {  	[tilespmem:s31], [sflag:$0x3] =	stream.linear.gather @!p2 [hbm4b:s30+s31], $0x2000, $0x38;
	[tilespmem:$0x1DE00] =	vst v63  }
0x87: {  	s30 =	simm.s32 @!p2 $0x3  }
0x88: {  	_ =	swait.ge @!p2 [sflag:s30], $0x2000  }
0x89: {  	[sflag:s30] =	ssyncset.done @!p2 $0x0  }
0x8a: {  	[sflag:s30] =	ssyncadd.s32 @!p2 $0xFFFFE000  }
0x8b: {  	_ =	swait.ge [sflag:s21], $0x4000  }
0x8c: {  	[sflag:s21] =	ssyncset.done $0x0  }
.Ltmp4:
0x8d: {  	[sflag:s21] =	ssyncadd.s32 $0xFFFFC000;
	(pc) =	sbr.rel @p1 .LBB2_10-.Ltmp4, $4  }
0x8e: {  	[spmem:s3] =	stream.indirect.scatter.add.f32 [tilespmem:s16], [sflag:$0x3], $0x80, s22, s17, $0xb8;
	[tilespmem:$0x1DE00] =	vst v63  }
0x8f: {  	_ =	swait.ge [sflag:s15], $0x4000  }
0x90: {  	[sflag:s15] =	ssyncset.done $0x0  }
0x91: {  	[sflag:s15] =	ssyncadd.s32 $0xFFFFC000  }
0x92: {  	s30 =	sadd.s32 $0xFFFFFE00, s26  }
0x93: {  	s30 =	sand.u32 $0x7C00, s30  }
0x94: {  	s30 =	sshrl.u32 s30, $0x2  }
0x95: {  	v1 =	vld [tilespmem:s30+$0x0];
	_ =	sdelay $0x4  }
0x96: {  	v2 =	vand.u32 $0x1FFFF, v1  }
0x97: {  	v1 =	vshrl.u32 v1, $0x11;
	[tilespmem:$0x1DC00] =	vst v2  }
0x98: {  	[tilespmem:$0x1DC80] =	vst v1  }
0x99: {  	v1 =	vld [tilespmem:s30+$0x10];
	_ =	sdelay $0x4  }
0x9a: {  	v2 =	vand.u32 $0x1FFFF, v1  }
0x9b: {  	v1 =	vshrl.u32 v1, $0x11;
	[tilespmem:$0x1DC10] =	vst v2  }
0x9c: {  	[tilespmem:$0x1DC90] =	vst v1  }
0x9d: {  	v1 =	vld [tilespmem:s30+$0x20];
	_ =	sdelay $0x4  }
0x9e: {  	v2 =	vand.u32 $0x1FFFF, v1  }
0x9f: {  	v1 =	vshrl.u32 v1, $0x11;
	[tilespmem:$0x1DC20] =	vst v2  }
0xa0: {  	[tilespmem:$0x1DCA0] =	vst v1  }
0xa1: {  	v1 =	vld [tilespmem:s30+$0x30];
	_ =	sdelay $0x4  }
0xa2: {  	v2 =	vand.u32 $0x1FFFF, v1  }
0xa3: {  	v1 =	vshrl.u32 v1, $0x11;
	[tilespmem:$0x1DC30] =	vst v2  }
0xa4: {  	[tilespmem:$0x1DCB0] =	vst v1  }
0xa5: {  	v1 =	vld [tilespmem:s30+$0x40];
	_ =	sdelay $0x4  }
0xa6: {  	v2 =	vand.u32 $0x1FFFF, v1  }
0xa7: {  	v1 =	vshrl.u32 v1, $0x11;
	[tilespmem:$0x1DC40] =	vst v2  }
0xa8: {  	[tilespmem:$0x1DCC0] =	vst v1  }
0xa9: {  	v1 =	vld [tilespmem:s30+$0x50];
	_ =	sdelay $0x4  }
0xaa: {  	v2 =	vand.u32 $0x1FFFF, v1  }
0xab: {  	v1 =	vshrl.u32 v1, $0x11;
	[tilespmem:$0x1DC50] =	vst v2  }
0xac: {  	[tilespmem:$0x1DCD0] =	vst v1  }
0xad: {  	v1 =	vld [tilespmem:s30+$0x60];
	_ =	sdelay $0x4  }
0xae: {  	v2 =	vand.u32 $0x1FFFF, v1  }
0xaf: {  	v1 =	vshrl.u32 v1, $0x11;
	[tilespmem:$0x1DC60] =	vst v2  }
0xb0: {  	[tilespmem:$0x1DCE0] =	vst v1  }
0xb1: {  	v1 =	vld [tilespmem:s30+$0x70];
	_ =	sdelay $0x4  }
0xb2: {  	v2 =	vand.u32 $0x1FFFF, v1  }
0xb3: {  	v1 =	vshrl.u32 v1, $0x11;
	[tilespmem:$0x1DC70] =	vst v2  }
0xb4: {  	[tilespmem:$0x1DCF0] =	vst v1  }
0xb5: {  	[tilespmem:s16], [sflag:$0x1] =	stream.indirect.gather [hbm4b:s5+s17], $0x80, s18, s17, $0xb8;
	[tilespmem:$0x1DE00] =	vst v63  }
0xb6: {  	_ =	swait.ge [sflag:s23], $0x4000  }
0xb7: {  	[sflag:s23] =	ssyncset.done $0x0  }
0xb8: {  	[sflag:s23] =	ssyncadd.s32 $0xFFFFC000  }
0xb9: {  	[spmem:s3] =	stream.indirect.scatter.add.f32 [tilespmem:s20], [sflag:$0x3], $0x80, s24, s17, $0xb8;
	[tilespmem:$0x1DE00] =	vst v63  }
0xba: {  	_ =	swait.ge [sflag:s15], $0x4000  }
0xbb: {  	s31 =	sshrl.u32 s26, $0x2;
	[sflag:s15] =	ssyncset.done $0x0  }
0xbc: {  	s30 =	sand.u32 $0x1F80, s31;
	[sflag:s15] =	ssyncadd.s32 $0xFFFFC000  }
0xbd: {  	v1 =	vld [tilespmem:s30+$0x0];
	_ =	sdelay $0x4  }
0xbe: {  	v2 =	vand.u32 $0x1FFFF, v1  }
0xbf: {  	v1 =	vshrl.u32 v1, $0x11;
	[tilespmem:$0x1DD00] =	vst v2  }
0xc0: {  	[tilespmem:$0x1DD80] =	vst v1  }
0xc1: {  	v1 =	vld [tilespmem:s30+$0x10];
	_ =	sdelay $0x4  }
0xc2: {  	v2 =	vand.u32 $0x1FFFF, v1  }
0xc3: {  	v1 =	vshrl.u32 v1, $0x11;
	[tilespmem:$0x1DD10] =	vst v2  }
0xc4: {  	[tilespmem:$0x1DD90] =	vst v1  }
0xc5: {  	v1 =	vld [tilespmem:s30+$0x20];
	_ =	sdelay $0x4  }
0xc6: {  	v2 =	vand.u32 $0x1FFFF, v1  }
0xc7: {  	v1 =	vshrl.u32 v1, $0x11;
	[tilespmem:$0x1DD20] =	vst v2  }
0xc8: {  	[tilespmem:$0x1DDA0] =	vst v1  }
0xc9: {  	v1 =	vld [tilespmem:s30+$0x30];
	_ =	sdelay $0x4  }
0xca: {  	v2 =	vand.u32 $0x1FFFF, v1  }
0xcb: {  	v1 =	vshrl.u32 v1, $0x11;
	[tilespmem:$0x1DD30] =	vst v2  }
0xcc: {  	[tilespmem:$0x1DDB0] =	vst v1  }
0xcd: {  	v1 =	vld [tilespmem:s30+$0x40];
	_ =	sdelay $0x4  }
0xce: {  	v2 =	vand.u32 $0x1FFFF, v1  }
0xcf: {  	v1 =	vshrl.u32 v1, $0x11;
	[tilespmem:$0x1DD40] =	vst v2  }
0xd0: {  	[tilespmem:$0x1DDC0] =	vst v1  }
0xd1: {  	v1 =	vld [tilespmem:s30+$0x50];
	_ =	sdelay $0x4  }
0xd2: {  	v2 =	vand.u32 $0x1FFFF, v1  }
0xd3: {  	v1 =	vshrl.u32 v1, $0x11;
	[tilespmem:$0x1DD50] =	vst v2  }
0xd4: {  	[tilespmem:$0x1DDD0] =	vst v1  }
0xd5: {  	v1 =	vld [tilespmem:s30+$0x60];
	_ =	sdelay $0x4  }
0xd6: {  	v2 =	vand.u32 $0x1FFFF, v1  }
0xd7: {  	v1 =	vshrl.u32 v1, $0x11;
	[tilespmem:$0x1DD60] =	vst v2  }
0xd8: {  	[tilespmem:$0x1DDE0] =	vst v1  }
0xd9: {  	v1 =	vld [tilespmem:s30+$0x70];
	_ =	sdelay $0x3  }
.Ltmp5:
0xda: {  	_ = 	snop;
	(pc) =	sbr.rel .LBB2_5-.Ltmp5, $4  }
0xdb: {  	v2 =	vand.u32 $0x1FFFF, v1  }
0xdc: {  	v1 =	vshrl.u32 v1, $0x11;
	[tilespmem:$0x1DD70] =	vst v2  }
0xdd: {  	s29 =	sadd.s32 $0x1, s29;
	s26 =	sadd.s32 $0x400, s26;
	s28 =	sadd.s32 $0x100, s28;
	[tilespmem:$0x1DDF0] =	vst v1  }
0xde: {  	[tilespmem:s20], [sflag:$0x2] =	stream.indirect.gather [hbm4b:s5+s17], $0x80, s19, s17, $0xb8;
	[tilespmem:$0x1DE00] =	vst v63  }
.LBB2_7:
0xdf: {  	_ =	swait.ge [sflag:s21], $0x4000  }
0xe0: {  	[sflag:s21] =	ssyncset.done $0x0  }
0xe1: {  	[sflag:s21] =	ssyncadd.s32 $0xFFFFC000  }
0xe2: {  	[spmem:s3] =	stream.indirect.scatter.add.f32 [tilespmem:s16], [sflag:$0x3], $0x80, s22, s17, $0xb8;
	[tilespmem:$0x1DE00] =	vst v63  }
0xe3: {  	_ =	swait.ge [sflag:s15], $0x4000  }
0xe4: {  	[sflag:s15] =	ssyncset.done $0x0  }
0xe5: {  	s26 =	simm.s32 $0x1F0;
	[sflag:s15] =	ssyncadd.s32 $0xFFFFC000  }
0xe6: {  	v1 =	vld [tilespmem:s26+$0xFFFFFF10];
	_ =	sdelay $0x4  }
0xe7: {  	v2 =	vand.u32 $0x1FFFF, v1  }
0xe8: {  	v1 =	vshrl.u32 v1, $0x11;
	[tilespmem:$0x1DC00] =	vst v2  }
0xe9: {  	[tilespmem:$0x1DC80] =	vst v1  }
0xea: {  	v1 =	vld [tilespmem:s26+$0xFFFFFF20];
	_ =	sdelay $0x4  }
0xeb: {  	v2 =	vand.u32 $0x1FFFF, v1  }
0xec: {  	v1 =	vshrl.u32 v1, $0x11;
	[tilespmem:$0x1DC10] =	vst v2  }
0xed: {  	[tilespmem:$0x1DC90] =	vst v1  }
0xee: {  	v1 =	vld [tilespmem:s26+$0xFFFFFF30];
	_ =	sdelay $0x4  }
0xef: {  	v2 =	vand.u32 $0x1FFFF, v1  }
0xf0: {  	v1 =	vshrl.u32 v1, $0x11;
	[tilespmem:$0x1DC20] =	vst v2  }
0xf1: {  	[tilespmem:$0x1DCA0] =	vst v1  }
0xf2: {  	v1 =	vld [tilespmem:s26+$0xFFFFFF40];
	_ =	sdelay $0x4  }
0xf3: {  	v2 =	vand.u32 $0x1FFFF, v1  }
0xf4: {  	v1 =	vshrl.u32 v1, $0x11;
	[tilespmem:$0x1DC30] =	vst v2  }
0xf5: {  	[tilespmem:$0x1DCB0] =	vst v1  }
0xf6: {  	v1 =	vld [tilespmem:s26+$0xFFFFFF50];
	_ =	sdelay $0x4  }
0xf7: {  	v2 =	vand.u32 $0x1FFFF, v1  }
0xf8: {  	v1 =	vshrl.u32 v1, $0x11;
	[tilespmem:$0x1DC40] =	vst v2  }
0xf9: {  	[tilespmem:$0x1DCC0] =	vst v1  }
0xfa: {  	v1 =	vld [tilespmem:s26+$0xFFFFFF60];
	_ =	sdelay $0x4  }
0xfb: {  	v2 =	vand.u32 $0x1FFFF, v1  }
0xfc: {  	v1 =	vshrl.u32 v1, $0x11;
	[tilespmem:$0x1DC50] =	vst v2  }
0xfd: {  	[tilespmem:$0x1DCD0] =	vst v1  }
0xfe: {  	v1 =	vld [tilespmem:s26+$0xFFFFFF70];
	_ =	sdelay $0x4  }
0xff: {  	v2 =	vand.u32 $0x1FFFF, v1  }
0x100: {  	v1 =	vshrl.u32 v1, $0x11;
	[tilespmem:$0x1DC60] =	vst v2  }
0x101: {  	[tilespmem:$0x1DCE0] =	vst v1  }
0x102: {  	v1 =	vld [tilespmem:s26+$0xFFFFFF80];
	_ =	sdelay $0x4  }
0x103: {  	v2 =	vand.u32 $0x1FFFF, v1  }
0x104: {  	v1 =	vshrl.u32 v1, $0x11;
	[tilespmem:$0x1DC70] =	vst v2  }
0x105: {  	[tilespmem:$0x1DCF0] =	vst v1  }
0x106: {  	[tilespmem:s16], [sflag:$0x1] =	stream.indirect.gather [hbm4b:s5+s17], $0x80, s18, s17, $0xb8;
	[tilespmem:$0x1DE00] =	vst v63  }
0x107: {  	_ =	swait.ge [sflag:s23], $0x4000  }
0x108: {  	[sflag:s23] =	ssyncset.done $0x0  }
0x109: {  	[sflag:s23] =	ssyncadd.s32 $0xFFFFC000  }
0x10a: {  	[spmem:s3] =	stream.indirect.scatter.add.f32 [tilespmem:s20], [sflag:$0x3], $0x80, s24, s17, $0xb8;
	[tilespmem:$0x1DE00] =	vst v63  }
0x10b: {  	_ =	swait.ge [sflag:s15], $0x4000  }
0x10c: {  	[sflag:s15] =	ssyncset.done $0x0  }
0x10d: {  	[sflag:s15] =	ssyncadd.s32 $0xFFFFC000  }
0x10e: {  	v1 =	vld [tilespmem:s26+$0xFFFFFF90];
	_ =	sdelay $0x4  }
0x10f: {  	v2 =	vand.u32 $0x1FFFF, v1  }
0x110: {  	v1 =	vshrl.u32 v1, $0x11;
	[tilespmem:$0x1DD00] =	vst v2  }
0x111: {  	[tilespmem:$0x1DD80] =	vst v1  }
0x112: {  	v1 =	vld [tilespmem:s26+$0xFFFFFFA0];
	_ =	sdelay $0x4  }
0x113: {  	v2 =	vand.u32 $0x1FFFF, v1  }
0x114: {  	v1 =	vshrl.u32 v1, $0x11;
	[tilespmem:$0x1DD10] =	vst v2  }
0x115: {  	[tilespmem:$0x1DD90] =	vst v1  }
0x116: {  	v1 =	vld [tilespmem:s26+$0xFFFFFFB0];
	_ =	sdelay $0x4  }
0x117: {  	v2 =	vand.u32 $0x1FFFF, v1  }
0x118: {  	v1 =	vshrl.u32 v1, $0x11;
	[tilespmem:$0x1DD20] =	vst v2  }
0x119: {  	[tilespmem:$0x1DDA0] =	vst v1  }
0x11a: {  	v1 =	vld [tilespmem:s26+$0xFFFFFFC0];
	_ =	sdelay $0x4  }
0x11b: {  	v2 =	vand.u32 $0x1FFFF, v1  }
0x11c: {  	v1 =	vshrl.u32 v1, $0x11;
	[tilespmem:$0x1DD30] =	vst v2  }
0x11d: {  	[tilespmem:$0x1DDB0] =	vst v1  }
0x11e: {  	v1 =	vld [tilespmem:s26+$0xFFFFFFD0];
	_ =	sdelay $0x4  }
0x11f: {  	v2 =	vand.u32 $0x1FFFF, v1  }
0x120: {  	v1 =	vshrl.u32 v1, $0x11;
	[tilespmem:$0x1DD40] =	vst v2  }
0x121: {  	[tilespmem:$0x1DDC0] =	vst v1  }
0x122: {  	v1 =	vld [tilespmem:s26+$0xFFFFFFE0];
	_ =	sdelay $0x4  }
0x123: {  	v2 =	vand.u32 $0x1FFFF, v1  }
0x124: {  	v1 =	vshrl.u32 v1, $0x11;
	[tilespmem:$0x1DD50] =	vst v2  }
0x125: {  	[tilespmem:$0x1DDD0] =	vst v1  }
0x126: {  	v1 =	vld [tilespmem:s26+$0xFFFFFFF0];
	_ =	sdelay $0x4  }
0x127: {  	v2 =	vand.u32 $0x1FFFF, v1  }
0x128: {  	s28 =	simm.s32 $0xBC0;
	v1 =	vshrl.u32 v1, $0x11;
	[tilespmem:$0x1DD60] =	vst v2  }
.LBB2_8:
0x129: {  	p1 =	sne.s32 s28, $0x3BC0;
	[tilespmem:$0x1DDE0] =	vst v1;
	s29 =	smov.u32 s28;
	s28 =	sadd.s32 $0x400, s28  }
0x12a: {  	v1 =	vld [tilespmem:s26+$0x0];
	_ =	sdelay $0x4  }
0x12b: {  	v2 =	vand.u32 $0x1FFFF, v1;
	v1 =	vshrl.u32 v1, $0x11  }
0x12c: {  	[tilespmem:$0x1DD70] =	vst v2  }
0x12d: {  	[tilespmem:$0x1DDF0] =	vst v1  }
0x12e: {  	[tilespmem:s20], [sflag:$0x2] =	stream.indirect.gather [hbm4b:s5+s17], $0x80, s19, s17, $0xb8;
	[tilespmem:$0x1DE00] =	vst v63  }
0x12f: {  	_ =	swait.ge [sflag:s21], $0x4000  }
0x130: {  	[sflag:s21] =	ssyncset.done $0x0  }
0x131: {  	[sflag:s21] =	ssyncadd.s32 $0xFFFFC000  }
0x132: {  	[spmem:s3] =	stream.indirect.scatter.add.f32 [tilespmem:s16], [sflag:$0x3], $0x80, s22, s17, $0xb8;
	[tilespmem:$0x1DE00] =	vst v63  }
0x133: {  	_ =	swait.ge [sflag:s15], $0x4000  }
0x134: {  	[sflag:s15] =	ssyncset.done $0x0  }
0x135: {  	s26 =	sshra.s32 s29, $0x2;
	[sflag:s15] =	ssyncadd.s32 $0xFFFFC000  }
0x136: {  	v1 =	vld [tilespmem:s26+$0xFFFFFF10];
	_ =	sdelay $0x4  }
0x137: {  	v2 =	vand.u32 $0x1FFFF, v1;
	v1 =	vshrl.u32 v1, $0x11  }
0x138: {  	[tilespmem:$0x1DC00] =	vst v2  }
0x139: {  	[tilespmem:$0x1DC80] =	vst v1  }
0x13a: {  	v1 =	vld [tilespmem:s26+$0xFFFFFF20];
	_ =	sdelay $0x4  }
0x13b: {  	v2 =	vand.u32 $0x1FFFF, v1;
	v1 =	vshrl.u32 v1, $0x11  }
0x13c: {  	[tilespmem:$0x1DC10] =	vst v2  }
0x13d: {  	[tilespmem:$0x1DC90] =	vst v1  }
0x13e: {  	v1 =	vld [tilespmem:s26+$0xFFFFFF30];
	_ =	sdelay $0x4  }
0x13f: {  	v2 =	vand.u32 $0x1FFFF, v1;
	v1 =	vshrl.u32 v1, $0x11  }
0x140: {  	[tilespmem:$0x1DC20] =	vst v2  }
0x141: {  	[tilespmem:$0x1DCA0] =	vst v1  }
0x142: {  	v1 =	vld [tilespmem:s26+$0xFFFFFF40];
	_ =	sdelay $0x4  }
0x143: {  	v2 =	vand.u32 $0x1FFFF, v1;
	v1 =	vshrl.u32 v1, $0x11  }
0x144: {  	[tilespmem:$0x1DC30] =	vst v2  }
0x145: {  	[tilespmem:$0x1DCB0] =	vst v1  }
0x146: {  	v1 =	vld [tilespmem:s26+$0xFFFFFF50];
	_ =	sdelay $0x4  }
0x147: {  	v2 =	vand.u32 $0x1FFFF, v1;
	v1 =	vshrl.u32 v1, $0x11  }
0x148: {  	[tilespmem:$0x1DC40] =	vst v2  }
0x149: {  	[tilespmem:$0x1DCC0] =	vst v1  }
0x14a: {  	v1 =	vld [tilespmem:s26+$0xFFFFFF60];
	_ =	sdelay $0x4  }
0x14b: {  	v2 =	vand.u32 $0x1FFFF, v1;
	v1 =	vshrl.u32 v1, $0x11  }
0x14c: {  	[tilespmem:$0x1DC50] =	vst v2  }
0x14d: {  	[tilespmem:$0x1DCD0] =	vst v1  }
0x14e: {  	v1 =	vld [tilespmem:s26+$0xFFFFFF70];
	_ =	sdelay $0x4  }
0x14f: {  	v2 =	vand.u32 $0x1FFFF, v1;
	v1 =	vshrl.u32 v1, $0x11  }
0x150: {  	[tilespmem:$0x1DC60] =	vst v2  }
0x151: {  	[tilespmem:$0x1DCE0] =	vst v1  }
0x152: {  	v1 =	vld [tilespmem:s26+$0xFFFFFF80];
	_ =	sdelay $0x4  }
0x153: {  	v2 =	vand.u32 $0x1FFFF, v1;
	v1 =	vshrl.u32 v1, $0x11  }
0x154: {  	[tilespmem:$0x1DC70] =	vst v2  }
0x155: {  	[tilespmem:$0x1DCF0] =	vst v1  }
0x156: {  	[tilespmem:s16], [sflag:$0x1] =	stream.indirect.gather [hbm4b:s5+s17], $0x80, s18, s17, $0xb8;
	[tilespmem:$0x1DE00] =	vst v63  }
0x157: {  	_ =	swait.ge [sflag:s23], $0x4000  }
0x158: {  	[sflag:s23] =	ssyncset.done $0x0  }
0x159: {  	[sflag:s23] =	ssyncadd.s32 $0xFFFFC000  }
0x15a: {  	[spmem:s3] =	stream.indirect.scatter.add.f32 [tilespmem:s20], [sflag:$0x3], $0x80, s24, s17, $0xb8;
	[tilespmem:$0x1DE00] =	vst v63  }
0x15b: {  	_ =	swait.ge [sflag:s15], $0x4000  }
0x15c: {  	[sflag:s15] =	ssyncset.done $0x0  }
0x15d: {  	[sflag:s15] =	ssyncadd.s32 $0xFFFFC000  }
0x15e: {  	v1 =	vld [tilespmem:s26+$0xFFFFFF90];
	_ =	sdelay $0x4  }
0x15f: {  	v2 =	vand.u32 $0x1FFFF, v1;
	v1 =	vshrl.u32 v1, $0x11  }
0x160: {  	[tilespmem:$0x1DD00] =	vst v2  }
0x161: {  	[tilespmem:$0x1DD80] =	vst v1  }
0x162: {  	v1 =	vld [tilespmem:s26+$0xFFFFFFA0];
	_ =	sdelay $0x4  }
0x163: {  	v2 =	vand.u32 $0x1FFFF, v1;
	v1 =	vshrl.u32 v1, $0x11  }
0x164: {  	[tilespmem:$0x1DD10] =	vst v2  }
0x165: {  	[tilespmem:$0x1DD90] =	vst v1  }
0x166: {  	v1 =	vld [tilespmem:s26+$0xFFFFFFB0];
	_ =	sdelay $0x4  }
0x167: {  	v2 =	vand.u32 $0x1FFFF, v1;
	v1 =	vshrl.u32 v1, $0x11  }
0x168: {  	[tilespmem:$0x1DD20] =	vst v2  }
0x169: {  	[tilespmem:$0x1DDA0] =	vst v1  }
0x16a: {  	v1 =	vld [tilespmem:s26+$0xFFFFFFC0];
	_ =	sdelay $0x4  }
0x16b: {  	v2 =	vand.u32 $0x1FFFF, v1;
	v1 =	vshrl.u32 v1, $0x11  }
0x16c: {  	[tilespmem:$0x1DD30] =	vst v2  }
0x16d: {  	[tilespmem:$0x1DDB0] =	vst v1  }
0x16e: {  	v1 =	vld [tilespmem:s26+$0xFFFFFFD0];
	_ =	sdelay $0x4  }
0x16f: {  	v2 =	vand.u32 $0x1FFFF, v1;
	v1 =	vshrl.u32 v1, $0x11  }
0x170: {  	[tilespmem:$0x1DD40] =	vst v2  }
0x171: {  	[tilespmem:$0x1DDC0] =	vst v1  }
0x172: {  	v1 =	vld [tilespmem:s26+$0xFFFFFFE0];
	_ =	sdelay $0x4  }
0x173: {  	v2 =	vand.u32 $0x1FFFF, v1;
	v1 =	vshrl.u32 v1, $0x11  }
0x174: {  	[tilespmem:$0x1DD50] =	vst v2  }
0x175: {  	[tilespmem:$0x1DDD0] =	vst v1  }
0x176: {  	v1 =	vld [tilespmem:s26+$0xFFFFFFF0];
	_ =	sdelay $0x1  }
.Ltmp6:
0x177: {  	(pc) =	sbr.rel @p1 .LBB2_8-.Ltmp6, $3  }
0x178: {  	_ =	sdelay $0x1  }
0x179: {  	v2 =	vand.u32 $0x1FFFF, v1;
	v1 =	vshrl.u32 v1, $0x11  }
0x17a: {  	[tilespmem:$0x1DD60] =	vst v2  }
.Ltmp7:
0x17b: {  	_ = 	snop;
	(pc) =	sbr.rel .LBB2_9-.Ltmp7, $1  }
0x17c: {  	_ =	sdelay $0x3  }
.LBB2_11:
0x17d: {  	_ =	sfence.sel $0x180000  }
0x17e: {  	[bflag:$0x0] =	sbarrier.arrive $0xFFFF  }
0x17f: {  	p0 =	sne.s32 s1, $0x0;
	_ =	strace $0x90000047  }
0x180: {  	s0 =	sadd.s32 @!p0 $0x100000, s0;
	[bflag:$0x2] =	sbarrier.arrive $0xFFFF  }
0x181: {  	[sflag:s0] =	ssyncadd.tile.s32 @!p0 $0x1;
	_ =	shalt  }
.Lfunc_end2:
_tile_overlayer_lowered:
.L_overlay_start_2:
0x182: {  	(tag) =	ssettag $0x2  }
0x183: {  	s0 =	rddreg [dreg:$0x0];
	s2 =	stileid.u32  }
0x184: {  	s1 =	rddreg [dreg:$0x1];
	p0 =	sne.s32 s2, $0x0  }
0x185: {  	s3 =	rddreg [dreg:$0x2];
	[bflag:$0x3] =	sbarrier.arrive $0xFFFF;
	s2 =	simm.s32 @!p0 $0x1C03  }
0x186: {  	[timem:s3], [sflag:s2] =	dma.local @!p0 [hbm:s0], s1  }
0x187: {  	s0 =	simm.s32 @!p0 $0x3  }
0x188: {  	_ =	swait.ge @!p0 [sflag:s0], s1  }
0x189: {  	s1 =	ssub.s32 @!p0 $0x0, s1;
	[sflag:s0] =	ssyncset.done @!p0 $0x0  }
0x18a: {  	[sflag:s0] =	ssyncadd.s32 @!p0 s1  }
0x18b: {  	[bflag:$0x3] =	sbarrier.arrive $0xFFFF  }
0x18c: {  	_ =	shalt  }

</sc_bundles>
